<compile_context>
chip_gen: v7x
topology: tpu7x:2x2x1
jax: 0.10.2.dev20260603
libtpu: 0.0.44.dev20260713+nightly
codegen_flags: <defaults>
</compile_context>

<pallas_src>
import functools

import jax
import jax.numpy as jnp
from jax import lax
from jax.experimental import pallas as pl
from jax.experimental.pallas import tpu as pltpu
from jax.experimental.pallas import tpu_sc as plsc

_C = 128
_NC = 2
_NS = 16
_NW = _NC * _NS


def _sc_phase1(n, m_pad, d, nnz):
    nchunk = nnz // _C
    m_per_tile = m_pad // _NS
    assert m_per_tile == _C

    mesh = plsc.VectorSubcoreMesh(core_axis_name="c", subcore_axis_name="s", num_cores=_NC, num_subcores=_NS)

    @functools.partial(
        pl.kernel,
        mesh=mesh,
        compiler_params=pltpu.CompilerParams(needs_layout_passes=False),
        out_type=(
            jax.ShapeDtypeStruct((_NC, m_pad, d), jnp.float32),
            jax.ShapeDtypeStruct((_NC, 16, d), jnp.float32),
        ),
        scratch_types=[
            pltpu.VMEM((_C,), jnp.int32),
            pltpu.VMEM((_C,), jnp.int32),
            pltpu.VMEM((_C, d), jnp.float32),
            pltpu.VMEM((_C,), jnp.int32),
            pltpu.VMEM((_C,), jnp.int32),
            pltpu.VMEM((_C, d), jnp.float32),
            pltpu.VMEM((16, m_pad), jnp.float32),
            pltpu.VMEM((16, d), jnp.float32),
            pltpu.VMEM((16,), jnp.int32),
            pltpu.VMEM_SHARED((m_pad, d), jnp.float32),
            pltpu.VMEM_SHARED((16, d), jnp.float32),
            pltpu.SemaphoreType.DMA,
            pltpu.SemaphoreType.DMA,
        ],
    )
    def k(x_hbm, vtx_hbm, edg_hbm, seg_out, cnt_out,
          vidx, eidx, rows, vidx2, eidx2, rows2, cnt_lanes, cnt_merge, idx16,
          seg_acc, cnt_sh, sem, sem2):
        c = lax.axis_index("c")
        s = lax.axis_index("s")
        wid = c * _NS + s

        zeros_v = jnp.zeros((16,), jnp.float32)
        ones_v = jnp.ones((16,), jnp.float32)
        lane = lax.iota(jnp.int32, 16)

        @pl.loop(0, _C)
        def _fill(i):
            for j in range(d // 16):
                rows[i, pl.ds(j * 16, 16)] = zeros_v

        @pl.loop(0, 16)
        def _fill2(i):
            for j in range(m_pad // 16):
                cnt_lanes[i, pl.ds(j * 16, 16)] = zeros_v
        idx16[...] = lane

        rsl = pl.ds(s * m_per_tile, m_per_tile)
        pltpu.sync_copy(rows.at[pl.ds(0, m_per_tile)], seg_acc.at[rsl])

        @pl.when(s == 0)
        def _():
            pltpu.sync_copy(rows.at[pl.ds(0, 16)], cnt_sh)
        plsc.subcore_barrier()

        def _hist(ei):
            for q in range(_C // 16):
                v = ei[pl.ds(q * 16, 16)]
                plsc.addupdate_scatter(cnt_lanes, [lane, v], ones_v)

        @pl.loop(wid, nchunk, step=2 * _NW)
        def _chunk(kk):
            base = kk * _C
            pltpu.sync_copy(vtx_hbm.at[pl.ds(base, _C)], vidx)
            pltpu.sync_copy(edg_hbm.at[pl.ds(base, _C)], eidx)
            cpa = pltpu.async_copy(x_hbm.at[vidx], rows, sem)
            kk2 = kk + _NW

            @pl.when(kk2 < nchunk)
            def _():
                base2 = kk2 * _C
                pltpu.sync_copy(vtx_hbm.at[pl.ds(base2, _C)], vidx2)
                pltpu.sync_copy(edg_hbm.at[pl.ds(base2, _C)], eidx2)
                pltpu.async_copy(x_hbm.at[vidx2], rows2, sem2)

            cpa.wait()
            pltpu.sync_copy(rows, seg_acc.at[eidx], add=True)
            _hist(eidx)

            @pl.when(kk2 < nchunk)
            def _():
                pltpu.make_async_copy(x_hbm.at[vidx2], rows2, sem2).wait()
                pltpu.sync_copy(rows2, seg_acc.at[eidx2], add=True)
                _hist(eidx2)

        @pl.loop(0, m_pad // 16)
        def _merge(j):
            col = pl.ds(j * 16, 16)
            acc = cnt_lanes[0, col]
            for l in range(1, 16):
                acc += cnt_lanes[l, col]
            cnt_merge[j >> 3, pl.ds((j & 7) * 16, 16)] = acc

        pltpu.sync_copy(cnt_merge, cnt_sh.at[idx16], add=True)
        plsc.subcore_barrier()
        pltpu.sync_copy(seg_acc.at[rsl], seg_out.at[c, rsl])

        @pl.when(s == 0)
        def _():
            pltpu.sync_copy(cnt_sh, cnt_out.at[c])

    return k


def _sc_phase2(n_pad, d, nnz):
    nchunk = nnz // _C
    n_per_tile = n_pad // _NS
    assert n_per_tile % 8 == 0
    zsizes = [min(_C, n_per_tile - q * _C)
              for q in range((n_per_tile + _C - 1) // _C)]

    mesh = plsc.VectorSubcoreMesh(core_axis_name="c", subcore_axis_name="s", num_cores=_NC, num_subcores=_NS)

    @functools.partial(
        pl.kernel,
        mesh=mesh,
        compiler_params=pltpu.CompilerParams(needs_layout_passes=False),
        out_type=jax.ShapeDtypeStruct((_NC, n_pad, d), jnp.float32),
        scratch_types=[
            pltpu.VMEM((_C,), jnp.int32),
            pltpu.VMEM((_C,), jnp.int32),
            pltpu.VMEM((_C, d), jnp.float32),
            pltpu.VMEM((_C,), jnp.int32),
            pltpu.VMEM((_C,), jnp.int32),
            pltpu.VMEM((_C, d), jnp.float32),
            pltpu.VMEM_SHARED((2048, d), jnp.float32),
            pltpu.VMEM_SHARED((n_pad, d), jnp.float32),
            pltpu.SemaphoreType.DMA,
            pltpu.SemaphoreType.DMA,
        ],
    )
    def k(xe_hbm, vtx_hbm, edg_hbm, xv_out, vidx, eidx, rows,
          vidx2, eidx2, rows2, xe_sp, xv_acc, sem, sem2):
        c = lax.axis_index("c")
        s = lax.axis_index("s")
        wid = c * _NS + s

        zeros_v = jnp.zeros((16,), jnp.float32)

        @pl.loop(0, _C)
        def _fill(i):
            for j in range(d // 16):
                rows[i, pl.ds(j * 16, 16)] = zeros_v

        for q, zsz in enumerate(zsizes):
            pltpu.sync_copy(
                rows.at[pl.ds(0, zsz)],
                xv_acc.at[pl.ds(s * n_per_tile + q * _C, zsz)])
        pltpu.sync_copy(xe_hbm.at[pl.ds(s * 128, 128)], xe_sp.at[pl.ds(s * 128, 128)])
        plsc.subcore_barrier()

        @pl.loop(wid, nchunk, step=2 * _NW)
        def _chunk(kk):
            base = kk * _C
            pltpu.sync_copy(vtx_hbm.at[pl.ds(base, _C)], vidx)
            pltpu.sync_copy(edg_hbm.at[pl.ds(base, _C)], eidx)
            cpa = pltpu.async_copy(xe_sp.at[eidx], rows, sem)
            kk2 = kk + _NW

            @pl.when(kk2 < nchunk)
            def _():
                base2 = kk2 * _C
                pltpu.sync_copy(vtx_hbm.at[pl.ds(base2, _C)], vidx2)
                pltpu.sync_copy(edg_hbm.at[pl.ds(base2, _C)], eidx2)
                pltpu.async_copy(xe_sp.at[eidx2], rows2, sem2)

            cpa.wait()
            pltpu.sync_copy(rows, xv_acc.at[vidx], add=True)

            @pl.when(kk2 < nchunk)
            def _():
                pltpu.make_async_copy(xe_sp.at[eidx2], rows2, sem2).wait()
                pltpu.sync_copy(rows2, xv_acc.at[vidx2], add=True)

        plsc.subcore_barrier()
        rsl = pl.ds(s * n_per_tile, n_per_tile)
        pltpu.sync_copy(xv_acc.at[rsl], xv_out.at[c, rsl])

    return k


def _tc_hsums(n, m, rb):
    def body(h_ref, rowsum_ref, colsum_ref):
        i = pl.program_id(0)
        blk = h_ref[...]
        rowsum_ref[...] = jnp.sum(blk, axis=1, keepdims=True)

        @pl.when(i == 0)
        def _():
            colsum_ref[...] = jnp.zeros_like(colsum_ref)

        colsum_ref[...] += jnp.sum(blk, axis=0)

    return pl.pallas_call(
        body,
        grid=(n // rb,),
        in_specs=[pl.BlockSpec((rb, m), lambda i: (i, 0))],
        out_specs=[pl.BlockSpec((rb, 1), lambda i: (i, 0)),
                   pl.BlockSpec((m,), lambda i: (0,))],
        out_shape=[jax.ShapeDtypeStruct((n, 1), jnp.float32),
                   jax.ShapeDtypeStruct((m,), jnp.float32)],
    )


def _tc_normalize(m_pad, d):
    def body(seg_ref, cnt_ref, colsum_ref, xe_ref):
        seg = seg_ref[0] + seg_ref[1]
        cnt = cnt_ref[0] + cnt_ref[1]
        dege = lax.rsqrt(colsum_ref[...])
        scale = dege / jnp.maximum(cnt, 1.0)
        xe_ref[...] = seg * scale[:, None]

    return pl.pallas_call(
        body,
        out_shape=jax.ShapeDtypeStruct((m_pad, d), jnp.float32),
    )


def _tc_final(n, d, rb):
    def body(p_ref, rowsum_ref, x0_ref, w_ref, out_ref):
        xv = p_ref[0] + p_ref[1]
        rs = rowsum_ref[...]
        degv = jnp.where(rs == 0.0, 1.0, lax.rsqrt(rs))
        xi = 0.9 * xv * degv + 0.1 * x0_ref[...]
        xw = lax.dot_general(xi, w_ref[...], (((1,), (1,)), ((), ())),
                             preferred_element_type=jnp.float32)
        out_ref[...] = 0.2 * xi + 0.8 * xw

    return pl.pallas_call(
        body,
        grid=(n // rb,),
        in_specs=[pl.BlockSpec((_NC, rb, d), lambda i: (0, i, 0)),
                  pl.BlockSpec((rb, 1), lambda i: (i, 0)),
                  pl.BlockSpec((rb, d), lambda i: (i, 0)),
                  pl.BlockSpec((d, d), lambda i: (0, 0))],
        out_specs=pl.BlockSpec((rb, d), lambda i: (i, 0)),
        out_shape=jax.ShapeDtypeStruct((n, d), jnp.float32),
    )


def kernel(X, vertex, edges, X0, H, W):
    n, d = X.shape
    m = H.shape[1]
    nnz = vertex.shape[0]

    vtx = vertex.astype(jnp.int32)
    edg = edges.astype(jnp.int32)

    m_pad = ((m + 127) // 128) * 128
    n_pad = ((n + _NS * 8 - 1) // (_NS * 8)) * (_NS * 8)

    rowsum, colsum = _tc_hsums(n, m, rb=1000)(H)
    colsum_p = jnp.concatenate(
        [colsum, jnp.ones((m_pad - m,), jnp.float32)])
    seg_p, cnt_p = _sc_phase1(n, m_pad, d, nnz)(X, vtx, edg)
    xe = _tc_normalize(m_pad, d)(seg_p, cnt_p.reshape(_NC, m_pad), colsum_p)
    xv_p = _sc_phase2(n_pad, d, nnz)(xe, vtx, edg)
    out = _tc_final(n, d, rb=1000)(xv_p, rowsum, X0, W)
    return out

# --- scband reference (transcript-rebuilt; emitter-appended) ---
"""Pipeline reference for scband-uni-gcniiconv-81020263071818 (READ-ONLY COPY).

The authoritative reference and input builder live on the scoring server;
editing this copy changes nothing except your own understanding.
"""

import jax, jax.numpy as jnp
import numpy as np

N = 10000
M = 2000
NNZ = 320000
D = 128

def setup_inputs(seed: int = 0) -> dict:
    key = jax.random.key(seed)
    k1, k2, k3, k4, k5, k6 = jax.random.split(key, 6)
    X = jax.random.normal(k1, (N, D), dtype=jnp.float32)
    vertex = jax.random.randint(k2, (NNZ,), 0, N, dtype=jnp.int64)
    edges = jax.random.randint(k3, (NNZ,), 0, M, dtype=jnp.int64)
    X0 = jax.random.normal(k4, (N, D), dtype=jnp.float32)
    H = jax.random.uniform(k5, (N, M), dtype=jnp.float32)
    # nn.Linear(in_features=128, out_features=128, bias=False) weight: [out, in]
    W = jax.random.normal(k6, (D, D), dtype=jnp.float32) * (1.0 / np.sqrt(D))
    return {"X": X, "vertex": vertex, "edges": edges, "X0": X0, "H": H, "W": W}

def reference(X, vertex, edges, X0, H, W):
    alpha = 0.1
    beta = 0.8
    n = X.shape[0]
    m = H.shape[1]
    degV = jnp.power(jnp.sum(H, axis=1), -0.5)
    degV = jnp.where(jnp.isinf(degV), 1.0, degV)
    degV = degV[:, None]
    degE = jnp.power(jnp.sum(H, axis=0), -0.5)
    degE = degE[:, None]
    # gather node features to incidence entries
    Xve = X[vertex]
    # scatter-mean into hyperedges
    seg_sum = jax.ops.segment_sum(Xve, edges, num_segments=m)
    counts = jax.ops.segment_sum(jnp.ones((vertex.shape[0],), dtype=X.dtype), edges, num_segments=m)
    Xe = seg_sum / jnp.maximum(counts, 1.0)[:, None]
    Xe = Xe * degE
    # gather hyperedge features back to incidence entries
    Xev = Xe[edges]
    # scatter-sum into nodes
    Xv = jax.ops.segment_sum(Xev, vertex, num_segments=n)
    Xv = Xv * degV
    Xi = (1.0 - alpha) * Xv + alpha * X0
    out = (1.0 - beta) * Xi + beta * (Xi @ W.T)
    return out

if __name__ == "__main__":
    import jax
    _d = setup_inputs()
    print(jax.jit(kernel)(*tuple(_d.values())))

</pallas_src>

<mosaic_0001>
#map = affine_map<(d0, d1) -> (0, 0)>
#map1 = affine_map<(d0, d1) -> (0)>
#map2 = affine_map<(d0, d1) -> (0, 0, 0)>
module attributes {stable_mosaic.version = 14 : i64} {
  func.func @k(%arg0: i32, %arg1: i32, %arg2: memref<2048x128xf32, #tpu.memory_space<hbm>>, %arg3: memref<320000xi32, #tpu.memory_space<hbm>>, %arg4: memref<320000xi32, #tpu.memory_space<hbm>>, %arg5: memref<2x10112x128xf32, #tpu.memory_space<hbm>>, %arg6: memref<128xi32, #tpu.memory_space<vmem>>, %arg7: memref<128xi32, #tpu.memory_space<vmem>>, %arg8: memref<128x128xf32, #tpu.memory_space<vmem>>, %arg9: memref<128xi32, #tpu.memory_space<vmem>>, %arg10: memref<128xi32, #tpu.memory_space<vmem>>, %arg11: memref<128x128xf32, #tpu.memory_space<vmem>>, %arg12: memref<2048x128xf32, #tpu.memory_space<vmem_shared>>, %arg13: memref<10112x128xf32, #tpu.memory_space<vmem_shared>>, %arg14: memref<!tpu.dma_semaphore, #tpu.memory_space<semaphore_mem>>, %arg15: memref<!tpu.dma_semaphore, #tpu.memory_space<semaphore_mem>>) attributes {dimension_semantics = [#tpu.dimension_semantics<core_parallel>, #tpu.dimension_semantics<subcore_parallel>], iteration_bounds = array<i64: 2, 16>, scalar_prefetch = 0 : i64, scratch_operands = 10 : i64, tpu.core_type = #tpu.core_type<sc_vector_subcore>, window_params = [{transform_indices = #map}, {transform_indices = #map1}, {transform_indices = #map1}, {transform_indices = #map2}]} {
    %mul3A = arith.constant 16 : i32
    %mul3A_0 = arith.muli %arg0, %mul3A : i32
    %add3A = arith.addi %mul3A_0, %arg1 : i32
    %broadcast_in_dim3A = arith.constant 0.000000e+00 : f32
    %broadcast_in_dim3A_1 = vector.broadcast %broadcast_in_dim3A : f32 to vector<16xf32>
    %scan3A = arith.constant 0 : i32
    %scan3A_2 = arith.constant 128 : i32
    %scan3A_3 = arith.addi %scan3A, %scan3A_2 : i32
    %scan3A_4 = arith.constant 1 : i32
    scf.for %scan3A_48 = %scan3A to %scan3A_3 step %scan3A_4  : i32 {
      %mul3A_49 = arith.constant 1 : i32
      %mul3A_50 = arith.muli %scan3A_48, %mul3A_49 : i32
      %add3A_51 = arith.constant 0 : i32
      %add3A_52 = arith.addi %add3A_51, %mul3A_50 : i32
      %swap3A = arith.index_cast %add3A_52 : i32 to index
      %swap3A_53 = arith.constant 0 : index
      %swap3A_54 = tpu.vector_load %arg8[%swap3A, %swap3A_53] {strides = array<i32>} : memref<128x128xf32, #tpu.memory_space<vmem>>, vector<16xf32>,
      tpu.vector_store %arg8[%swap3A, %swap3A_53], %broadcast_in_dim3A_1 {strides = array<i32>} : memref<128x128xf32, #tpu.memory_space<vmem>>, vector<16xf32>,
      %swap3A_55 = arith.index_cast %add3A_52 : i32 to index
      %swap3A_56 = arith.constant 16 : index
      %swap3A_57 = tpu.vector_load %arg8[%swap3A_55, %swap3A_56] {strides = array<i32>} : memref<128x128xf32, #tpu.memory_space<vmem>>, vector<16xf32>,
      tpu.vector_store %arg8[%swap3A_55, %swap3A_56], %broadcast_in_dim3A_1 {strides = array<i32>} : memref<128x128xf32, #tpu.memory_space<vmem>>, vector<16xf32>,
      %swap3A_58 = arith.index_cast %add3A_52 : i32 to index
      %swap3A_59 = arith.constant 32 : index
      %swap3A_60 = tpu.vector_load %arg8[%swap3A_58, %swap3A_59] {strides = array<i32>} : memref<128x128xf32, #tpu.memory_space<vmem>>, vector<16xf32>,
      tpu.vector_store %arg8[%swap3A_58, %swap3A_59], %broadcast_in_dim3A_1 {strides = array<i32>} : memref<128x128xf32, #tpu.memory_space<vmem>>, vector<16xf32>,
      %swap3A_61 = arith.index_cast %add3A_52 : i32 to index
      %swap3A_62 = arith.constant 48 : index
      %swap3A_63 = tpu.vector_load %arg8[%swap3A_61, %swap3A_62] {strides = array<i32>} : memref<128x128xf32, #tpu.memory_space<vmem>>, vector<16xf32>,
      tpu.vector_store %arg8[%swap3A_61, %swap3A_62], %broadcast_in_dim3A_1 {strides = array<i32>} : memref<128x128xf32, #tpu.memory_space<vmem>>, vector<16xf32>,
      %swap3A_64 = arith.index_cast %add3A_52 : i32 to index
      %swap3A_65 = arith.constant 64 : index
      %swap3A_66 = tpu.vector_load %arg8[%swap3A_64, %swap3A_65] {strides = array<i32>} : memref<128x128xf32, #tpu.memory_space<vmem>>, vector<16xf32>,
      tpu.vector_store %arg8[%swap3A_64, %swap3A_65], %broadcast_in_dim3A_1 {strides = array<i32>} : memref<128x128xf32, #tpu.memory_space<vmem>>, vector<16xf32>,
      %swap3A_67 = arith.index_cast %add3A_52 : i32 to index
      %swap3A_68 = arith.constant 80 : index
      %swap3A_69 = tpu.vector_load %arg8[%swap3A_67, %swap3A_68] {strides = array<i32>} : memref<128x128xf32, #tpu.memory_space<vmem>>, vector<16xf32>,
      tpu.vector_store %arg8[%swap3A_67, %swap3A_68], %broadcast_in_dim3A_1 {strides = array<i32>} : memref<128x128xf32, #tpu.memory_space<vmem>>, vector<16xf32>,
      %swap3A_70 = arith.index_cast %add3A_52 : i32 to index
      %swap3A_71 = arith.constant 96 : index
      %swap3A_72 = tpu.vector_load %arg8[%swap3A_70, %swap3A_71] {strides = array<i32>} : memref<128x128xf32, #tpu.memory_space<vmem>>, vector<16xf32>,
      tpu.vector_store %arg8[%swap3A_70, %swap3A_71], %broadcast_in_dim3A_1 {strides = array<i32>} : memref<128x128xf32, #tpu.memory_space<vmem>>, vector<16xf32>,
      %swap3A_73 = arith.index_cast %add3A_52 : i32 to index
      %swap3A_74 = arith.constant 112 : index
      %swap3A_75 = tpu.vector_load %arg8[%swap3A_73, %swap3A_74] {strides = array<i32>} : memref<128x128xf32, #tpu.memory_space<vmem>>, vector<16xf32>,
      tpu.vector_store %arg8[%swap3A_73, %swap3A_74], %broadcast_in_dim3A_1 {strides = array<i32>} : memref<128x128xf32, #tpu.memory_space<vmem>>, vector<16xf32>,
    }
    %scan3A_5 = arith.constant 128 : i32
    %mul3A_6 = arith.constant 632 : i32
    %mul3A_7 = arith.muli %arg1, %mul3A_6 : i32
    %add3A_8 = arith.constant 0 : i32
    %add3A_9 = arith.addi %mul3A_7, %add3A_8 : i32
    "tpu.region"() ({
      %run_scoped3A = tpu.sem_alloc : memref<!tpu.dma_semaphore, #tpu.memory_space<semaphore_mem>>
      %dma_start3A = arith.constant 0 : i32
      %dma_start3A_48 = arith.constant 0 : i32
      %dma_start3A_49 = tpu.memref_slice %arg8[%dma_start3A, %dma_start3A_48] : memref<128x128xf32, #tpu.memory_space<vmem>> -> memref<128x128xf32, #tpu.memory_space<vmem>>
      %dma_start3A_50 = arith.constant 0 : i32
      %dma_start3A_51 = tpu.memref_slice %arg13[%add3A_9, %dma_start3A_50] : memref<10112x128xf32, #tpu.memory_space<vmem_shared>> -> memref<128x128xf32, #tpu.memory_space<vmem_shared>>
      %dma_start3A_52 = arith.constant 0 : i32
      %dma_start3A_53 = tpu.memref_slice %arg13[%add3A_9, %dma_start3A_52] : memref<10112x128xf32, #tpu.memory_space<vmem_shared>> -> memref<128x128xf32, #tpu.memory_space<vmem_shared>>
      %dma_start3A_54 = arith.constant 0 : i32
      %dma_start3A_55 = arith.constant 0 : i32
      %dma_start3A_56 = tpu.memref_slice %arg8[%dma_start3A_54, %dma_start3A_55] : memref<128x128xf32, #tpu.memory_space<vmem>> -> memref<128x128xf32, #tpu.memory_space<vmem>>
      tpu.enqueue_dma source(%dma_start3A_56 : memref<128x128xf32, #tpu.memory_space<vmem>>) target(%dma_start3A_53 : memref<128x128xf32, #tpu.memory_space<vmem_shared>>) target_semaphore(%run_scoped3A : memref<!tpu.dma_semaphore, #tpu.memory_space<semaphore_mem>>)
      %dma_wait3A = arith.constant 0 : i32
      %dma_wait3A_57 = arith.constant 0 : i32
      %dma_wait3A_58 = tpu.memref_slice %arg8[%dma_wait3A, %dma_wait3A_57] : memref<128x128xf32, #tpu.memory_space<vmem>> -> memref<128x128xf32, #tpu.memory_space<vmem>>
      %dma_wait3A_59 = arith.constant 0 : i32
      %dma_wait3A_60 = tpu.memref_slice %arg13[%add3A_9, %dma_wait3A_59] : memref<10112x128xf32, #tpu.memory_space<vmem_shared>> -> memref<128x128xf32, #tpu.memory_space<vmem_shared>>
      %dma_wait3A_61 = arith.constant 0 : i32
      %dma_wait3A_62 = tpu.memref_slice %arg13[%add3A_9, %dma_wait3A_61] : memref<10112x128xf32, #tpu.memory_space<vmem_shared>> -> memref<128x128xf32, #tpu.memory_space<vmem_shared>>
      %dma_wait3A_63 = arith.constant 0 : i32
      %dma_wait3A_64 = arith.constant 0 : i32
      %dma_wait3A_65 = tpu.memref_slice %arg8[%dma_wait3A_63, %dma_wait3A_64] : memref<128x128xf32, #tpu.memory_space<vmem>> -> memref<128x128xf32, #tpu.memory_space<vmem>>
      tpu.wait_dma2 semaphore(%run_scoped3A : memref<!tpu.dma_semaphore, #tpu.memory_space<semaphore_mem>>) src(%dma_wait3A_65 : memref<128x128xf32, #tpu.memory_space<vmem>>) dst(%dma_wait3A_62 : memref<128x128xf32, #tpu.memory_space<vmem_shared>>)
      tpu.yield
    }) : () -> ()
    %mul3A_10 = arith.constant 632 : i32
    %mul3A_11 = arith.muli %arg1, %mul3A_10 : i32
    %add3A_12 = arith.constant 128 : i32
    %add3A_13 = arith.addi %mul3A_11, %add3A_12 : i32
    "tpu.region"() ({
      %run_scoped3A = tpu.sem_alloc : memref<!tpu.dma_semaphore, #tpu.memory_space<semaphore_mem>>
      %dma_start3A = arith.constant 0 : i32
      %dma_start3A_48 = arith.constant 0 : i32
      %dma_start3A_49 = tpu.memref_slice %arg8[%dma_start3A, %dma_start3A_48] : memref<128x128xf32, #tpu.memory_space<vmem>> -> memref<128x128xf32, #tpu.memory_space<vmem>>
      %dma_start3A_50 = arith.constant 0 : i32
      %dma_start3A_51 = tpu.memref_slice %arg13[%add3A_13, %dma_start3A_50] : memref<10112x128xf32, #tpu.memory_space<vmem_shared>> -> memref<128x128xf32, #tpu.memory_space<vmem_shared>>
      %dma_start3A_52 = arith.constant 0 : i32
      %dma_start3A_53 = tpu.memref_slice %arg13[%add3A_13, %dma_start3A_52] : memref<10112x128xf32, #tpu.memory_space<vmem_shared>> -> memref<128x128xf32, #tpu.memory_space<vmem_shared>>
      %dma_start3A_54 = arith.constant 0 : i32
      %dma_start3A_55 = arith.constant 0 : i32
      %dma_start3A_56 = tpu.memref_slice %arg8[%dma_start3A_54, %dma_start3A_55] : memref<128x128xf32, #tpu.memory_space<vmem>> -> memref<128x128xf32, #tpu.memory_space<vmem>>
      tpu.enqueue_dma source(%dma_start3A_56 : memref<128x128xf32, #tpu.memory_space<vmem>>) target(%dma_start3A_53 : memref<128x128xf32, #tpu.memory_space<vmem_shared>>) target_semaphore(%run_scoped3A : memref<!tpu.dma_semaphore, #tpu.memory_space<semaphore_mem>>)
      %dma_wait3A = arith.constant 0 : i32
      %dma_wait3A_57 = arith.constant 0 : i32
      %dma_wait3A_58 = tpu.memref_slice %arg8[%dma_wait3A, %dma_wait3A_57] : memref<128x128xf32, #tpu.memory_space<vmem>> -> memref<128x128xf32, #tpu.memory_space<vmem>>
      %dma_wait3A_59 = arith.constant 0 : i32
      %dma_wait3A_60 = tpu.memref_slice %arg13[%add3A_13, %dma_wait3A_59] : memref<10112x128xf32, #tpu.memory_space<vmem_shared>> -> memref<128x128xf32, #tpu.memory_space<vmem_shared>>
      %dma_wait3A_61 = arith.constant 0 : i32
      %dma_wait3A_62 = tpu.memref_slice %arg13[%add3A_13, %dma_wait3A_61] : memref<10112x128xf32, #tpu.memory_space<vmem_shared>> -> memref<128x128xf32, #tpu.memory_space<vmem_shared>>
      %dma_wait3A_63 = arith.constant 0 : i32
      %dma_wait3A_64 = arith.constant 0 : i32
      %dma_wait3A_65 = tpu.memref_slice %arg8[%dma_wait3A_63, %dma_wait3A_64] : memref<128x128xf32, #tpu.memory_space<vmem>> -> memref<128x128xf32, #tpu.memory_space<vmem>>
      tpu.wait_dma2 semaphore(%run_scoped3A : memref<!tpu.dma_semaphore, #tpu.memory_space<semaphore_mem>>) src(%dma_wait3A_65 : memref<128x128xf32, #tpu.memory_space<vmem>>) dst(%dma_wait3A_62 : memref<128x128xf32, #tpu.memory_space<vmem_shared>>)
      tpu.yield
    }) : () -> ()
    %mul3A_14 = arith.constant 632 : i32
    %mul3A_15 = arith.muli %arg1, %mul3A_14 : i32
    %add3A_16 = arith.constant 256 : i32
    %add3A_17 = arith.addi %mul3A_15, %add3A_16 : i32
    "tpu.region"() ({
      %run_scoped3A = tpu.sem_alloc : memref<!tpu.dma_semaphore, #tpu.memory_space<semaphore_mem>>
      %dma_start3A = arith.constant 0 : i32
      %dma_start3A_48 = arith.constant 0 : i32
      %dma_start3A_49 = tpu.memref_slice %arg8[%dma_start3A, %dma_start3A_48] : memref<128x128xf32, #tpu.memory_space<vmem>> -> memref<128x128xf32, #tpu.memory_space<vmem>>
      %dma_start3A_50 = arith.constant 0 : i32
      %dma_start3A_51 = tpu.memref_slice %arg13[%add3A_17, %dma_start3A_50] : memref<10112x128xf32, #tpu.memory_space<vmem_shared>> -> memref<128x128xf32, #tpu.memory_space<vmem_shared>>
      %dma_start3A_52 = arith.constant 0 : i32
      %dma_start3A_53 = tpu.memref_slice %arg13[%add3A_17, %dma_start3A_52] : memref<10112x128xf32, #tpu.memory_space<vmem_shared>> -> memref<128x128xf32, #tpu.memory_space<vmem_shared>>
      %dma_start3A_54 = arith.constant 0 : i32
      %dma_start3A_55 = arith.constant 0 : i32
      %dma_start3A_56 = tpu.memref_slice %arg8[%dma_start3A_54, %dma_start3A_55] : memref<128x128xf32, #tpu.memory_space<vmem>> -> memref<128x128xf32, #tpu.memory_space<vmem>>
      tpu.enqueue_dma source(%dma_start3A_56 : memref<128x128xf32, #tpu.memory_space<vmem>>) target(%dma_start3A_53 : memref<128x128xf32, #tpu.memory_space<vmem_shared>>) target_semaphore(%run_scoped3A : memref<!tpu.dma_semaphore, #tpu.memory_space<semaphore_mem>>)
      %dma_wait3A = arith.constant 0 : i32
      %dma_wait3A_57 = arith.constant 0 : i32
      %dma_wait3A_58 = tpu.memref_slice %arg8[%dma_wait3A, %dma_wait3A_57] : memref<128x128xf32, #tpu.memory_space<vmem>> -> memref<128x128xf32, #tpu.memory_space<vmem>>
      %dma_wait3A_59 = arith.constant 0 : i32
      %dma_wait3A_60 = tpu.memref_slice %arg13[%add3A_17, %dma_wait3A_59] : memref<10112x128xf32, #tpu.memory_space<vmem_shared>> -> memref<128x128xf32, #tpu.memory_space<vmem_shared>>
      %dma_wait3A_61 = arith.constant 0 : i32
      %dma_wait3A_62 = tpu.memref_slice %arg13[%add3A_17, %dma_wait3A_61] : memref<10112x128xf32, #tpu.memory_space<vmem_shared>> -> memref<128x128xf32, #tpu.memory_space<vmem_shared>>
      %dma_wait3A_63 = arith.constant 0 : i32
      %dma_wait3A_64 = arith.constant 0 : i32
      %dma_wait3A_65 = tpu.memref_slice %arg8[%dma_wait3A_63, %dma_wait3A_64] : memref<128x128xf32, #tpu.memory_space<vmem>> -> memref<128x128xf32, #tpu.memory_space<vmem>>
      tpu.wait_dma2 semaphore(%run_scoped3A : memref<!tpu.dma_semaphore, #tpu.memory_space<semaphore_mem>>) src(%dma_wait3A_65 : memref<128x128xf32, #tpu.memory_space<vmem>>) dst(%dma_wait3A_62 : memref<128x128xf32, #tpu.memory_space<vmem_shared>>)
      tpu.yield
    }) : () -> ()
    %mul3A_18 = arith.constant 632 : i32
    %mul3A_19 = arith.muli %arg1, %mul3A_18 : i32
    %add3A_20 = arith.constant 384 : i32
    %add3A_21 = arith.addi %mul3A_19, %add3A_20 : i32
    "tpu.region"() ({
      %run_scoped3A = tpu.sem_alloc : memref<!tpu.dma_semaphore, #tpu.memory_space<semaphore_mem>>
      %dma_start3A = arith.constant 0 : i32
      %dma_start3A_48 = arith.constant 0 : i32
      %dma_start3A_49 = tpu.memref_slice %arg8[%dma_start3A, %dma_start3A_48] : memref<128x128xf32, #tpu.memory_space<vmem>> -> memref<128x128xf32, #tpu.memory_space<vmem>>
      %dma_start3A_50 = arith.constant 0 : i32
      %dma_start3A_51 = tpu.memref_slice %arg13[%add3A_21, %dma_start3A_50] : memref<10112x128xf32, #tpu.memory_space<vmem_shared>> -> memref<128x128xf32, #tpu.memory_space<vmem_shared>>
      %dma_start3A_52 = arith.constant 0 : i32
      %dma_start3A_53 = tpu.memref_slice %arg13[%add3A_21, %dma_start3A_52] : memref<10112x128xf32, #tpu.memory_space<vmem_shared>> -> memref<128x128xf32, #tpu.memory_space<vmem_shared>>
      %dma_start3A_54 = arith.constant 0 : i32
      %dma_start3A_55 = arith.constant 0 : i32
      %dma_start3A_56 = tpu.memref_slice %arg8[%dma_start3A_54, %dma_start3A_55] : memref<128x128xf32, #tpu.memory_space<vmem>> -> memref<128x128xf32, #tpu.memory_space<vmem>>
      tpu.enqueue_dma source(%dma_start3A_56 : memref<128x128xf32, #tpu.memory_space<vmem>>) target(%dma_start3A_53 : memref<128x128xf32, #tpu.memory_space<vmem_shared>>) target_semaphore(%run_scoped3A : memref<!tpu.dma_semaphore, #tpu.memory_space<semaphore_mem>>)
      %dma_wait3A = arith.constant 0 : i32
      %dma_wait3A_57 = arith.constant 0 : i32
      %dma_wait3A_58 = tpu.memref_slice %arg8[%dma_wait3A, %dma_wait3A_57] : memref<128x128xf32, #tpu.memory_space<vmem>> -> memref<128x128xf32, #tpu.memory_space<vmem>>
      %dma_wait3A_59 = arith.constant 0 : i32
      %dma_wait3A_60 = tpu.memref_slice %arg13[%add3A_21, %dma_wait3A_59] : memref<10112x128xf32, #tpu.memory_space<vmem_shared>> -> memref<128x128xf32, #tpu.memory_space<vmem_shared>>
      %dma_wait3A_61 = arith.constant 0 : i32
      %dma_wait3A_62 = tpu.memref_slice %arg13[%add3A_21, %dma_wait3A_61] : memref<10112x128xf32, #tpu.memory_space<vmem_shared>> -> memref<128x128xf32, #tpu.memory_space<vmem_shared>>
      %dma_wait3A_63 = arith.constant 0 : i32
      %dma_wait3A_64 = arith.constant 0 : i32
      %dma_wait3A_65 = tpu.memref_slice %arg8[%dma_wait3A_63, %dma_wait3A_64] : memref<128x128xf32, #tpu.memory_space<vmem>> -> memref<128x128xf32, #tpu.memory_space<vmem>>
      tpu.wait_dma2 semaphore(%run_scoped3A : memref<!tpu.dma_semaphore, #tpu.memory_space<semaphore_mem>>) src(%dma_wait3A_65 : memref<128x128xf32, #tpu.memory_space<vmem>>) dst(%dma_wait3A_62 : memref<128x128xf32, #tpu.memory_space<vmem_shared>>)
      tpu.yield
    }) : () -> ()
    %mul3A_22 = arith.constant 632 : i32
    %mul3A_23 = arith.muli %arg1, %mul3A_22 : i32
    %add3A_24 = arith.constant 512 : i32
    %add3A_25 = arith.addi %mul3A_23, %add3A_24 : i32
    "tpu.region"() ({
      %run_scoped3A = tpu.sem_alloc : memref<!tpu.dma_semaphore, #tpu.memory_space<semaphore_mem>>
      %dma_start3A = arith.constant 0 : i32
      %dma_start3A_48 = arith.constant 0 : i32
      %dma_start3A_49 = tpu.memref_slice %arg8[%dma_start3A, %dma_start3A_48] : memref<128x128xf32, #tpu.memory_space<vmem>> -> memref<120x128xf32, #tpu.memory_space<vmem>>
      %dma_start3A_50 = arith.constant 0 : i32
      %dma_start3A_51 = tpu.memref_slice %arg13[%add3A_25, %dma_start3A_50] : memref<10112x128xf32, #tpu.memory_space<vmem_shared>> -> memref<120x128xf32, #tpu.memory_space<vmem_shared>>
      %dma_start3A_52 = arith.constant 0 : i32
      %dma_start3A_53 = tpu.memref_slice %arg13[%add3A_25, %dma_start3A_52] : memref<10112x128xf32, #tpu.memory_space<vmem_shared>> -> memref<120x128xf32, #tpu.memory_space<vmem_shared>>
      %dma_start3A_54 = arith.constant 0 : i32
      %dma_start3A_55 = arith.constant 0 : i32
      %dma_start3A_56 = tpu.memref_slice %arg8[%dma_start3A_54, %dma_start3A_55] : memref<128x128xf32, #tpu.memory_space<vmem>> -> memref<120x128xf32, #tpu.memory_space<vmem>>
      tpu.enqueue_dma source(%dma_start3A_56 : memref<120x128xf32, #tpu.memory_space<vmem>>) target(%dma_start3A_53 : memref<120x128xf32, #tpu.memory_space<vmem_shared>>) target_semaphore(%run_scoped3A : memref<!tpu.dma_semaphore, #tpu.memory_space<semaphore_mem>>)
      %dma_wait3A = arith.constant 0 : i32
      %dma_wait3A_57 = arith.constant 0 : i32
      %dma_wait3A_58 = tpu.memref_slice %arg8[%dma_wait3A, %dma_wait3A_57] : memref<128x128xf32, #tpu.memory_space<vmem>> -> memref<120x128xf32, #tpu.memory_space<vmem>>
      %dma_wait3A_59 = arith.constant 0 : i32
      %dma_wait3A_60 = tpu.memref_slice %arg13[%add3A_25, %dma_wait3A_59] : memref<10112x128xf32, #tpu.memory_space<vmem_shared>> -> memref<120x128xf32, #tpu.memory_space<vmem_shared>>
      %dma_wait3A_61 = arith.constant 0 : i32
      %dma_wait3A_62 = tpu.memref_slice %arg13[%add3A_25, %dma_wait3A_61] : memref<10112x128xf32, #tpu.memory_space<vmem_shared>> -> memref<120x128xf32, #tpu.memory_space<vmem_shared>>
      %dma_wait3A_63 = arith.constant 0 : i32
      %dma_wait3A_64 = arith.constant 0 : i32
      %dma_wait3A_65 = tpu.memref_slice %arg8[%dma_wait3A_63, %dma_wait3A_64] : memref<128x128xf32, #tpu.memory_space<vmem>> -> memref<120x128xf32, #tpu.memory_space<vmem>>
      tpu.wait_dma2 semaphore(%run_scoped3A : memref<!tpu.dma_semaphore, #tpu.memory_space<semaphore_mem>>) src(%dma_wait3A_65 : memref<120x128xf32, #tpu.memory_space<vmem>>) dst(%dma_wait3A_62 : memref<120x128xf32, #tpu.memory_space<vmem_shared>>)
      tpu.yield
    }) : () -> ()
    %mul3A_26 = arith.constant 128 : i32
    %mul3A_27 = arith.muli %arg1, %mul3A_26 : i32
    %mul3A_28 = arith.constant 128 : i32
    %mul3A_29 = arith.muli %arg1, %mul3A_28 : i32
    "tpu.region"() ({
      %run_scoped3A = tpu.sem_alloc : memref<!tpu.dma_semaphore, #tpu.memory_space<semaphore_mem>>
      %dma_start3A = arith.constant 0 : i32
      %dma_start3A_48 = tpu.memref_slice %arg12[%mul3A_29, %dma_start3A] : memref<2048x128xf32, #tpu.memory_space<vmem_shared>> -> memref<128x128xf32, #tpu.memory_space<vmem_shared>>
      %dma_start3A_49 = arith.constant 0 : i32
      %dma_start3A_50 = tpu.memref_slice %arg2[%mul3A_27, %dma_start3A_49] : memref<2048x128xf32, #tpu.memory_space<hbm>> -> memref<128x128xf32, #tpu.memory_space<hbm>>
      tpu.enqueue_dma source(%dma_start3A_50 : memref<128x128xf32, #tpu.memory_space<hbm>>) target(%dma_start3A_48 : memref<128x128xf32, #tpu.memory_space<vmem_shared>>) target_semaphore(%run_scoped3A : memref<!tpu.dma_semaphore, #tpu.memory_space<semaphore_mem>>)
      %dma_wait3A = arith.constant 0 : i32
      %dma_wait3A_51 = tpu.memref_slice %arg12[%mul3A_29, %dma_wait3A] : memref<2048x128xf32, #tpu.memory_space<vmem_shared>> -> memref<128x128xf32, #tpu.memory_space<vmem_shared>>
      %dma_wait3A_52 = arith.constant 0 : i32
      %dma_wait3A_53 = tpu.memref_slice %arg2[%mul3A_27, %dma_wait3A_52] : memref<2048x128xf32, #tpu.memory_space<hbm>> -> memref<128x128xf32, #tpu.memory_space<hbm>>
      tpu.wait_dma2 semaphore(%run_scoped3A : memref<!tpu.dma_semaphore, #tpu.memory_space<semaphore_mem>>) src(%dma_wait3A_53 : memref<128x128xf32, #tpu.memory_space<hbm>>) dst(%dma_wait3A_51 : memref<128x128xf32, #tpu.memory_space<vmem_shared>>)
      tpu.yield
    }) : () -> ()
    %barrier3A = arith.constant 0 : index
    tpu.barrier barrier_id(%barrier3A)
    %sub3A = arith.constant 2500 : i32
    %sub3A_30 = arith.subi %sub3A, %add3A : i32
    %sub3A_31 = arith.constant 64 : i32
    %sub3A_32 = arith.constant 1 : i32
    %sub3A_33 = arith.subi %sub3A_31, %sub3A_32 : i32
    %add3A_34 = arith.addi %sub3A_30, %sub3A_33 : i32
    %div3A = arith.constant 64 : i32
    %div3A_35 = arith.divsi %add3A_34, %div3A : i32
    %while3A = arith.constant 64 : i32
    %while3A_36 = arith.constant 0 : i32
    %while3A_37 = arith.subi %div3A_35, %while3A_36 : i32
    %while3A_38 = arith.addi %while3A_36, %while3A_37 : i32
    %while3A_39 = arith.constant 1 : i32
    %while3A_40 = arith.divsi %while3A_37, %while3A_39 : i32
    %while3A_41 = arith.muli %while3A_40, %while3A_39 : i32
    %while3A_42 = arith.addi %while3A_36, %while3A_41 : i32
    %while3A_43 = arith.constant 1 : i32
    scf.for %while3A_48 = %while3A_36 to %while3A_42 step %while3A_43  : i32 {
      %mul3A_49 = arith.muli %while3A_48, %while3A : i32
      %add3A_50 = arith.addi %add3A, %mul3A_49 : i32
      %mul3A_51 = arith.constant 128 : i32
      %mul3A_52 = arith.muli %add3A_50, %mul3A_51 : i32
      "tpu.region"() ({
        %run_scoped3A = tpu.sem_alloc : memref<!tpu.dma_semaphore, #tpu.memory_space<semaphore_mem>>
        %dma_start3A_66 = tpu.memref_slice %arg3[%mul3A_52] : memref<320000xi32, #tpu.memory_space<hbm>> -> memref<128xi32, #tpu.memory_space<hbm>>
        %dma_start3A_67 = tpu.memref_slice %arg3[%mul3A_52] : memref<320000xi32, #tpu.memory_space<hbm>> -> memref<128xi32, #tpu.memory_space<hbm>>
        tpu.enqueue_dma source(%dma_start3A_67 : memref<128xi32, #tpu.memory_space<hbm>>) target(%arg6 : memref<128xi32, #tpu.memory_space<vmem>>) target_semaphore(%run_scoped3A : memref<!tpu.dma_semaphore, #tpu.memory_space<semaphore_mem>>)
        %dma_wait3A_68 = tpu.memref_slice %arg3[%mul3A_52] : memref<320000xi32, #tpu.memory_space<hbm>> -> memref<128xi32, #tpu.memory_space<hbm>>
        %dma_wait3A_69 = tpu.memref_slice %arg3[%mul3A_52] : memref<320000xi32, #tpu.memory_space<hbm>> -> memref<128xi32, #tpu.memory_space<hbm>>
        tpu.wait_dma2 semaphore(%run_scoped3A : memref<!tpu.dma_semaphore, #tpu.memory_space<semaphore_mem>>) src(%dma_wait3A_69 : memref<128xi32, #tpu.memory_space<hbm>>) dst(%arg6 : memref<128xi32, #tpu.memory_space<vmem>>)
        tpu.yield
      }) : () -> ()
      "tpu.region"() ({
        %run_scoped3A = tpu.sem_alloc : memref<!tpu.dma_semaphore, #tpu.memory_space<semaphore_mem>>
        %dma_start3A_66 = tpu.memref_slice %arg4[%mul3A_52] : memref<320000xi32, #tpu.memory_space<hbm>> -> memref<128xi32, #tpu.memory_space<hbm>>
        %dma_start3A_67 = tpu.memref_slice %arg4[%mul3A_52] : memref<320000xi32, #tpu.memory_space<hbm>> -> memref<128xi32, #tpu.memory_space<hbm>>
        tpu.enqueue_dma source(%dma_start3A_67 : memref<128xi32, #tpu.memory_space<hbm>>) target(%arg7 : memref<128xi32, #tpu.memory_space<vmem>>) target_semaphore(%run_scoped3A : memref<!tpu.dma_semaphore, #tpu.memory_space<semaphore_mem>>)
        %dma_wait3A_68 = tpu.memref_slice %arg4[%mul3A_52] : memref<320000xi32, #tpu.memory_space<hbm>> -> memref<128xi32, #tpu.memory_space<hbm>>
        %dma_wait3A_69 = tpu.memref_slice %arg4[%mul3A_52] : memref<320000xi32, #tpu.memory_space<hbm>> -> memref<128xi32, #tpu.memory_space<hbm>>
        tpu.wait_dma2 semaphore(%run_scoped3A : memref<!tpu.dma_semaphore, #tpu.memory_space<semaphore_mem>>) src(%dma_wait3A_69 : memref<128xi32, #tpu.memory_space<hbm>>) dst(%arg7 : memref<128xi32, #tpu.memory_space<vmem>>)
        tpu.yield
      }) : () -> ()
      %dma_start3A = arith.constant 0 : i32
      %dma_start3A_53 = arith.constant 0 : i32
      %dma_start3A_54 = tpu.memref_slice %arg12[%dma_start3A, %dma_start3A_53] : memref<2048x128xf32, #tpu.memory_space<vmem_shared>> -> memref<2048x128xf32, #tpu.memory_space<vmem_shared>>
      tpu.enqueue_indirect_dma source(%dma_start3A_54 : memref<2048x128xf32, #tpu.memory_space<vmem_shared>>) target(%arg8 : memref<128x128xf32, #tpu.memory_space<vmem>>) offsets(%arg7 : memref<128xi32, #tpu.memory_space<vmem>>) semaphore(%arg14 : memref<!tpu.dma_semaphore, #tpu.memory_space<semaphore_mem>>)
      %add3A_55 = arith.constant 32 : i32
      %add3A_56 = arith.addi %add3A_50, %add3A_55 : i32
      %lt3A = arith.constant 2500 : i32
      %lt3A_57 = arith.cmpi slt, %add3A_56, %lt3A : i32
      %convert_element_type3A = arith.extui %lt3A_57 : i1 to i32
      %cond3A = arith.constant 0 : i32
      %cond3A_58 = arith.cmpi ne, %convert_element_type3A, %cond3A : i32
      scf.if %cond3A_58 {
        %mul3A_66 = arith.constant 128 : i32
        %mul3A_67 = arith.muli %add3A_56, %mul3A_66 : i32
        "tpu.region"() ({
          %run_scoped3A = tpu.sem_alloc : memref<!tpu.dma_semaphore, #tpu.memory_space<semaphore_mem>>
          %dma_start3A_71 = tpu.memref_slice %arg3[%mul3A_67] : memref<320000xi32, #tpu.memory_space<hbm>> -> memref<128xi32, #tpu.memory_space<hbm>>
          %dma_start3A_72 = tpu.memref_slice %arg3[%mul3A_67] : memref<320000xi32, #tpu.memory_space<hbm>> -> memref<128xi32, #tpu.memory_space<hbm>>
          tpu.enqueue_dma source(%dma_start3A_72 : memref<128xi32, #tpu.memory_space<hbm>>) target(%arg9 : memref<128xi32, #tpu.memory_space<vmem>>) target_semaphore(%run_scoped3A : memref<!tpu.dma_semaphore, #tpu.memory_space<semaphore_mem>>)
          %dma_wait3A_73 = tpu.memref_slice %arg3[%mul3A_67] : memref<320000xi32, #tpu.memory_space<hbm>> -> memref<128xi32, #tpu.memory_space<hbm>>
          %dma_wait3A_74 = tpu.memref_slice %arg3[%mul3A_67] : memref<320000xi32, #tpu.memory_space<hbm>> -> memref<128xi32, #tpu.memory_space<hbm>>
          tpu.wait_dma2 semaphore(%run_scoped3A : memref<!tpu.dma_semaphore, #tpu.memory_space<semaphore_mem>>) src(%dma_wait3A_74 : memref<128xi32, #tpu.memory_space<hbm>>) dst(%arg9 : memref<128xi32, #tpu.memory_space<vmem>>)
          tpu.yield
        }) : () -> ()
        "tpu.region"() ({
          %run_scoped3A = tpu.sem_alloc : memref<!tpu.dma_semaphore, #tpu.memory_space<semaphore_mem>>
          %dma_start3A_71 = tpu.memref_slice %arg4[%mul3A_67] : memref<320000xi32, #tpu.memory_space<hbm>> -> memref<128xi32, #tpu.memory_space<hbm>>
          %dma_start3A_72 = tpu.memref_slice %arg4[%mul3A_67] : memref<320000xi32, #tpu.memory_space<hbm>> -> memref<128xi32, #tpu.memory_space<hbm>>
          tpu.enqueue_dma source(%dma_start3A_72 : memref<128xi32, #tpu.memory_space<hbm>>) target(%arg10 : memref<128xi32, #tpu.memory_space<vmem>>) target_semaphore(%run_scoped3A : memref<!tpu.dma_semaphore, #tpu.memory_space<semaphore_mem>>)
          %dma_wait3A_73 = tpu.memref_slice %arg4[%mul3A_67] : memref<320000xi32, #tpu.memory_space<hbm>> -> memref<128xi32, #tpu.memory_space<hbm>>
          %dma_wait3A_74 = tpu.memref_slice %arg4[%mul3A_67] : memref<320000xi32, #tpu.memory_space<hbm>> -> memref<128xi32, #tpu.memory_space<hbm>>
          tpu.wait_dma2 semaphore(%run_scoped3A : memref<!tpu.dma_semaphore, #tpu.memory_space<semaphore_mem>>) src(%dma_wait3A_74 : memref<128xi32, #tpu.memory_space<hbm>>) dst(%arg10 : memref<128xi32, #tpu.memory_space<vmem>>)
          tpu.yield
        }) : () -> ()
        %dma_start3A_68 = arith.constant 0 : i32
        %dma_start3A_69 = arith.constant 0 : i32
        %dma_start3A_70 = tpu.memref_slice %arg12[%dma_start3A_68, %dma_start3A_69] : memref<2048x128xf32, #tpu.memory_space<vmem_shared>> -> memref<2048x128xf32, #tpu.memory_space<vmem_shared>>
        tpu.enqueue_indirect_dma source(%dma_start3A_70 : memref<2048x128xf32, #tpu.memory_space<vmem_shared>>) target(%arg11 : memref<128x128xf32, #tpu.memory_space<vmem>>) offsets(%arg10 : memref<128xi32, #tpu.memory_space<vmem>>) semaphore(%arg15 : memref<!tpu.dma_semaphore, #tpu.memory_space<semaphore_mem>>)
      } else {
      }
      %dma_wait3A = arith.constant 0 : i32
      %dma_wait3A_59 = arith.constant 0 : i32
      %dma_wait3A_60 = tpu.memref_slice %arg12[%dma_wait3A, %dma_wait3A_59] : memref<2048x128xf32, #tpu.memory_space<vmem_shared>> -> memref<2048x128xf32, #tpu.memory_space<vmem_shared>>
      tpu.wait_indirect_dma semaphore(%arg14 : memref<!tpu.dma_semaphore, #tpu.memory_space<semaphore_mem>>) src(%dma_wait3A_60 : memref<2048x128xf32, #tpu.memory_space<vmem_shared>>) dst(%arg8 : memref<128x128xf32, #tpu.memory_space<vmem>>)
      "tpu.region"() ({
        %run_scoped3A = tpu.sem_alloc : memref<!tpu.dma_semaphore, #tpu.memory_space<semaphore_mem>>
        %dma_start3A_66 = arith.constant 0 : i32
        %dma_start3A_67 = arith.constant 0 : i32
        %dma_start3A_68 = tpu.memref_slice %arg13[%dma_start3A_66, %dma_start3A_67] : memref<10112x128xf32, #tpu.memory_space<vmem_shared>> -> memref<10112x128xf32, #tpu.memory_space<vmem_shared>>
        tpu.enqueue_indirect_dma source(%arg8 : memref<128x128xf32, #tpu.memory_space<vmem>>) target(%dma_start3A_68 : memref<10112x128xf32, #tpu.memory_space<vmem_shared>>) offsets(%arg6 : memref<128xi32, #tpu.memory_space<vmem>>) semaphore(%run_scoped3A : memref<!tpu.dma_semaphore, #tpu.memory_space<semaphore_mem>>) {add = true}
        %dma_wait3A_69 = arith.constant 0 : i32
        %dma_wait3A_70 = arith.constant 0 : i32
        %dma_wait3A_71 = tpu.memref_slice %arg13[%dma_wait3A_69, %dma_wait3A_70] : memref<10112x128xf32, #tpu.memory_space<vmem_shared>> -> memref<10112x128xf32, #tpu.memory_space<vmem_shared>>
        tpu.wait_indirect_dma semaphore(%run_scoped3A : memref<!tpu.dma_semaphore, #tpu.memory_space<semaphore_mem>>) src(%arg8 : memref<128x128xf32, #tpu.memory_space<vmem>>) dst(%dma_wait3A_71 : memref<10112x128xf32, #tpu.memory_space<vmem_shared>>)
        tpu.yield
      }) : () -> ()
      %lt3A_61 = arith.constant 2500 : i32
      %lt3A_62 = arith.cmpi slt, %add3A_56, %lt3A_61 : i32
      %convert_element_type3A_63 = arith.extui %lt3A_62 : i1 to i32
      %cond3A_64 = arith.constant 0 : i32
      %cond3A_65 = arith.cmpi ne, %convert_element_type3A_63, %cond3A_64 : i32
      scf.if %cond3A_65 {
        %dma_wait3A_66 = arith.constant 0 : i32
        %dma_wait3A_67 = arith.constant 0 : i32
        %dma_wait3A_68 = tpu.memref_slice %arg12[%dma_wait3A_66, %dma_wait3A_67] : memref<2048x128xf32, #tpu.memory_space<vmem_shared>> -> memref<2048x128xf32, #tpu.memory_space<vmem_shared>>
        tpu.wait_indirect_dma semaphore(%arg15 : memref<!tpu.dma_semaphore, #tpu.memory_space<semaphore_mem>>) src(%dma_wait3A_68 : memref<2048x128xf32, #tpu.memory_space<vmem_shared>>) dst(%arg11 : memref<128x128xf32, #tpu.memory_space<vmem>>)
        "tpu.region"() ({
          %run_scoped3A = tpu.sem_alloc : memref<!tpu.dma_semaphore, #tpu.memory_space<semaphore_mem>>
          %dma_start3A_69 = arith.constant 0 : i32
          %dma_start3A_70 = arith.constant 0 : i32
          %dma_start3A_71 = tpu.memref_slice %arg13[%dma_start3A_69, %dma_start3A_70] : memref<10112x128xf32, #tpu.memory_space<vmem_shared>> -> memref<10112x128xf32, #tpu.memory_space<vmem_shared>>
          tpu.enqueue_indirect_dma source(%arg11 : memref<128x128xf32, #tpu.memory_space<vmem>>) target(%dma_start3A_71 : memref<10112x128xf32, #tpu.memory_space<vmem_shared>>) offsets(%arg9 : memref<128xi32, #tpu.memory_space<vmem>>) semaphore(%run_scoped3A : memref<!tpu.dma_semaphore, #tpu.memory_space<semaphore_mem>>) {add = true}
          %dma_wait3A_72 = arith.constant 0 : i32
          %dma_wait3A_73 = arith.constant 0 : i32
          %dma_wait3A_74 = tpu.memref_slice %arg13[%dma_wait3A_72, %dma_wait3A_73] : memref<10112x128xf32, #tpu.memory_space<vmem_shared>> -> memref<10112x128xf32, #tpu.memory_space<vmem_shared>>
          tpu.wait_indirect_dma semaphore(%run_scoped3A : memref<!tpu.dma_semaphore, #tpu.memory_space<semaphore_mem>>) src(%arg11 : memref<128x128xf32, #tpu.memory_space<vmem>>) dst(%dma_wait3A_74 : memref<10112x128xf32, #tpu.memory_space<vmem_shared>>)
          tpu.yield
        }) : () -> ()
      } else {
      }
    }
    %while3A_44 = arith.constant 1 : i32
    scf.for %while3A_48 = %while3A_42 to %while3A_38 step %while3A_44  : i32 {
      %mul3A_49 = arith.muli %while3A_48, %while3A : i32
      %add3A_50 = arith.addi %add3A, %mul3A_49 : i32
      %mul3A_51 = arith.constant 128 : i32
      %mul3A_52 = arith.muli %add3A_50, %mul3A_51 : i32
      "tpu.region"() ({
        %run_scoped3A = tpu.sem_alloc : memref<!tpu.dma_semaphore, #tpu.memory_space<semaphore_mem>>
        %dma_start3A_66 = tpu.memref_slice %arg3[%mul3A_52] : memref<320000xi32, #tpu.memory_space<hbm>> -> memref<128xi32, #tpu.memory_space<hbm>>
        %dma_start3A_67 = tpu.memref_slice %arg3[%mul3A_52] : memref<320000xi32, #tpu.memory_space<hbm>> -> memref<128xi32, #tpu.memory_space<hbm>>
        tpu.enqueue_dma source(%dma_start3A_67 : memref<128xi32, #tpu.memory_space<hbm>>) target(%arg6 : memref<128xi32, #tpu.memory_space<vmem>>) target_semaphore(%run_scoped3A : memref<!tpu.dma_semaphore, #tpu.memory_space<semaphore_mem>>)
        %dma_wait3A_68 = tpu.memref_slice %arg3[%mul3A_52] : memref<320000xi32, #tpu.memory_space<hbm>> -> memref<128xi32, #tpu.memory_space<hbm>>
        %dma_wait3A_69 = tpu.memref_slice %arg3[%mul3A_52] : memref<320000xi32, #tpu.memory_space<hbm>> -> memref<128xi32, #tpu.memory_space<hbm>>
        tpu.wait_dma2 semaphore(%run_scoped3A : memref<!tpu.dma_semaphore, #tpu.memory_space<semaphore_mem>>) src(%dma_wait3A_69 : memref<128xi32, #tpu.memory_space<hbm>>) dst(%arg6 : memref<128xi32, #tpu.memory_space<vmem>>)
        tpu.yield
      }) : () -> ()
      "tpu.region"() ({
        %run_scoped3A = tpu.sem_alloc : memref<!tpu.dma_semaphore, #tpu.memory_space<semaphore_mem>>
        %dma_start3A_66 = tpu.memref_slice %arg4[%mul3A_52] : memref<320000xi32, #tpu.memory_space<hbm>> -> memref<128xi32, #tpu.memory_space<hbm>>
        %dma_start3A_67 = tpu.memref_slice %arg4[%mul3A_52] : memref<320000xi32, #tpu.memory_space<hbm>> -> memref<128xi32, #tpu.memory_space<hbm>>
        tpu.enqueue_dma source(%dma_start3A_67 : memref<128xi32, #tpu.memory_space<hbm>>) target(%arg7 : memref<128xi32, #tpu.memory_space<vmem>>) target_semaphore(%run_scoped3A : memref<!tpu.dma_semaphore, #tpu.memory_space<semaphore_mem>>)
        %dma_wait3A_68 = tpu.memref_slice %arg4[%mul3A_52] : memref<320000xi32, #tpu.memory_space<hbm>> -> memref<128xi32, #tpu.memory_space<hbm>>
        %dma_wait3A_69 = tpu.memref_slice %arg4[%mul3A_52] : memref<320000xi32, #tpu.memory_space<hbm>> -> memref<128xi32, #tpu.memory_space<hbm>>
        tpu.wait_dma2 semaphore(%run_scoped3A : memref<!tpu.dma_semaphore, #tpu.memory_space<semaphore_mem>>) src(%dma_wait3A_69 : memref<128xi32, #tpu.memory_space<hbm>>) dst(%arg7 : memref<128xi32, #tpu.memory_space<vmem>>)
        tpu.yield
      }) : () -> ()
      %dma_start3A = arith.constant 0 : i32
      %dma_start3A_53 = arith.constant 0 : i32
      %dma_start3A_54 = tpu.memref_slice %arg12[%dma_start3A, %dma_start3A_53] : memref<2048x128xf32, #tpu.memory_space<vmem_shared>> -> memref<2048x128xf32, #tpu.memory_space<vmem_shared>>
      tpu.enqueue_indirect_dma source(%dma_start3A_54 : memref<2048x128xf32, #tpu.memory_space<vmem_shared>>) target(%arg8 : memref<128x128xf32, #tpu.memory_space<vmem>>) offsets(%arg7 : memref<128xi32, #tpu.memory_space<vmem>>) semaphore(%arg14 : memref<!tpu.dma_semaphore, #tpu.memory_space<semaphore_mem>>)
      %add3A_55 = arith.constant 32 : i32
      %add3A_56 = arith.addi %add3A_50, %add3A_55 : i32
      %lt3A = arith.constant 2500 : i32
      %lt3A_57 = arith.cmpi slt, %add3A_56, %lt3A : i32
      %convert_element_type3A = arith.extui %lt3A_57 : i1 to i32
      %cond3A = arith.constant 0 : i32
      %cond3A_58 = arith.cmpi ne, %convert_element_type3A, %cond3A : i32
      scf.if %cond3A_58 {
        %mul3A_66 = arith.constant 128 : i32
        %mul3A_67 = arith.muli %add3A_56, %mul3A_66 : i32
        "tpu.region"() ({
          %run_scoped3A = tpu.sem_alloc : memref<!tpu.dma_semaphore, #tpu.memory_space<semaphore_mem>>
          %dma_start3A_71 = tpu.memref_slice %arg3[%mul3A_67] : memref<320000xi32, #tpu.memory_space<hbm>> -> memref<128xi32, #tpu.memory_space<hbm>>
          %dma_start3A_72 = tpu.memref_slice %arg3[%mul3A_67] : memref<320000xi32, #tpu.memory_space<hbm>> -> memref<128xi32, #tpu.memory_space<hbm>>
          tpu.enqueue_dma source(%dma_start3A_72 : memref<128xi32, #tpu.memory_space<hbm>>) target(%arg9 : memref<128xi32, #tpu.memory_space<vmem>>) target_semaphore(%run_scoped3A : memref<!tpu.dma_semaphore, #tpu.memory_space<semaphore_mem>>)
          %dma_wait3A_73 = tpu.memref_slice %arg3[%mul3A_67] : memref<320000xi32, #tpu.memory_space<hbm>> -> memref<128xi32, #tpu.memory_space<hbm>>
          %dma_wait3A_74 = tpu.memref_slice %arg3[%mul3A_67] : memref<320000xi32, #tpu.memory_space<hbm>> -> memref<128xi32, #tpu.memory_space<hbm>>
          tpu.wait_dma2 semaphore(%run_scoped3A : memref<!tpu.dma_semaphore, #tpu.memory_space<semaphore_mem>>) src(%dma_wait3A_74 : memref<128xi32, #tpu.memory_space<hbm>>) dst(%arg9 : memref<128xi32, #tpu.memory_space<vmem>>)
          tpu.yield
        }) : () -> ()
        "tpu.region"() ({
          %run_scoped3A = tpu.sem_alloc : memref<!tpu.dma_semaphore, #tpu.memory_space<semaphore_mem>>
          %dma_start3A_71 = tpu.memref_slice %arg4[%mul3A_67] : memref<320000xi32, #tpu.memory_space<hbm>> -> memref<128xi32, #tpu.memory_space<hbm>>
          %dma_start3A_72 = tpu.memref_slice %arg4[%mul3A_67] : memref<320000xi32, #tpu.memory_space<hbm>> -> memref<128xi32, #tpu.memory_space<hbm>>
          tpu.enqueue_dma source(%dma_start3A_72 : memref<128xi32, #tpu.memory_space<hbm>>) target(%arg10 : memref<128xi32, #tpu.memory_space<vmem>>) target_semaphore(%run_scoped3A : memref<!tpu.dma_semaphore, #tpu.memory_space<semaphore_mem>>)
          %dma_wait3A_73 = tpu.memref_slice %arg4[%mul3A_67] : memref<320000xi32, #tpu.memory_space<hbm>> -> memref<128xi32, #tpu.memory_space<hbm>>
          %dma_wait3A_74 = tpu.memref_slice %arg4[%mul3A_67] : memref<320000xi32, #tpu.memory_space<hbm>> -> memref<128xi32, #tpu.memory_space<hbm>>
          tpu.wait_dma2 semaphore(%run_scoped3A : memref<!tpu.dma_semaphore, #tpu.memory_space<semaphore_mem>>) src(%dma_wait3A_74 : memref<128xi32, #tpu.memory_space<hbm>>) dst(%arg10 : memref<128xi32, #tpu.memory_space<vmem>>)
          tpu.yield
        }) : () -> ()
        %dma_start3A_68 = arith.constant 0 : i32
        %dma_start3A_69 = arith.constant 0 : i32
        %dma_start3A_70 = tpu.memref_slice %arg12[%dma_start3A_68, %dma_start3A_69] : memref<2048x128xf32, #tpu.memory_space<vmem_shared>> -> memref<2048x128xf32, #tpu.memory_space<vmem_shared>>
        tpu.enqueue_indirect_dma source(%dma_start3A_70 : memref<2048x128xf32, #tpu.memory_space<vmem_shared>>) target(%arg11 : memref<128x128xf32, #tpu.memory_space<vmem>>) offsets(%arg10 : memref<128xi32, #tpu.memory_space<vmem>>) semaphore(%arg15 : memref<!tpu.dma_semaphore, #tpu.memory_space<semaphore_mem>>)
      } else {
      }
      %dma_wait3A = arith.constant 0 : i32
      %dma_wait3A_59 = arith.constant 0 : i32
      %dma_wait3A_60 = tpu.memref_slice %arg12[%dma_wait3A, %dma_wait3A_59] : memref<2048x128xf32, #tpu.memory_space<vmem_shared>> -> memref<2048x128xf32, #tpu.memory_space<vmem_shared>>
      tpu.wait_indirect_dma semaphore(%arg14 : memref<!tpu.dma_semaphore, #tpu.memory_space<semaphore_mem>>) src(%dma_wait3A_60 : memref<2048x128xf32, #tpu.memory_space<vmem_shared>>) dst(%arg8 : memref<128x128xf32, #tpu.memory_space<vmem>>)
      "tpu.region"() ({
        %run_scoped3A = tpu.sem_alloc : memref<!tpu.dma_semaphore, #tpu.memory_space<semaphore_mem>>
        %dma_start3A_66 = arith.constant 0 : i32
        %dma_start3A_67 = arith.constant 0 : i32
        %dma_start3A_68 = tpu.memref_slice %arg13[%dma_start3A_66, %dma_start3A_67] : memref<10112x128xf32, #tpu.memory_space<vmem_shared>> -> memref<10112x128xf32, #tpu.memory_space<vmem_shared>>
        tpu.enqueue_indirect_dma source(%arg8 : memref<128x128xf32, #tpu.memory_space<vmem>>) target(%dma_start3A_68 : memref<10112x128xf32, #tpu.memory_space<vmem_shared>>) offsets(%arg6 : memref<128xi32, #tpu.memory_space<vmem>>) semaphore(%run_scoped3A : memref<!tpu.dma_semaphore, #tpu.memory_space<semaphore_mem>>) {add = true}
        %dma_wait3A_69 = arith.constant 0 : i32
        %dma_wait3A_70 = arith.constant 0 : i32
        %dma_wait3A_71 = tpu.memref_slice %arg13[%dma_wait3A_69, %dma_wait3A_70] : memref<10112x128xf32, #tpu.memory_space<vmem_shared>> -> memref<10112x128xf32, #tpu.memory_space<vmem_shared>>
        tpu.wait_indirect_dma semaphore(%run_scoped3A : memref<!tpu.dma_semaphore, #tpu.memory_space<semaphore_mem>>) src(%arg8 : memref<128x128xf32, #tpu.memory_space<vmem>>) dst(%dma_wait3A_71 : memref<10112x128xf32, #tpu.memory_space<vmem_shared>>)
        tpu.yield
      }) : () -> ()
      %lt3A_61 = arith.constant 2500 : i32
      %lt3A_62 = arith.cmpi slt, %add3A_56, %lt3A_61 : i32
      %convert_element_type3A_63 = arith.extui %lt3A_62 : i1 to i32
      %cond3A_64 = arith.constant 0 : i32
      %cond3A_65 = arith.cmpi ne, %convert_element_type3A_63, %cond3A_64 : i32
      scf.if %cond3A_65 {
        %dma_wait3A_66 = arith.constant 0 : i32
        %dma_wait3A_67 = arith.constant 0 : i32
        %dma_wait3A_68 = tpu.memref_slice %arg12[%dma_wait3A_66, %dma_wait3A_67] : memref<2048x128xf32, #tpu.memory_space<vmem_shared>> -> memref<2048x128xf32, #tpu.memory_space<vmem_shared>>
        tpu.wait_indirect_dma semaphore(%arg15 : memref<!tpu.dma_semaphore, #tpu.memory_space<semaphore_mem>>) src(%dma_wait3A_68 : memref<2048x128xf32, #tpu.memory_space<vmem_shared>>) dst(%arg11 : memref<128x128xf32, #tpu.memory_space<vmem>>)
        "tpu.region"() ({
          %run_scoped3A = tpu.sem_alloc : memref<!tpu.dma_semaphore, #tpu.memory_space<semaphore_mem>>
          %dma_start3A_69 = arith.constant 0 : i32
          %dma_start3A_70 = arith.constant 0 : i32
          %dma_start3A_71 = tpu.memref_slice %arg13[%dma_start3A_69, %dma_start3A_70] : memref<10112x128xf32, #tpu.memory_space<vmem_shared>> -> memref<10112x128xf32, #tpu.memory_space<vmem_shared>>
          tpu.enqueue_indirect_dma source(%arg11 : memref<128x128xf32, #tpu.memory_space<vmem>>) target(%dma_start3A_71 : memref<10112x128xf32, #tpu.memory_space<vmem_shared>>) offsets(%arg9 : memref<128xi32, #tpu.memory_space<vmem>>) semaphore(%run_scoped3A : memref<!tpu.dma_semaphore, #tpu.memory_space<semaphore_mem>>) {add = true}
          %dma_wait3A_72 = arith.constant 0 : i32
          %dma_wait3A_73 = arith.constant 0 : i32
          %dma_wait3A_74 = tpu.memref_slice %arg13[%dma_wait3A_72, %dma_wait3A_73] : memref<10112x128xf32, #tpu.memory_space<vmem_shared>> -> memref<10112x128xf32, #tpu.memory_space<vmem_shared>>
          tpu.wait_indirect_dma semaphore(%run_scoped3A : memref<!tpu.dma_semaphore, #tpu.memory_space<semaphore_mem>>) src(%arg11 : memref<128x128xf32, #tpu.memory_space<vmem>>) dst(%dma_wait3A_74 : memref<10112x128xf32, #tpu.memory_space<vmem_shared>>)
          tpu.yield
        }) : () -> ()
      } else {
      }
    }
    %barrier3A_45 = arith.constant 0 : index
    tpu.barrier barrier_id(%barrier3A_45)
    %mul3A_46 = arith.constant 632 : i32
    %mul3A_47 = arith.muli %arg1, %mul3A_46 : i32
    "tpu.region"() ({
      %run_scoped3A = tpu.sem_alloc : memref<!tpu.dma_semaphore, #tpu.memory_space<semaphore_mem>>
      %dma_start3A = arith.constant 0 : i32
      %dma_start3A_48 = tpu.memref_slice %arg5[%arg0, %mul3A_47, %dma_start3A] : memref<2x10112x128xf32, #tpu.memory_space<hbm>> -> memref<1x632x128xf32, #tpu.memory_space<hbm>>
      %dma_start3A_49 = tpu.memref_squeeze %dma_start3A_48 : memref<1x632x128xf32, #tpu.memory_space<hbm>> -> memref<632x128xf32, #tpu.memory_space<hbm>>
      %dma_start3A_50 = arith.constant 0 : i32
      %dma_start3A_51 = tpu.memref_slice %arg13[%mul3A_47, %dma_start3A_50] : memref<10112x128xf32, #tpu.memory_space<vmem_shared>> -> memref<632x128xf32, #tpu.memory_space<vmem_shared>>
      tpu.enqueue_dma source(%dma_start3A_51 : memref<632x128xf32, #tpu.memory_space<vmem_shared>>) target(%dma_start3A_49 : memref<632x128xf32, #tpu.memory_space<hbm>>) target_semaphore(%run_scoped3A : memref<!tpu.dma_semaphore, #tpu.memory_space<semaphore_mem>>)
      %dma_wait3A = arith.constant 0 : i32
      %dma_wait3A_52 = tpu.memref_slice %arg5[%arg0, %mul3A_47, %dma_wait3A] : memref<2x10112x128xf32, #tpu.memory_space<hbm>> -> memref<1x632x128xf32, #tpu.memory_space<hbm>>
      %dma_wait3A_53 = tpu.memref_squeeze %dma_wait3A_52 : memref<1x632x128xf32, #tpu.memory_space<hbm>> -> memref<632x128xf32, #tpu.memory_space<hbm>>
      %dma_wait3A_54 = arith.constant 0 : i32
      %dma_wait3A_55 = tpu.memref_slice %arg13[%mul3A_47, %dma_wait3A_54] : memref<10112x128xf32, #tpu.memory_space<vmem_shared>> -> memref<632x128xf32, #tpu.memory_space<vmem_shared>>
      tpu.wait_dma2 semaphore(%run_scoped3A : memref<!tpu.dma_semaphore, #tpu.memory_space<semaphore_mem>>) src(%dma_wait3A_55 : memref<632x128xf32, #tpu.memory_space<vmem_shared>>) dst(%dma_wait3A_53 : memref<632x128xf32, #tpu.memory_space<hbm>>)
      tpu.yield
    }) : () -> ()
    return
  }
}

#map = affine_map<(d0, d1) -> (0, 0)>
#map1 = affine_map<(d0, d1) -> (0)>
#map2 = affine_map<(d0, d1) -> (0, 0, 0)>
module attributes {stable_mosaic.version = 14 : i64} {
  func.func @k(%arg0: i32, %arg1: i32, %arg2: memref<10000x128xf32, #tpu.memory_space<hbm>>, %arg3: memref<320000xi32, #tpu.memory_space<hbm>>, %arg4: memref<320000xi32, #tpu.memory_space<hbm>>, %arg5: memref<2x2048x128xf32, #tpu.memory_space<hbm>>, %arg6: memref<2x16x128xf32, #tpu.memory_space<hbm>>, %arg7: memref<128xi32, #tpu.memory_space<vmem>>, %arg8: memref<128xi32, #tpu.memory_space<vmem>>, %arg9: memref<128x128xf32, #tpu.memory_space<vmem>>, %arg10: memref<128xi32, #tpu.memory_space<vmem>>, %arg11: memref<128xi32, #tpu.memory_space<vmem>>, %arg12: memref<128x128xf32, #tpu.memory_space<vmem>>, %arg13: memref<16x2048xf32, #tpu.memory_space<vmem>>, %arg14: memref<16x128xf32, #tpu.memory_space<vmem>>, %arg15: memref<16xi32, #tpu.memory_space<vmem>>, %arg16: memref<2048x128xf32, #tpu.memory_space<vmem_shared>>, %arg17: memref<16x128xf32, #tpu.memory_space<vmem_shared>>, %arg18: memref<!tpu.dma_semaphore, #tpu.memory_space<semaphore_mem>>, %arg19: memref<!tpu.dma_semaphore, #tpu.memory_space<semaphore_mem>>) attributes {dimension_semantics = [#tpu.dimension_semantics<core_parallel>, #tpu.dimension_semantics<subcore_parallel>], iteration_bounds = array<i64: 2, 16>, scalar_prefetch = 0 : i64, scratch_operands = 13 : i64, tpu.core_type = #tpu.core_type<sc_vector_subcore>, window_params = [{transform_indices = #map}, {transform_indices = #map1}, {transform_indices = #map1}, {transform_indices = #map2}, {transform_indices = #map2}]} {
    %mul3A = arith.constant 16 : i32
    %mul3A_0 = arith.muli %arg0, %mul3A : i32
    %add3A = arith.addi %mul3A_0, %arg1 : i32
    %broadcast_in_dim3A = arith.constant 0.000000e+00 : f32
    %broadcast_in_dim3A_1 = vector.broadcast %broadcast_in_dim3A : f32 to vector<16xf32>
    %broadcast_in_dim3A_2 = arith.constant 1.000000e+00 : f32
    %broadcast_in_dim3A_3 = vector.broadcast %broadcast_in_dim3A_2 : f32 to vector<16xf32>
    %iota3A = tpu.iota {dimensions = array<i32: 0>} : vector<16xi32>
    %scan3A = arith.constant 0 : i32
    %scan3A_4 = arith.constant 128 : i32
    %scan3A_5 = arith.addi %scan3A, %scan3A_4 : i32
    %scan3A_6 = arith.constant 1 : i32
    scf.for %scan3A_44 = %scan3A to %scan3A_5 step %scan3A_6  : i32 {
      %mul3A_45 = arith.constant 1 : i32
      %mul3A_46 = arith.muli %scan3A_44, %mul3A_45 : i32
      %add3A_47 = arith.constant 0 : i32
      %add3A_48 = arith.addi %add3A_47, %mul3A_46 : i32
      %swap3A_49 = arith.index_cast %add3A_48 : i32 to index
      %swap3A_50 = arith.constant 0 : index
      %swap3A_51 = tpu.vector_load %arg9[%swap3A_49, %swap3A_50] {strides = array<i32>} : memref<128x128xf32, #tpu.memory_space<vmem>>, vector<16xf32>,
      tpu.vector_store %arg9[%swap3A_49, %swap3A_50], %broadcast_in_dim3A_1 {strides = array<i32>} : memref<128x128xf32, #tpu.memory_space<vmem>>, vector<16xf32>,
      %swap3A_52 = arith.index_cast %add3A_48 : i32 to index
      %swap3A_53 = arith.constant 16 : index
      %swap3A_54 = tpu.vector_load %arg9[%swap3A_52, %swap3A_53] {strides = array<i32>} : memref<128x128xf32, #tpu.memory_space<vmem>>, vector<16xf32>,
      tpu.vector_store %arg9[%swap3A_52, %swap3A_53], %broadcast_in_dim3A_1 {strides = array<i32>} : memref<128x128xf32, #tpu.memory_space<vmem>>, vector<16xf32>,
      %swap3A_55 = arith.index_cast %add3A_48 : i32 to index
      %swap3A_56 = arith.constant 32 : index
      %swap3A_57 = tpu.vector_load %arg9[%swap3A_55, %swap3A_56] {strides = array<i32>} : memref<128x128xf32, #tpu.memory_space<vmem>>, vector<16xf32>,
      tpu.vector_store %arg9[%swap3A_55, %swap3A_56], %broadcast_in_dim3A_1 {strides = array<i32>} : memref<128x128xf32, #tpu.memory_space<vmem>>, vector<16xf32>,
      %swap3A_58 = arith.index_cast %add3A_48 : i32 to index
      %swap3A_59 = arith.constant 48 : index
      %swap3A_60 = tpu.vector_load %arg9[%swap3A_58, %swap3A_59] {strides = array<i32>} : memref<128x128xf32, #tpu.memory_space<vmem>>, vector<16xf32>,
      tpu.vector_store %arg9[%swap3A_58, %swap3A_59], %broadcast_in_dim3A_1 {strides = array<i32>} : memref<128x128xf32, #tpu.memory_space<vmem>>, vector<16xf32>,
      %swap3A_61 = arith.index_cast %add3A_48 : i32 to index
      %swap3A_62 = arith.constant 64 : index
      %swap3A_63 = tpu.vector_load %arg9[%swap3A_61, %swap3A_62] {strides = array<i32>} : memref<128x128xf32, #tpu.memory_space<vmem>>, vector<16xf32>,
      tpu.vector_store %arg9[%swap3A_61, %swap3A_62], %broadcast_in_dim3A_1 {strides = array<i32>} : memref<128x128xf32, #tpu.memory_space<vmem>>, vector<16xf32>,
      %swap3A_64 = arith.index_cast %add3A_48 : i32 to index
      %swap3A_65 = arith.constant 80 : index
      %swap3A_66 = tpu.vector_load %arg9[%swap3A_64, %swap3A_65] {strides = array<i32>} : memref<128x128xf32, #tpu.memory_space<vmem>>, vector<16xf32>,
      tpu.vector_store %arg9[%swap3A_64, %swap3A_65], %broadcast_in_dim3A_1 {strides = array<i32>} : memref<128x128xf32, #tpu.memory_space<vmem>>, vector<16xf32>,
      %swap3A_67 = arith.index_cast %add3A_48 : i32 to index
      %swap3A_68 = arith.constant 96 : index
      %swap3A_69 = tpu.vector_load %arg9[%swap3A_67, %swap3A_68] {strides = array<i32>} : memref<128x128xf32, #tpu.memory_space<vmem>>, vector<16xf32>,
      tpu.vector_store %arg9[%swap3A_67, %swap3A_68], %broadcast_in_dim3A_1 {strides = array<i32>} : memref<128x128xf32, #tpu.memory_space<vmem>>, vector<16xf32>,
      %swap3A_70 = arith.index_cast %add3A_48 : i32 to index
      %swap3A_71 = arith.constant 112 : index
      %swap3A_72 = tpu.vector_load %arg9[%swap3A_70, %swap3A_71] {strides = array<i32>} : memref<128x128xf32, #tpu.memory_space<vmem>>, vector<16xf32>,
      tpu.vector_store %arg9[%swap3A_70, %swap3A_71], %broadcast_in_dim3A_1 {strides = array<i32>} : memref<128x128xf32, #tpu.memory_space<vmem>>, vector<16xf32>,
    }
    %scan3A_7 = arith.constant 128 : i32
    %scan3A_8 = arith.constant 0 : i32
    %scan3A_9 = arith.constant 16 : i32
    %scan3A_10 = arith.addi %scan3A_8, %scan3A_9 : i32
    %scan3A_11 = arith.constant 1 : i32
    scf.for %scan3A_44 = %scan3A_8 to %scan3A_10 step %scan3A_11  : i32 {
      %mul3A_45 = arith.constant 1 : i32
      %mul3A_46 = arith.muli %scan3A_44, %mul3A_45 : i32
      %add3A_47 = arith.constant 0 : i32
      %add3A_48 = arith.addi %add3A_47, %mul3A_46 : i32
      %swap3A_49 = arith.index_cast %add3A_48 : i32 to index
      %swap3A_50 = arith.constant 0 : index
      %swap3A_51 = tpu.vector_load %arg13[%swap3A_49, %swap3A_50] {strides = array<i32>} : memref<16x2048xf32, #tpu.memory_space<vmem>>, vector<16xf32>,
      tpu.vector_store %arg13[%swap3A_49, %swap3A_50], %broadcast_in_dim3A_1 {strides = array<i32>} : memref<16x2048xf32, #tpu.memory_space<vmem>>, vector<16xf32>,
      %swap3A_52 = arith.index_cast %add3A_48 : i32 to index
      %swap3A_53 = arith.constant 16 : index
      %swap3A_54 = tpu.vector_load %arg13[%swap3A_52, %swap3A_53] {strides = array<i32>} : memref<16x2048xf32, #tpu.memory_space<vmem>>, vector<16xf32>,
      tpu.vector_store %arg13[%swap3A_52, %swap3A_53], %broadcast_in_dim3A_1 {strides = array<i32>} : memref<16x2048xf32, #tpu.memory_space<vmem>>, vector<16xf32>,
      %swap3A_55 = arith.index_cast %add3A_48 : i32 to index
      %swap3A_56 = arith.constant 32 : index
      %swap3A_57 = tpu.vector_load %arg13[%swap3A_55, %swap3A_56] {strides = array<i32>} : memref<16x2048xf32, #tpu.memory_space<vmem>>, vector<16xf32>,
      tpu.vector_store %arg13[%swap3A_55, %swap3A_56], %broadcast_in_dim3A_1 {strides = array<i32>} : memref<16x2048xf32, #tpu.memory_space<vmem>>, vector<16xf32>,
      %swap3A_58 = arith.index_cast %add3A_48 : i32 to index
      %swap3A_59 = arith.constant 48 : index
      %swap3A_60 = tpu.vector_load %arg13[%swap3A_58, %swap3A_59] {strides = array<i32>} : memref<16x2048xf32, #tpu.memory_space<vmem>>, vector<16xf32>,
      tpu.vector_store %arg13[%swap3A_58, %swap3A_59], %broadcast_in_dim3A_1 {strides = array<i32>} : memref<16x2048xf32, #tpu.memory_space<vmem>>, vector<16xf32>,
      %swap3A_61 = arith.index_cast %add3A_48 : i32 to index
      %swap3A_62 = arith.constant 64 : index
      %swap3A_63 = tpu.vector_load %arg13[%swap3A_61, %swap3A_62] {strides = array<i32>} : memref<16x2048xf32, #tpu.memory_space<vmem>>, vector<16xf32>,
      tpu.vector_store %arg13[%swap3A_61, %swap3A_62], %broadcast_in_dim3A_1 {strides = array<i32>} : memref<16x2048xf32, #tpu.memory_space<vmem>>, vector<16xf32>,
      %swap3A_64 = arith.index_cast %add3A_48 : i32 to index
      %swap3A_65 = arith.constant 80 : index
      %swap3A_66 = tpu.vector_load %arg13[%swap3A_64, %swap3A_65] {strides = array<i32>} : memref<16x2048xf32, #tpu.memory_space<vmem>>, vector<16xf32>,
      tpu.vector_store %arg13[%swap3A_64, %swap3A_65], %broadcast_in_dim3A_1 {strides = array<i32>} : memref<16x2048xf32, #tpu.memory_space<vmem>>, vector<16xf32>,
      %swap3A_67 = arith.index_cast %add3A_48 : i32 to index
      %swap3A_68 = arith.constant 96 : index
      %swap3A_69 = tpu.vector_load %arg13[%swap3A_67, %swap3A_68] {strides = array<i32>} : memref<16x2048xf32, #tpu.memory_space<vmem>>, vector<16xf32>,
      tpu.vector_store %arg13[%swap3A_67, %swap3A_68], %broadcast_in_dim3A_1 {strides = array<i32>} : memref<16x2048xf32, #tpu.memory_space<vmem>>, vector<16xf32>,
      %swap3A_70 = arith.index_cast %add3A_48 : i32 to index
      %swap3A_71 = arith.constant 112 : index
      %swap3A_72 = tpu.vector_load %arg13[%swap3A_70, %swap3A_71] {strides = array<i32>} : memref<16x2048xf32, #tpu.memory_space<vmem>>, vector<16xf32>,
      tpu.vector_store %arg13[%swap3A_70, %swap3A_71], %broadcast_in_dim3A_1 {strides = array<i32>} : memref<16x2048xf32, #tpu.memory_space<vmem>>, vector<16xf32>,
      %swap3A_73 = arith.index_cast %add3A_48 : i32 to index
      %swap3A_74 = arith.constant 128 : index
      %swap3A_75 = tpu.vector_load %arg13[%swap3A_73, %swap3A_74] {strides = array<i32>} : memref<16x2048xf32, #tpu.memory_space<vmem>>, vector<16xf32>,
      tpu.vector_store %arg13[%swap3A_73, %swap3A_74], %broadcast_in_dim3A_1 {strides = array<i32>} : memref<16x2048xf32, #tpu.memory_space<vmem>>, vector<16xf32>,
      %swap3A_76 = arith.index_cast %add3A_48 : i32 to index
      %swap3A_77 = arith.constant 144 : index
      %swap3A_78 = tpu.vector_load %arg13[%swap3A_76, %swap3A_77] {strides = array<i32>} : memref<16x2048xf32, #tpu.memory_space<vmem>>, vector<16xf32>,
      tpu.vector_store %arg13[%swap3A_76, %swap3A_77], %broadcast_in_dim3A_1 {strides = array<i32>} : memref<16x2048xf32, #tpu.memory_space<vmem>>, vector<16xf32>,
      %swap3A_79 = arith.index_cast %add3A_48 : i32 to index
      %swap3A_80 = arith.constant 160 : index
      %swap3A_81 = tpu.vector_load %arg13[%swap3A_79, %swap3A_80] {strides = array<i32>} : memref<16x2048xf32, #tpu.memory_space<vmem>>, vector<16xf32>,
      tpu.vector_store %arg13[%swap3A_79, %swap3A_80], %broadcast_in_dim3A_1 {strides = array<i32>} : memref<16x2048xf32, #tpu.memory_space<vmem>>, vector<16xf32>,
      %swap3A_82 = arith.index_cast %add3A_48 : i32 to index
      %swap3A_83 = arith.constant 176 : index
      %swap3A_84 = tpu.vector_load %arg13[%swap3A_82, %swap3A_83] {strides = array<i32>} : memref<16x2048xf32, #tpu.memory_space<vmem>>, vector<16xf32>,
      tpu.vector_store %arg13[%swap3A_82, %swap3A_83], %broadcast_in_dim3A_1 {strides = array<i32>} : memref<16x2048xf32, #tpu.memory_space<vmem>>, vector<16xf32>,
      %swap3A_85 = arith.index_cast %add3A_48 : i32 to index
      %swap3A_86 = arith.constant 192 : index
      %swap3A_87 = tpu.vector_load %arg13[%swap3A_85, %swap3A_86] {strides = array<i32>} : memref<16x2048xf32, #tpu.memory_space<vmem>>, vector<16xf32>,
      tpu.vector_store %arg13[%swap3A_85, %swap3A_86], %broadcast_in_dim3A_1 {strides = array<i32>} : memref<16x2048xf32, #tpu.memory_space<vmem>>, vector<16xf32>,
      %swap3A_88 = arith.index_cast %add3A_48 : i32 to index
      %swap3A_89 = arith.constant 208 : index
      %swap3A_90 = tpu.vector_load %arg13[%swap3A_88, %swap3A_89] {strides = array<i32>} : memref<16x2048xf32, #tpu.memory_space<vmem>>, vector<16xf32>,
      tpu.vector_store %arg13[%swap3A_88, %swap3A_89], %broadcast_in_dim3A_1 {strides = array<i32>} : memref<16x2048xf32, #tpu.memory_space<vmem>>, vector<16xf32>,
      %swap3A_91 = arith.index_cast %add3A_48 : i32 to index
      %swap3A_92 = arith.constant 224 : index
      %swap3A_93 = tpu.vector_load %arg13[%swap3A_91, %swap3A_92] {strides = array<i32>} : memref<16x2048xf32, #tpu.memory_space<vmem>>, vector<16xf32>,
      tpu.vector_store %arg13[%swap3A_91, %swap3A_92], %broadcast_in_dim3A_1 {strides = array<i32>} : memref<16x2048xf32, #tpu.memory_space<vmem>>, vector<16xf32>,
      %swap3A_94 = arith.index_cast %add3A_48 : i32 to index
      %swap3A_95 = arith.constant 240 : index
      %swap3A_96 = tpu.vector_load %arg13[%swap3A_94, %swap3A_95] {strides = array<i32>} : memref<16x2048xf32, #tpu.memory_space<vmem>>, vector<16xf32>,
      tpu.vector_store %arg13[%swap3A_94, %swap3A_95], %broadcast_in_dim3A_1 {strides = array<i32>} : memref<16x2048xf32, #tpu.memory_space<vmem>>, vector<16xf32>,
      %swap3A_97 = arith.index_cast %add3A_48 : i32 to index
      %swap3A_98 = arith.constant 256 : index
      %swap3A_99 = tpu.vector_load %arg13[%swap3A_97, %swap3A_98] {strides = array<i32>} : memref<16x2048xf32, #tpu.memory_space<vmem>>, vector<16xf32>,
      tpu.vector_store %arg13[%swap3A_97, %swap3A_98], %broadcast_in_dim3A_1 {strides = array<i32>} : memref<16x2048xf32, #tpu.memory_space<vmem>>, vector<16xf32>,
      %swap3A_100 = arith.index_cast %add3A_48 : i32 to index
      %swap3A_101 = arith.constant 272 : index
      %swap3A_102 = tpu.vector_load %arg13[%swap3A_100, %swap3A_101] {strides = array<i32>} : memref<16x2048xf32, #tpu.memory_space<vmem>>, vector<16xf32>,
      tpu.vector_store %arg13[%swap3A_100, %swap3A_101], %broadcast_in_dim3A_1 {strides = array<i32>} : memref<16x2048xf32, #tpu.memory_space<vmem>>, vector<16xf32>,
      %swap3A_103 = arith.index_cast %add3A_48 : i32 to index
      %swap3A_104 = arith.constant 288 : index
      %swap3A_105 = tpu.vector_load %arg13[%swap3A_103, %swap3A_104] {strides = array<i32>} : memref<16x2048xf32, #tpu.memory_space<vmem>>, vector<16xf32>,
      tpu.vector_store %arg13[%swap3A_103, %swap3A_104], %broadcast_in_dim3A_1 {strides = array<i32>} : memref<16x2048xf32, #tpu.memory_space<vmem>>, vector<16xf32>,
      %swap3A_106 = arith.index_cast %add3A_48 : i32 to index
      %swap3A_107 = arith.constant 304 : index
      %swap3A_108 = tpu.vector_load %arg13[%swap3A_106, %swap3A_107] {strides = array<i32>} : memref<16x2048xf32, #tpu.memory_space<vmem>>, vector<16xf32>,
      tpu.vector_store %arg13[%swap3A_106, %swap3A_107], %broadcast_in_dim3A_1 {strides = array<i32>} : memref<16x2048xf32, #tpu.memory_space<vmem>>, vector<16xf32>,
      %swap3A_109 = arith.index_cast %add3A_48 : i32 to index
      %swap3A_110 = arith.constant 320 : index
      %swap3A_111 = tpu.vector_load %arg13[%swap3A_109, %swap3A_110] {strides = array<i32>} : memref<16x2048xf32, #tpu.memory_space<vmem>>, vector<16xf32>,
      tpu.vector_store %arg13[%swap3A_109, %swap3A_110], %broadcast_in_dim3A_1 {strides = array<i32>} : memref<16x2048xf32, #tpu.memory_space<vmem>>, vector<16xf32>,
      %swap3A_112 = arith.index_cast %add3A_48 : i32 to index
      %swap3A_113 = arith.constant 336 : index
      %swap3A_114 = tpu.vector_load %arg13[%swap3A_112, %swap3A_113] {strides = array<i32>} : memref<16x2048xf32, #tpu.memory_space<vmem>>, vector<16xf32>,
      tpu.vector_store %arg13[%swap3A_112, %swap3A_113], %broadcast_in_dim3A_1 {strides = array<i32>} : memref<16x2048xf32, #tpu.memory_space<vmem>>, vector<16xf32>,
      %swap3A_115 = arith.index_cast %add3A_48 : i32 to index
      %swap3A_116 = arith.constant 352 : index
      %swap3A_117 = tpu.vector_load %arg13[%swap3A_115, %swap3A_116] {strides = array<i32>} : memref<16x2048xf32, #tpu.memory_space<vmem>>, vector<16xf32>,
      tpu.vector_store %arg13[%swap3A_115, %swap3A_116], %broadcast_in_dim3A_1 {strides = array<i32>} : memref<16x2048xf32, #tpu.memory_space<vmem>>, vector<16xf32>,
      %swap3A_118 = arith.index_cast %add3A_48 : i32 to index
      %swap3A_119 = arith.constant 368 : index
      %swap3A_120 = tpu.vector_load %arg13[%swap3A_118, %swap3A_119] {strides = array<i32>} : memref<16x2048xf32, #tpu.memory_space<vmem>>, vector<16xf32>,
      tpu.vector_store %arg13[%swap3A_118, %swap3A_119], %broadcast_in_dim3A_1 {strides = array<i32>} : memref<16x2048xf32, #tpu.memory_space<vmem>>, vector<16xf32>,
      %swap3A_121 = arith.index_cast %add3A_48 : i32 to index
      %swap3A_122 = arith.constant 384 : index
      %swap3A_123 = tpu.vector_load %arg13[%swap3A_121, %swap3A_122] {strides = array<i32>} : memref<16x2048xf32, #tpu.memory_space<vmem>>, vector<16xf32>,
      tpu.vector_store %arg13[%swap3A_121, %swap3A_122], %broadcast_in_dim3A_1 {strides = array<i32>} : memref<16x2048xf32, #tpu.memory_space<vmem>>, vector<16xf32>,
      %swap3A_124 = arith.index_cast %add3A_48 : i32 to index
      %swap3A_125 = arith.constant 400 : index
      %swap3A_126 = tpu.vector_load %arg13[%swap3A_124, %swap3A_125] {strides = array<i32>} : memref<16x2048xf32, #tpu.memory_space<vmem>>, vector<16xf32>,
      tpu.vector_store %arg13[%swap3A_124, %swap3A_125], %broadcast_in_dim3A_1 {strides = array<i32>} : memref<16x2048xf32, #tpu.memory_space<vmem>>, vector<16xf32>,
      %swap3A_127 = arith.index_cast %add3A_48 : i32 to index
      %swap3A_128 = arith.constant 416 : index
      %swap3A_129 = tpu.vector_load %arg13[%swap3A_127, %swap3A_128] {strides = array<i32>} : memref<16x2048xf32, #tpu.memory_space<vmem>>, vector<16xf32>,
      tpu.vector_store %arg13[%swap3A_127, %swap3A_128], %broadcast_in_dim3A_1 {strides = array<i32>} : memref<16x2048xf32, #tpu.memory_space<vmem>>, vector<16xf32>,
      %swap3A_130 = arith.index_cast %add3A_48 : i32 to index
      %swap3A_131 = arith.constant 432 : index
      %swap3A_132 = tpu.vector_load %arg13[%swap3A_130, %swap3A_131] {strides = array<i32>} : memref<16x2048xf32, #tpu.memory_space<vmem>>, vector<16xf32>,
      tpu.vector_store %arg13[%swap3A_130, %swap3A_131], %broadcast_in_dim3A_1 {strides = array<i32>} : memref<16x2048xf32, #tpu.memory_space<vmem>>, vector<16xf32>,
      %swap3A_133 = arith.index_cast %add3A_48 : i32 to index
      %swap3A_134 = arith.constant 448 : index
      %swap3A_135 = tpu.vector_load %arg13[%swap3A_133, %swap3A_134] {strides = array<i32>} : memref<16x2048xf32, #tpu.memory_space<vmem>>, vector<16xf32>,
      tpu.vector_store %arg13[%swap3A_133, %swap3A_134], %broadcast_in_dim3A_1 {strides = array<i32>} : memref<16x2048xf32, #tpu.memory_space<vmem>>, vector<16xf32>,
      %swap3A_136 = arith.index_cast %add3A_48 : i32 to index
      %swap3A_137 = arith.constant 464 : index
      %swap3A_138 = tpu.vector_load %arg13[%swap3A_136, %swap3A_137] {strides = array<i32>} : memref<16x2048xf32, #tpu.memory_space<vmem>>, vector<16xf32>,
      tpu.vector_store %arg13[%swap3A_136, %swap3A_137], %broadcast_in_dim3A_1 {strides = array<i32>} : memref<16x2048xf32, #tpu.memory_space<vmem>>, vector<16xf32>,
      %swap3A_139 = arith.index_cast %add3A_48 : i32 to index
      %swap3A_140 = arith.constant 480 : index
      %swap3A_141 = tpu.vector_load %arg13[%swap3A_139, %swap3A_140] {strides = array<i32>} : memref<16x2048xf32, #tpu.memory_space<vmem>>, vector<16xf32>,
      tpu.vector_store %arg13[%swap3A_139, %swap3A_140], %broadcast_in_dim3A_1 {strides = array<i32>} : memref<16x2048xf32, #tpu.memory_space<vmem>>, vector<16xf32>,
      %swap3A_142 = arith.index_cast %add3A_48 : i32 to index
      %swap3A_143 = arith.constant 496 : index
      %swap3A_144 = tpu.vector_load %arg13[%swap3A_142, %swap3A_143] {strides = array<i32>} : memref<16x2048xf32, #tpu.memory_space<vmem>>, vector<16xf32>,
      tpu.vector_store %arg13[%swap3A_142, %swap3A_143], %broadcast_in_dim3A_1 {strides = array<i32>} : memref<16x2048xf32, #tpu.memory_space<vmem>>, vector<16xf32>,
      %swap3A_145 = arith.index_cast %add3A_48 : i32 to index
      %swap3A_146 = arith.constant 512 : index
      %swap3A_147 = tpu.vector_load %arg13[%swap3A_145, %swap3A_146] {strides = array<i32>} : memref<16x2048xf32, #tpu.memory_space<vmem>>, vector<16xf32>,
      tpu.vector_store %arg13[%swap3A_145, %swap3A_146], %broadcast_in_dim3A_1 {strides = array<i32>} : memref<16x2048xf32, #tpu.memory_space<vmem>>, vector<16xf32>,
      %swap3A_148 = arith.index_cast %add3A_48 : i32 to index
      %swap3A_149 = arith.constant 528 : index
      %swap3A_150 = tpu.vector_load %arg13[%swap3A_148, %swap3A_149] {strides = array<i32>} : memref<16x2048xf32, #tpu.memory_space<vmem>>, vector<16xf32>,
      tpu.vector_store %arg13[%swap3A_148, %swap3A_149], %broadcast_in_dim3A_1 {strides = array<i32>} : memref<16x2048xf32, #tpu.memory_space<vmem>>, vector<16xf32>,
      %swap3A_151 = arith.index_cast %add3A_48 : i32 to index
      %swap3A_152 = arith.constant 544 : index
      %swap3A_153 = tpu.vector_load %arg13[%swap3A_151, %swap3A_152] {strides = array<i32>} : memref<16x2048xf32, #tpu.memory_space<vmem>>, vector<16xf32>,
      tpu.vector_store %arg13[%swap3A_151, %swap3A_152], %broadcast_in_dim3A_1 {strides = array<i32>} : memref<16x2048xf32, #tpu.memory_space<vmem>>, vector<16xf32>,
      %swap3A_154 = arith.index_cast %add3A_48 : i32 to index
      %swap3A_155 = arith.constant 560 : index
      %swap3A_156 = tpu.vector_load %arg13[%swap3A_154, %swap3A_155] {strides = array<i32>} : memref<16x2048xf32, #tpu.memory_space<vmem>>, vector<16xf32>,
      tpu.vector_store %arg13[%swap3A_154, %swap3A_155], %broadcast_in_dim3A_1 {strides = array<i32>} : memref<16x2048xf32, #tpu.memory_space<vmem>>, vector<16xf32>,
      %swap3A_157 = arith.index_cast %add3A_48 : i32 to index
      %swap3A_158 = arith.constant 576 : index
      %swap3A_159 = tpu.vector_load %arg13[%swap3A_157, %swap3A_158] {strides = array<i32>} : memref<16x2048xf32, #tpu.memory_space<vmem>>, vector<16xf32>,
      tpu.vector_store %arg13[%swap3A_157, %swap3A_158], %broadcast_in_dim3A_1 {strides = array<i32>} : memref<16x2048xf32, #tpu.memory_space<vmem>>, vector<16xf32>,
      %swap3A_160 = arith.index_cast %add3A_48 : i32 to index
      %swap3A_161 = arith.constant 592 : index
      %swap3A_162 = tpu.vector_load %arg13[%swap3A_160, %swap3A_161] {strides = array<i32>} : memref<16x2048xf32, #tpu.memory_space<vmem>>, vector<16xf32>,
      tpu.vector_store %arg13[%swap3A_160, %swap3A_161], %broadcast_in_dim3A_1 {strides = array<i32>} : memref<16x2048xf32, #tpu.memory_space<vmem>>, vector<16xf32>,
      %swap3A_163 = arith.index_cast %add3A_48 : i32 to index
      %swap3A_164 = arith.constant 608 : index
      %swap3A_165 = tpu.vector_load %arg13[%swap3A_163, %swap3A_164] {strides = array<i32>} : memref<16x2048xf32, #tpu.memory_space<vmem>>, vector<16xf32>,
      tpu.vector_store %arg13[%swap3A_163, %swap3A_164], %broadcast_in_dim3A_1 {strides = array<i32>} : memref<16x2048xf32, #tpu.memory_space<vmem>>, vector<16xf32>,
      %swap3A_166 = arith.index_cast %add3A_48 : i32 to index
      %swap3A_167 = arith.constant 624 : index
      %swap3A_168 = tpu.vector_load %arg13[%swap3A_166, %swap3A_167] {strides = array<i32>} : memref<16x2048xf32, #tpu.memory_space<vmem>>, vector<16xf32>,
      tpu.vector_store %arg13[%swap3A_166, %swap3A_167], %broadcast_in_dim3A_1 {strides = array<i32>} : memref<16x2048xf32, #tpu.memory_space<vmem>>, vector<16xf32>,
      %swap3A_169 = arith.index_cast %add3A_48 : i32 to index
      %swap3A_170 = arith.constant 640 : index
      %swap3A_171 = tpu.vector_load %arg13[%swap3A_169, %swap3A_170] {strides = array<i32>} : memref<16x2048xf32, #tpu.memory_space<vmem>>, vector<16xf32>,
      tpu.vector_store %arg13[%swap3A_169, %swap3A_170], %broadcast_in_dim3A_1 {strides = array<i32>} : memref<16x2048xf32, #tpu.memory_space<vmem>>, vector<16xf32>,
      %swap3A_172 = arith.index_cast %add3A_48 : i32 to index
      %swap3A_173 = arith.constant 656 : index
      %swap3A_174 = tpu.vector_load %arg13[%swap3A_172, %swap3A_173] {strides = array<i32>} : memref<16x2048xf32, #tpu.memory_space<vmem>>, vector<16xf32>,
      tpu.vector_store %arg13[%swap3A_172, %swap3A_173], %broadcast_in_dim3A_1 {strides = array<i32>} : memref<16x2048xf32, #tpu.memory_space<vmem>>, vector<16xf32>,
      %swap3A_175 = arith.index_cast %add3A_48 : i32 to index
      %swap3A_176 = arith.constant 672 : index
      %swap3A_177 = tpu.vector_load %arg13[%swap3A_175, %swap3A_176] {strides = array<i32>} : memref<16x2048xf32, #tpu.memory_space<vmem>>, vector<16xf32>,
      tpu.vector_store %arg13[%swap3A_175, %swap3A_176], %broadcast_in_dim3A_1 {strides = array<i32>} : memref<16x2048xf32, #tpu.memory_space<vmem>>, vector<16xf32>,
      %swap3A_178 = arith.index_cast %add3A_48 : i32 to index
      %swap3A_179 = arith.constant 688 : index
      %swap3A_180 = tpu.vector_load %arg13[%swap3A_178, %swap3A_179] {strides = array<i32>} : memref<16x2048xf32, #tpu.memory_space<vmem>>, vector<16xf32>,
      tpu.vector_store %arg13[%swap3A_178, %swap3A_179], %broadcast_in_dim3A_1 {strides = array<i32>} : memref<16x2048xf32, #tpu.memory_space<vmem>>, vector<16xf32>,
      %swap3A_181 = arith.index_cast %add3A_48 : i32 to index
      %swap3A_182 = arith.constant 704 : index
      %swap3A_183 = tpu.vector_load %arg13[%swap3A_181, %swap3A_182] {strides = array<i32>} : memref<16x2048xf32, #tpu.memory_space<vmem>>, vector<16xf32>,
      tpu.vector_store %arg13[%swap3A_181, %swap3A_182], %broadcast_in_dim3A_1 {strides = array<i32>} : memref<16x2048xf32, #tpu.memory_space<vmem>>, vector<16xf32>,
      %swap3A_184 = arith.index_cast %add3A_48 : i32 to index
      %swap3A_185 = arith.constant 720 : index
      %swap3A_186 = tpu.vector_load %arg13[%swap3A_184, %swap3A_185] {strides = array<i32>} : memref<16x2048xf32, #tpu.memory_space<vmem>>, vector<16xf32>,
      tpu.vector_store %arg13[%swap3A_184, %swap3A_185], %broadcast_in_dim3A_1 {strides = array<i32>} : memref<16x2048xf32, #tpu.memory_space<vmem>>, vector<16xf32>,
      %swap3A_187 = arith.index_cast %add3A_48 : i32 to index
      %swap3A_188 = arith.constant 736 : index
      %swap3A_189 = tpu.vector_load %arg13[%swap3A_187, %swap3A_188] {strides = array<i32>} : memref<16x2048xf32, #tpu.memory_space<vmem>>, vector<16xf32>,
      tpu.vector_store %arg13[%swap3A_187, %swap3A_188], %broadcast_in_dim3A_1 {strides = array<i32>} : memref<16x2048xf32, #tpu.memory_space<vmem>>, vector<16xf32>,
      %swap3A_190 = arith.index_cast %add3A_48 : i32 to index
      %swap3A_191 = arith.constant 752 : index
      %swap3A_192 = tpu.vector_load %arg13[%swap3A_190, %swap3A_191] {strides = array<i32>} : memref<16x2048xf32, #tpu.memory_space<vmem>>, vector<16xf32>,
      tpu.vector_store %arg13[%swap3A_190, %swap3A_191], %broadcast_in_dim3A_1 {strides = array<i32>} : memref<16x2048xf32, #tpu.memory_space<vmem>>, vector<16xf32>,
      %swap3A_193 = arith.index_cast %add3A_48 : i32 to index
      %swap3A_194 = arith.constant 768 : index
      %swap3A_195 = tpu.vector_load %arg13[%swap3A_193, %swap3A_194] {strides = array<i32>} : memref<16x2048xf32, #tpu.memory_space<vmem>>, vector<16xf32>,
      tpu.vector_store %arg13[%swap3A_193, %swap3A_194], %broadcast_in_dim3A_1 {strides = array<i32>} : memref<16x2048xf32, #tpu.memory_space<vmem>>, vector<16xf32>,
      %swap3A_196 = arith.index_cast %add3A_48 : i32 to index
      %swap3A_197 = arith.constant 784 : index
      %swap3A_198 = tpu.vector_load %arg13[%swap3A_196, %swap3A_197] {strides = array<i32>} : memref<16x2048xf32, #tpu.memory_space<vmem>>, vector<16xf32>,
      tpu.vector_store %arg13[%swap3A_196, %swap3A_197], %broadcast_in_dim3A_1 {strides = array<i32>} : memref<16x2048xf32, #tpu.memory_space<vmem>>, vector<16xf32>,
      %swap3A_199 = arith.index_cast %add3A_48 : i32 to index
      %swap3A_200 = arith.constant 800 : index
      %swap3A_201 = tpu.vector_load %arg13[%swap3A_199, %swap3A_200] {strides = array<i32>} : memref<16x2048xf32, #tpu.memory_space<vmem>>, vector<16xf32>,
      tpu.vector_store %arg13[%swap3A_199, %swap3A_200], %broadcast_in_dim3A_1 {strides = array<i32>} : memref<16x2048xf32, #tpu.memory_space<vmem>>, vector<16xf32>,
      %swap3A_202 = arith.index_cast %add3A_48 : i32 to index
      %swap3A_203 = arith.constant 816 : index
      %swap3A_204 = tpu.vector_load %arg13[%swap3A_202, %swap3A_203] {strides = array<i32>} : memref<16x2048xf32, #tpu.memory_space<vmem>>, vector<16xf32>,
      tpu.vector_store %arg13[%swap3A_202, %swap3A_203], %broadcast_in_dim3A_1 {strides = array<i32>} : memref<16x2048xf32, #tpu.memory_space<vmem>>, vector<16xf32>,
      %swap3A_205 = arith.index_cast %add3A_48 : i32 to index
      %swap3A_206 = arith.constant 832 : index
      %swap3A_207 = tpu.vector_load %arg13[%swap3A_205, %swap3A_206] {strides = array<i32>} : memref<16x2048xf32, #tpu.memory_space<vmem>>, vector<16xf32>,
      tpu.vector_store %arg13[%swap3A_205, %swap3A_206], %broadcast_in_dim3A_1 {strides = array<i32>} : memref<16x2048xf32, #tpu.memory_space<vmem>>, vector<16xf32>,
      %swap3A_208 = arith.index_cast %add3A_48 : i32 to index
      %swap3A_209 = arith.constant 848 : index
      %swap3A_210 = tpu.vector_load %arg13[%swap3A_208, %swap3A_209] {strides = array<i32>} : memref<16x2048xf32, #tpu.memory_space<vmem>>, vector<16xf32>,
      tpu.vector_store %arg13[%swap3A_208, %swap3A_209], %broadcast_in_dim3A_1 {strides = array<i32>} : memref<16x2048xf32, #tpu.memory_space<vmem>>, vector<16xf32>,
      %swap3A_211 = arith.index_cast %add3A_48 : i32 to index
      %swap3A_212 = arith.constant 864 : index
      %swap3A_213 = tpu.vector_load %arg13[%swap3A_211, %swap3A_212] {strides = array<i32>} : memref<16x2048xf32, #tpu.memory_space<vmem>>, vector<16xf32>,
      tpu.vector_store %arg13[%swap3A_211, %swap3A_212], %broadcast_in_dim3A_1 {strides = array<i32>} : memref<16x2048xf32, #tpu.memory_space<vmem>>, vector<16xf32>,
      %swap3A_214 = arith.index_cast %add3A_48 : i32 to index
      %swap3A_215 = arith.constant 880 : index
      %swap3A_216 = tpu.vector_load %arg13[%swap3A_214, %swap3A_215] {strides = array<i32>} : memref<16x2048xf32, #tpu.memory_space<vmem>>, vector<16xf32>,
      tpu.vector_store %arg13[%swap3A_214, %swap3A_215], %broadcast_in_dim3A_1 {strides = array<i32>} : memref<16x2048xf32, #tpu.memory_space<vmem>>, vector<16xf32>,
      %swap3A_217 = arith.index_cast %add3A_48 : i32 to index
      %swap3A_218 = arith.constant 896 : index
      %swap3A_219 = tpu.vector_load %arg13[%swap3A_217, %swap3A_218] {strides = array<i32>} : memref<16x2048xf32, #tpu.memory_space<vmem>>, vector<16xf32>,
      tpu.vector_store %arg13[%swap3A_217, %swap3A_218], %broadcast_in_dim3A_1 {strides = array<i32>} : memref<16x2048xf32, #tpu.memory_space<vmem>>, vector<16xf32>,
      %swap3A_220 = arith.index_cast %add3A_48 : i32 to index
      %swap3A_221 = arith.constant 912 : index
      %swap3A_222 = tpu.vector_load %arg13[%swap3A_220, %swap3A_221] {strides = array<i32>} : memref<16x2048xf32, #tpu.memory_space<vmem>>, vector<16xf32>,
      tpu.vector_store %arg13[%swap3A_220, %swap3A_221], %broadcast_in_dim3A_1 {strides = array<i32>} : memref<16x2048xf32, #tpu.memory_space<vmem>>, vector<16xf32>,
      %swap3A_223 = arith.index_cast %add3A_48 : i32 to index
      %swap3A_224 = arith.constant 928 : index
      %swap3A_225 = tpu.vector_load %arg13[%swap3A_223, %swap3A_224] {strides = array<i32>} : memref<16x2048xf32, #tpu.memory_space<vmem>>, vector<16xf32>,
      tpu.vector_store %arg13[%swap3A_223, %swap3A_224], %broadcast_in_dim3A_1 {strides = array<i32>} : memref<16x2048xf32, #tpu.memory_space<vmem>>, vector<16xf32>,
      %swap3A_226 = arith.index_cast %add3A_48 : i32 to index
      %swap3A_227 = arith.constant 944 : index
      %swap3A_228 = tpu.vector_load %arg13[%swap3A_226, %swap3A_227] {strides = array<i32>} : memref<16x2048xf32, #tpu.memory_space<vmem>>, vector<16xf32>,
      tpu.vector_store %arg13[%swap3A_226, %swap3A_227], %broadcast_in_dim3A_1 {strides = array<i32>} : memref<16x2048xf32, #tpu.memory_space<vmem>>, vector<16xf32>,
      %swap3A_229 = arith.index_cast %add3A_48 : i32 to index
      %swap3A_230 = arith.constant 960 : index
      %swap3A_231 = tpu.vector_load %arg13[%swap3A_229, %swap3A_230] {strides = array<i32>} : memref<16x2048xf32, #tpu.memory_space<vmem>>, vector<16xf32>,
      tpu.vector_store %arg13[%swap3A_229, %swap3A_230], %broadcast_in_dim3A_1 {strides = array<i32>} : memref<16x2048xf32, #tpu.memory_space<vmem>>, vector<16xf32>,
      %swap3A_232 = arith.index_cast %add3A_48 : i32 to index
      %swap3A_233 = arith.constant 976 : index
      %swap3A_234 = tpu.vector_load %arg13[%swap3A_232, %swap3A_233] {strides = array<i32>} : memref<16x2048xf32, #tpu.memory_space<vmem>>, vector<16xf32>,
      tpu.vector_store %arg13[%swap3A_232, %swap3A_233], %broadcast_in_dim3A_1 {strides = array<i32>} : memref<16x2048xf32, #tpu.memory_space<vmem>>, vector<16xf32>,
      %swap3A_235 = arith.index_cast %add3A_48 : i32 to index
      %swap3A_236 = arith.constant 992 : index
      %swap3A_237 = tpu.vector_load %arg13[%swap3A_235, %swap3A_236] {strides = array<i32>} : memref<16x2048xf32, #tpu.memory_space<vmem>>, vector<16xf32>,
      tpu.vector_store %arg13[%swap3A_235, %swap3A_236], %broadcast_in_dim3A_1 {strides = array<i32>} : memref<16x2048xf32, #tpu.memory_space<vmem>>, vector<16xf32>,
      %swap3A_238 = arith.index_cast %add3A_48 : i32 to index
      %swap3A_239 = arith.constant 1008 : index
      %swap3A_240 = tpu.vector_load %arg13[%swap3A_238, %swap3A_239] {strides = array<i32>} : memref<16x2048xf32, #tpu.memory_space<vmem>>, vector<16xf32>,
      tpu.vector_store %arg13[%swap3A_238, %swap3A_239], %broadcast_in_dim3A_1 {strides = array<i32>} : memref<16x2048xf32, #tpu.memory_space<vmem>>, vector<16xf32>,
      %swap3A_241 = arith.index_cast %add3A_48 : i32 to index
      %swap3A_242 = arith.constant 1024 : index
      %swap3A_243 = tpu.vector_load %arg13[%swap3A_241, %swap3A_242] {strides = array<i32>} : memref<16x2048xf32, #tpu.memory_space<vmem>>, vector<16xf32>,
      tpu.vector_store %arg13[%swap3A_241, %swap3A_242], %broadcast_in_dim3A_1 {strides = array<i32>} : memref<16x2048xf32, #tpu.memory_space<vmem>>, vector<16xf32>,
      %swap3A_244 = arith.index_cast %add3A_48 : i32 to index
      %swap3A_245 = arith.constant 1040 : index
      %swap3A_246 = tpu.vector_load %arg13[%swap3A_244, %swap3A_245] {strides = array<i32>} : memref<16x2048xf32, #tpu.memory_space<vmem>>, vector<16xf32>,
      tpu.vector_store %arg13[%swap3A_244, %swap3A_245], %broadcast_in_dim3A_1 {strides = array<i32>} : memref<16x2048xf32, #tpu.memory_space<vmem>>, vector<16xf32>,
      %swap3A_247 = arith.index_cast %add3A_48 : i32 to index
      %swap3A_248 = arith.constant 1056 : index
      %swap3A_249 = tpu.vector_load %arg13[%swap3A_247, %swap3A_248] {strides = array<i32>} : memref<16x2048xf32, #tpu.memory_space<vmem>>, vector<16xf32>,
      tpu.vector_store %arg13[%swap3A_247, %swap3A_248], %broadcast_in_dim3A_1 {strides = array<i32>} : memref<16x2048xf32, #tpu.memory_space<vmem>>, vector<16xf32>,
      %swap3A_250 = arith.index_cast %add3A_48 : i32 to index
      %swap3A_251 = arith.constant 1072 : index
      %swap3A_252 = tpu.vector_load %arg13[%swap3A_250, %swap3A_251] {strides = array<i32>} : memref<16x2048xf32, #tpu.memory_space<vmem>>, vector<16xf32>,
      tpu.vector_store %arg13[%swap3A_250, %swap3A_251], %broadcast_in_dim3A_1 {strides = array<i32>} : memref<16x2048xf32, #tpu.memory_space<vmem>>, vector<16xf32>,
      %swap3A_253 = arith.index_cast %add3A_48 : i32 to index
      %swap3A_254 = arith.constant 1088 : index
      %swap3A_255 = tpu.vector_load %arg13[%swap3A_253, %swap3A_254] {strides = array<i32>} : memref<16x2048xf32, #tpu.memory_space<vmem>>, vector<16xf32>,
      tpu.vector_store %arg13[%swap3A_253, %swap3A_254], %broadcast_in_dim3A_1 {strides = array<i32>} : memref<16x2048xf32, #tpu.memory_space<vmem>>, vector<16xf32>,
      %swap3A_256 = arith.index_cast %add3A_48 : i32 to index
      %swap3A_257 = arith.constant 1104 : index
      %swap3A_258 = tpu.vector_load %arg13[%swap3A_256, %swap3A_257] {strides = array<i32>} : memref<16x2048xf32, #tpu.memory_space<vmem>>, vector<16xf32>,
      tpu.vector_store %arg13[%swap3A_256, %swap3A_257], %broadcast_in_dim3A_1 {strides = array<i32>} : memref<16x2048xf32, #tpu.memory_space<vmem>>, vector<16xf32>,
      %swap3A_259 = arith.index_cast %add3A_48 : i32 to index
      %swap3A_260 = arith.constant 1120 : index
      %swap3A_261 = tpu.vector_load %arg13[%swap3A_259, %swap3A_260] {strides = array<i32>} : memref<16x2048xf32, #tpu.memory_space<vmem>>, vector<16xf32>,
      tpu.vector_store %arg13[%swap3A_259, %swap3A_260], %broadcast_in_dim3A_1 {strides = array<i32>} : memref<16x2048xf32, #tpu.memory_space<vmem>>, vector<16xf32>,
      %swap3A_262 = arith.index_cast %add3A_48 : i32 to index
      %swap3A_263 = arith.constant 1136 : index
      %swap3A_264 = tpu.vector_load %arg13[%swap3A_262, %swap3A_263] {strides = array<i32>} : memref<16x2048xf32, #tpu.memory_space<vmem>>, vector<16xf32>,
      tpu.vector_store %arg13[%swap3A_262, %swap3A_263], %broadcast_in_dim3A_1 {strides = array<i32>} : memref<16x2048xf32, #tpu.memory_space<vmem>>, vector<16xf32>,
      %swap3A_265 = arith.index_cast %add3A_48 : i32 to index
      %swap3A_266 = arith.constant 1152 : index
      %swap3A_267 = tpu.vector_load %arg13[%swap3A_265, %swap3A_266] {strides = array<i32>} : memref<16x2048xf32, #tpu.memory_space<vmem>>, vector<16xf32>,
      tpu.vector_store %arg13[%swap3A_265, %swap3A_266], %broadcast_in_dim3A_1 {strides = array<i32>} : memref<16x2048xf32, #tpu.memory_space<vmem>>, vector<16xf32>,
      %swap3A_268 = arith.index_cast %add3A_48 : i32 to index
      %swap3A_269 = arith.constant 1168 : index
      %swap3A_270 = tpu.vector_load %arg13[%swap3A_268, %swap3A_269] {strides = array<i32>} : memref<16x2048xf32, #tpu.memory_space<vmem>>, vector<16xf32>,
      tpu.vector_store %arg13[%swap3A_268, %swap3A_269], %broadcast_in_dim3A_1 {strides = array<i32>} : memref<16x2048xf32, #tpu.memory_space<vmem>>, vector<16xf32>,
      %swap3A_271 = arith.index_cast %add3A_48 : i32 to index
      %swap3A_272 = arith.constant 1184 : index
      %swap3A_273 = tpu.vector_load %arg13[%swap3A_271, %swap3A_272] {strides = array<i32>} : memref<16x2048xf32, #tpu.memory_space<vmem>>, vector<16xf32>,
      tpu.vector_store %arg13[%swap3A_271, %swap3A_272], %broadcast_in_dim3A_1 {strides = array<i32>} : memref<16x2048xf32, #tpu.memory_space<vmem>>, vector<16xf32>,
      %swap3A_274 = arith.index_cast %add3A_48 : i32 to index
      %swap3A_275 = arith.constant 1200 : index
      %swap3A_276 = tpu.vector_load %arg13[%swap3A_274, %swap3A_275] {strides = array<i32>} : memref<16x2048xf32, #tpu.memory_space<vmem>>, vector<16xf32>,
      tpu.vector_store %arg13[%swap3A_274, %swap3A_275], %broadcast_in_dim3A_1 {strides = array<i32>} : memref<16x2048xf32, #tpu.memory_space<vmem>>, vector<16xf32>,
      %swap3A_277 = arith.index_cast %add3A_48 : i32 to index
      %swap3A_278 = arith.constant 1216 : index
      %swap3A_279 = tpu.vector_load %arg13[%swap3A_277, %swap3A_278] {strides = array<i32>} : memref<16x2048xf32, #tpu.memory_space<vmem>>, vector<16xf32>,
      tpu.vector_store %arg13[%swap3A_277, %swap3A_278], %broadcast_in_dim3A_1 {strides = array<i32>} : memref<16x2048xf32, #tpu.memory_space<vmem>>, vector<16xf32>,
      %swap3A_280 = arith.index_cast %add3A_48 : i32 to index
      %swap3A_281 = arith.constant 1232 : index
      %swap3A_282 = tpu.vector_load %arg13[%swap3A_280, %swap3A_281] {strides = array<i32>} : memref<16x2048xf32, #tpu.memory_space<vmem>>, vector<16xf32>,
      tpu.vector_store %arg13[%swap3A_280, %swap3A_281], %broadcast_in_dim3A_1 {strides = array<i32>} : memref<16x2048xf32, #tpu.memory_space<vmem>>, vector<16xf32>,
      %swap3A_283 = arith.index_cast %add3A_48 : i32 to index
      %swap3A_284 = arith.constant 1248 : index
      %swap3A_285 = tpu.vector_load %arg13[%swap3A_283, %swap3A_284] {strides = array<i32>} : memref<16x2048xf32, #tpu.memory_space<vmem>>, vector<16xf32>,
      tpu.vector_store %arg13[%swap3A_283, %swap3A_284], %broadcast_in_dim3A_1 {strides = array<i32>} : memref<16x2048xf32, #tpu.memory_space<vmem>>, vector<16xf32>,
      %swap3A_286 = arith.index_cast %add3A_48 : i32 to index
      %swap3A_287 = arith.constant 1264 : index
      %swap3A_288 = tpu.vector_load %arg13[%swap3A_286, %swap3A_287] {strides = array<i32>} : memref<16x2048xf32, #tpu.memory_space<vmem>>, vector<16xf32>,
      tpu.vector_store %arg13[%swap3A_286, %swap3A_287], %broadcast_in_dim3A_1 {strides = array<i32>} : memref<16x2048xf32, #tpu.memory_space<vmem>>, vector<16xf32>,
      %swap3A_289 = arith.index_cast %add3A_48 : i32 to index
      %swap3A_290 = arith.constant 1280 : index
      %swap3A_291 = tpu.vector_load %arg13[%swap3A_289, %swap3A_290] {strides = array<i32>} : memref<16x2048xf32, #tpu.memory_space<vmem>>, vector<16xf32>,
      tpu.vector_store %arg13[%swap3A_289, %swap3A_290], %broadcast_in_dim3A_1 {strides = array<i32>} : memref<16x2048xf32, #tpu.memory_space<vmem>>, vector<16xf32>,
      %swap3A_292 = arith.index_cast %add3A_48 : i32 to index
      %swap3A_293 = arith.constant 1296 : index
      %swap3A_294 = tpu.vector_load %arg13[%swap3A_292, %swap3A_293] {strides = array<i32>} : memref<16x2048xf32, #tpu.memory_space<vmem>>, vector<16xf32>,
      tpu.vector_store %arg13[%swap3A_292, %swap3A_293], %broadcast_in_dim3A_1 {strides = array<i32>} : memref<16x2048xf32, #tpu.memory_space<vmem>>, vector<16xf32>,
      %swap3A_295 = arith.index_cast %add3A_48 : i32 to index
      %swap3A_296 = arith.constant 1312 : index
      %swap3A_297 = tpu.vector_load %arg13[%swap3A_295, %swap3A_296] {strides = array<i32>} : memref<16x2048xf32, #tpu.memory_space<vmem>>, vector<16xf32>,
      tpu.vector_store %arg13[%swap3A_295, %swap3A_296], %broadcast_in_dim3A_1 {strides = array<i32>} : memref<16x2048xf32, #tpu.memory_space<vmem>>, vector<16xf32>,
      %swap3A_298 = arith.index_cast %add3A_48 : i32 to index
      %swap3A_299 = arith.constant 1328 : index
      %swap3A_300 = tpu.vector_load %arg13[%swap3A_298, %swap3A_299] {strides = array<i32>} : memref<16x2048xf32, #tpu.memory_space<vmem>>, vector<16xf32>,
      tpu.vector_store %arg13[%swap3A_298, %swap3A_299], %broadcast_in_dim3A_1 {strides = array<i32>} : memref<16x2048xf32, #tpu.memory_space<vmem>>, vector<16xf32>,
      %swap3A_301 = arith.index_cast %add3A_48 : i32 to index
      %swap3A_302 = arith.constant 1344 : index
      %swap3A_303 = tpu.vector_load %arg13[%swap3A_301, %swap3A_302] {strides = array<i32>} : memref<16x2048xf32, #tpu.memory_space<vmem>>, vector<16xf32>,
      tpu.vector_store %arg13[%swap3A_301, %swap3A_302], %broadcast_in_dim3A_1 {strides = array<i32>} : memref<16x2048xf32, #tpu.memory_space<vmem>>, vector<16xf32>,
      %swap3A_304 = arith.index_cast %add3A_48 : i32 to index
      %swap3A_305 = arith.constant 1360 : index
      %swap3A_306 = tpu.vector_load %arg13[%swap3A_304, %swap3A_305] {strides = array<i32>} : memref<16x2048xf32, #tpu.memory_space<vmem>>, vector<16xf32>,
      tpu.vector_store %arg13[%swap3A_304, %swap3A_305], %broadcast_in_dim3A_1 {strides = array<i32>} : memref<16x2048xf32, #tpu.memory_space<vmem>>, vector<16xf32>,
      %swap3A_307 = arith.index_cast %add3A_48 : i32 to index
      %swap3A_308 = arith.constant 1376 : index
      %swap3A_309 = tpu.vector_load %arg13[%swap3A_307, %swap3A_308] {strides = array<i32>} : memref<16x2048xf32, #tpu.memory_space<vmem>>, vector<16xf32>,
      tpu.vector_store %arg13[%swap3A_307, %swap3A_308], %broadcast_in_dim3A_1 {strides = array<i32>} : memref<16x2048xf32, #tpu.memory_space<vmem>>, vector<16xf32>,
      %swap3A_310 = arith.index_cast %add3A_48 : i32 to index
      %swap3A_311 = arith.constant 1392 : index
      %swap3A_312 = tpu.vector_load %arg13[%swap3A_310, %swap3A_311] {strides = array<i32>} : memref<16x2048xf32, #tpu.memory_space<vmem>>, vector<16xf32>,
      tpu.vector_store %arg13[%swap3A_310, %swap3A_311], %broadcast_in_dim3A_1 {strides = array<i32>} : memref<16x2048xf32, #tpu.memory_space<vmem>>, vector<16xf32>,
      %swap3A_313 = arith.index_cast %add3A_48 : i32 to index
      %swap3A_314 = arith.constant 1408 : index
      %swap3A_315 = tpu.vector_load %arg13[%swap3A_313, %swap3A_314] {strides = array<i32>} : memref<16x2048xf32, #tpu.memory_space<vmem>>, vector<16xf32>,
      tpu.vector_store %arg13[%swap3A_313, %swap3A_314], %broadcast_in_dim3A_1 {strides = array<i32>} : memref<16x2048xf32, #tpu.memory_space<vmem>>, vector<16xf32>,
      %swap3A_316 = arith.index_cast %add3A_48 : i32 to index
      %swap3A_317 = arith.constant 1424 : index
      %swap3A_318 = tpu.vector_load %arg13[%swap3A_316, %swap3A_317] {strides = array<i32>} : memref<16x2048xf32, #tpu.memory_space<vmem>>, vector<16xf32>,
      tpu.vector_store %arg13[%swap3A_316, %swap3A_317], %broadcast_in_dim3A_1 {strides = array<i32>} : memref<16x2048xf32, #tpu.memory_space<vmem>>, vector<16xf32>,
      %swap3A_319 = arith.index_cast %add3A_48 : i32 to index
      %swap3A_320 = arith.constant 1440 : index
      %swap3A_321 = tpu.vector_load %arg13[%swap3A_319, %swap3A_320] {strides = array<i32>} : memref<16x2048xf32, #tpu.memory_space<vmem>>, vector<16xf32>,
      tpu.vector_store %arg13[%swap3A_319, %swap3A_320], %broadcast_in_dim3A_1 {strides = array<i32>} : memref<16x2048xf32, #tpu.memory_space<vmem>>, vector<16xf32>,
      %swap3A_322 = arith.index_cast %add3A_48 : i32 to index
      %swap3A_323 = arith.constant 1456 : index
      %swap3A_324 = tpu.vector_load %arg13[%swap3A_322, %swap3A_323] {strides = array<i32>} : memref<16x2048xf32, #tpu.memory_space<vmem>>, vector<16xf32>,
      tpu.vector_store %arg13[%swap3A_322, %swap3A_323], %broadcast_in_dim3A_1 {strides = array<i32>} : memref<16x2048xf32, #tpu.memory_space<vmem>>, vector<16xf32>,
      %swap3A_325 = arith.index_cast %add3A_48 : i32 to index
      %swap3A_326 = arith.constant 1472 : index
      %swap3A_327 = tpu.vector_load %arg13[%swap3A_325, %swap3A_326] {strides = array<i32>} : memref<16x2048xf32, #tpu.memory_space<vmem>>, vector<16xf32>,
      tpu.vector_store %arg13[%swap3A_325, %swap3A_326], %broadcast_in_dim3A_1 {strides = array<i32>} : memref<16x2048xf32, #tpu.memory_space<vmem>>, vector<16xf32>,
      %swap3A_328 = arith.index_cast %add3A_48 : i32 to index
      %swap3A_329 = arith.constant 1488 : index
      %swap3A_330 = tpu.vector_load %arg13[%swap3A_328, %swap3A_329] {strides = array<i32>} : memref<16x2048xf32, #tpu.memory_space<vmem>>, vector<16xf32>,
      tpu.vector_store %arg13[%swap3A_328, %swap3A_329], %broadcast_in_dim3A_1 {strides = array<i32>} : memref<16x2048xf32, #tpu.memory_space<vmem>>, vector<16xf32>,
      %swap3A_331 = arith.index_cast %add3A_48 : i32 to index
      %swap3A_332 = arith.constant 1504 : index
      %swap3A_333 = tpu.vector_load %arg13[%swap3A_331, %swap3A_332] {strides = array<i32>} : memref<16x2048xf32, #tpu.memory_space<vmem>>, vector<16xf32>,
      tpu.vector_store %arg13[%swap3A_331, %swap3A_332], %broadcast_in_dim3A_1 {strides = array<i32>} : memref<16x2048xf32, #tpu.memory_space<vmem>>, vector<16xf32>,
      %swap3A_334 = arith.index_cast %add3A_48 : i32 to index
      %swap3A_335 = arith.constant 1520 : index
      %swap3A_336 = tpu.vector_load %arg13[%swap3A_334, %swap3A_335] {strides = array<i32>} : memref<16x2048xf32, #tpu.memory_space<vmem>>, vector<16xf32>,
      tpu.vector_store %arg13[%swap3A_334, %swap3A_335], %broadcast_in_dim3A_1 {strides = array<i32>} : memref<16x2048xf32, #tpu.memory_space<vmem>>, vector<16xf32>,
      %swap3A_337 = arith.index_cast %add3A_48 : i32 to index
      %swap3A_338 = arith.constant 1536 : index
      %swap3A_339 = tpu.vector_load %arg13[%swap3A_337, %swap3A_338] {strides = array<i32>} : memref<16x2048xf32, #tpu.memory_space<vmem>>, vector<16xf32>,
      tpu.vector_store %arg13[%swap3A_337, %swap3A_338], %broadcast_in_dim3A_1 {strides = array<i32>} : memref<16x2048xf32, #tpu.memory_space<vmem>>, vector<16xf32>,
      %swap3A_340 = arith.index_cast %add3A_48 : i32 to index
      %swap3A_341 = arith.constant 1552 : index
      %swap3A_342 = tpu.vector_load %arg13[%swap3A_340, %swap3A_341] {strides = array<i32>} : memref<16x2048xf32, #tpu.memory_space<vmem>>, vector<16xf32>,
      tpu.vector_store %arg13[%swap3A_340, %swap3A_341], %broadcast_in_dim3A_1 {strides = array<i32>} : memref<16x2048xf32, #tpu.memory_space<vmem>>, vector<16xf32>,
      %swap3A_343 = arith.index_cast %add3A_48 : i32 to index
      %swap3A_344 = arith.constant 1568 : index
      %swap3A_345 = tpu.vector_load %arg13[%swap3A_343, %swap3A_344] {strides = array<i32>} : memref<16x2048xf32, #tpu.memory_space<vmem>>, vector<16xf32>,
      tpu.vector_store %arg13[%swap3A_343, %swap3A_344], %broadcast_in_dim3A_1 {strides = array<i32>} : memref<16x2048xf32, #tpu.memory_space<vmem>>, vector<16xf32>,
      %swap3A_346 = arith.index_cast %add3A_48 : i32 to index
      %swap3A_347 = arith.constant 1584 : index
      %swap3A_348 = tpu.vector_load %arg13[%swap3A_346, %swap3A_347] {strides = array<i32>} : memref<16x2048xf32, #tpu.memory_space<vmem>>, vector<16xf32>,
      tpu.vector_store %arg13[%swap3A_346, %swap3A_347], %broadcast_in_dim3A_1 {strides = array<i32>} : memref<16x2048xf32, #tpu.memory_space<vmem>>, vector<16xf32>,
      %swap3A_349 = arith.index_cast %add3A_48 : i32 to index
      %swap3A_350 = arith.constant 1600 : index
      %swap3A_351 = tpu.vector_load %arg13[%swap3A_349, %swap3A_350] {strides = array<i32>} : memref<16x2048xf32, #tpu.memory_space<vmem>>, vector<16xf32>,
      tpu.vector_store %arg13[%swap3A_349, %swap3A_350], %broadcast_in_dim3A_1 {strides = array<i32>} : memref<16x2048xf32, #tpu.memory_space<vmem>>, vector<16xf32>,
      %swap3A_352 = arith.index_cast %add3A_48 : i32 to index
      %swap3A_353 = arith.constant 1616 : index
      %swap3A_354 = tpu.vector_load %arg13[%swap3A_352, %swap3A_353] {strides = array<i32>} : memref<16x2048xf32, #tpu.memory_space<vmem>>, vector<16xf32>,
      tpu.vector_store %arg13[%swap3A_352, %swap3A_353], %broadcast_in_dim3A_1 {strides = array<i32>} : memref<16x2048xf32, #tpu.memory_space<vmem>>, vector<16xf32>,
      %swap3A_355 = arith.index_cast %add3A_48 : i32 to index
      %swap3A_356 = arith.constant 1632 : index
      %swap3A_357 = tpu.vector_load %arg13[%swap3A_355, %swap3A_356] {strides = array<i32>} : memref<16x2048xf32, #tpu.memory_space<vmem>>, vector<16xf32>,
      tpu.vector_store %arg13[%swap3A_355, %swap3A_356], %broadcast_in_dim3A_1 {strides = array<i32>} : memref<16x2048xf32, #tpu.memory_space<vmem>>, vector<16xf32>,
      %swap3A_358 = arith.index_cast %add3A_48 : i32 to index
      %swap3A_359 = arith.constant 1648 : index
      %swap3A_360 = tpu.vector_load %arg13[%swap3A_358, %swap3A_359] {strides = array<i32>} : memref<16x2048xf32, #tpu.memory_space<vmem>>, vector<16xf32>,
      tpu.vector_store %arg13[%swap3A_358, %swap3A_359], %broadcast_in_dim3A_1 {strides = array<i32>} : memref<16x2048xf32, #tpu.memory_space<vmem>>, vector<16xf32>,
      %swap3A_361 = arith.index_cast %add3A_48 : i32 to index
      %swap3A_362 = arith.constant 1664 : index
      %swap3A_363 = tpu.vector_load %arg13[%swap3A_361, %swap3A_362] {strides = array<i32>} : memref<16x2048xf32, #tpu.memory_space<vmem>>, vector<16xf32>,
      tpu.vector_store %arg13[%swap3A_361, %swap3A_362], %broadcast_in_dim3A_1 {strides = array<i32>} : memref<16x2048xf32, #tpu.memory_space<vmem>>, vector<16xf32>,
      %swap3A_364 = arith.index_cast %add3A_48 : i32 to index
      %swap3A_365 = arith.constant 1680 : index
      %swap3A_366 = tpu.vector_load %arg13[%swap3A_364, %swap3A_365] {strides = array<i32>} : memref<16x2048xf32, #tpu.memory_space<vmem>>, vector<16xf32>,
      tpu.vector_store %arg13[%swap3A_364, %swap3A_365], %broadcast_in_dim3A_1 {strides = array<i32>} : memref<16x2048xf32, #tpu.memory_space<vmem>>, vector<16xf32>,
      %swap3A_367 = arith.index_cast %add3A_48 : i32 to index
      %swap3A_368 = arith.constant 1696 : index
      %swap3A_369 = tpu.vector_load %arg13[%swap3A_367, %swap3A_368] {strides = array<i32>} : memref<16x2048xf32, #tpu.memory_space<vmem>>, vector<16xf32>,
      tpu.vector_store %arg13[%swap3A_367, %swap3A_368], %broadcast_in_dim3A_1 {strides = array<i32>} : memref<16x2048xf32, #tpu.memory_space<vmem>>, vector<16xf32>,
      %swap3A_370 = arith.index_cast %add3A_48 : i32 to index
      %swap3A_371 = arith.constant 1712 : index
      %swap3A_372 = tpu.vector_load %arg13[%swap3A_370, %swap3A_371] {strides = array<i32>} : memref<16x2048xf32, #tpu.memory_space<vmem>>, vector<16xf32>,
      tpu.vector_store %arg13[%swap3A_370, %swap3A_371], %broadcast_in_dim3A_1 {strides = array<i32>} : memref<16x2048xf32, #tpu.memory_space<vmem>>, vector<16xf32>,
      %swap3A_373 = arith.index_cast %add3A_48 : i32 to index
      %swap3A_374 = arith.constant 1728 : index
      %swap3A_375 = tpu.vector_load %arg13[%swap3A_373, %swap3A_374] {strides = array<i32>} : memref<16x2048xf32, #tpu.memory_space<vmem>>, vector<16xf32>,
      tpu.vector_store %arg13[%swap3A_373, %swap3A_374], %broadcast_in_dim3A_1 {strides = array<i32>} : memref<16x2048xf32, #tpu.memory_space<vmem>>, vector<16xf32>,
      %swap3A_376 = arith.index_cast %add3A_48 : i32 to index
      %swap3A_377 = arith.constant 1744 : index
      %swap3A_378 = tpu.vector_load %arg13[%swap3A_376, %swap3A_377] {strides = array<i32>} : memref<16x2048xf32, #tpu.memory_space<vmem>>, vector<16xf32>,
      tpu.vector_store %arg13[%swap3A_376, %swap3A_377], %broadcast_in_dim3A_1 {strides = array<i32>} : memref<16x2048xf32, #tpu.memory_space<vmem>>, vector<16xf32>,
      %swap3A_379 = arith.index_cast %add3A_48 : i32 to index
      %swap3A_380 = arith.constant 1760 : index
      %swap3A_381 = tpu.vector_load %arg13[%swap3A_379, %swap3A_380] {strides = array<i32>} : memref<16x2048xf32, #tpu.memory_space<vmem>>, vector<16xf32>,
      tpu.vector_store %arg13[%swap3A_379, %swap3A_380], %broadcast_in_dim3A_1 {strides = array<i32>} : memref<16x2048xf32, #tpu.memory_space<vmem>>, vector<16xf32>,
      %swap3A_382 = arith.index_cast %add3A_48 : i32 to index
      %swap3A_383 = arith.constant 1776 : index
      %swap3A_384 = tpu.vector_load %arg13[%swap3A_382, %swap3A_383] {strides = array<i32>} : memref<16x2048xf32, #tpu.memory_space<vmem>>, vector<16xf32>,
      tpu.vector_store %arg13[%swap3A_382, %swap3A_383], %broadcast_in_dim3A_1 {strides = array<i32>} : memref<16x2048xf32, #tpu.memory_space<vmem>>, vector<16xf32>,
      %swap3A_385 = arith.index_cast %add3A_48 : i32 to index
      %swap3A_386 = arith.constant 1792 : index
      %swap3A_387 = tpu.vector_load %arg13[%swap3A_385, %swap3A_386] {strides = array<i32>} : memref<16x2048xf32, #tpu.memory_space<vmem>>, vector<16xf32>,
      tpu.vector_store %arg13[%swap3A_385, %swap3A_386], %broadcast_in_dim3A_1 {strides = array<i32>} : memref<16x2048xf32, #tpu.memory_space<vmem>>, vector<16xf32>,
      %swap3A_388 = arith.index_cast %add3A_48 : i32 to index
      %swap3A_389 = arith.constant 1808 : index
      %swap3A_390 = tpu.vector_load %arg13[%swap3A_388, %swap3A_389] {strides = array<i32>} : memref<16x2048xf32, #tpu.memory_space<vmem>>, vector<16xf32>,
      tpu.vector_store %arg13[%swap3A_388, %swap3A_389], %broadcast_in_dim3A_1 {strides = array<i32>} : memref<16x2048xf32, #tpu.memory_space<vmem>>, vector<16xf32>,
      %swap3A_391 = arith.index_cast %add3A_48 : i32 to index
      %swap3A_392 = arith.constant 1824 : index
      %swap3A_393 = tpu.vector_load %arg13[%swap3A_391, %swap3A_392] {strides = array<i32>} : memref<16x2048xf32, #tpu.memory_space<vmem>>, vector<16xf32>,
      tpu.vector_store %arg13[%swap3A_391, %swap3A_392], %broadcast_in_dim3A_1 {strides = array<i32>} : memref<16x2048xf32, #tpu.memory_space<vmem>>, vector<16xf32>,
      %swap3A_394 = arith.index_cast %add3A_48 : i32 to index
      %swap3A_395 = arith.constant 1840 : index
      %swap3A_396 = tpu.vector_load %arg13[%swap3A_394, %swap3A_395] {strides = array<i32>} : memref<16x2048xf32, #tpu.memory_space<vmem>>, vector<16xf32>,
      tpu.vector_store %arg13[%swap3A_394, %swap3A_395], %broadcast_in_dim3A_1 {strides = array<i32>} : memref<16x2048xf32, #tpu.memory_space<vmem>>, vector<16xf32>,
      %swap3A_397 = arith.index_cast %add3A_48 : i32 to index
      %swap3A_398 = arith.constant 1856 : index
      %swap3A_399 = tpu.vector_load %arg13[%swap3A_397, %swap3A_398] {strides = array<i32>} : memref<16x2048xf32, #tpu.memory_space<vmem>>, vector<16xf32>,
      tpu.vector_store %arg13[%swap3A_397, %swap3A_398], %broadcast_in_dim3A_1 {strides = array<i32>} : memref<16x2048xf32, #tpu.memory_space<vmem>>, vector<16xf32>,
      %swap3A_400 = arith.index_cast %add3A_48 : i32 to index
      %swap3A_401 = arith.constant 1872 : index
      %swap3A_402 = tpu.vector_load %arg13[%swap3A_400, %swap3A_401] {strides = array<i32>} : memref<16x2048xf32, #tpu.memory_space<vmem>>, vector<16xf32>,
      tpu.vector_store %arg13[%swap3A_400, %swap3A_401], %broadcast_in_dim3A_1 {strides = array<i32>} : memref<16x2048xf32, #tpu.memory_space<vmem>>, vector<16xf32>,
      %swap3A_403 = arith.index_cast %add3A_48 : i32 to index
      %swap3A_404 = arith.constant 1888 : index
      %swap3A_405 = tpu.vector_load %arg13[%swap3A_403, %swap3A_404] {strides = array<i32>} : memref<16x2048xf32, #tpu.memory_space<vmem>>, vector<16xf32>,
      tpu.vector_store %arg13[%swap3A_403, %swap3A_404], %broadcast_in_dim3A_1 {strides = array<i32>} : memref<16x2048xf32, #tpu.memory_space<vmem>>, vector<16xf32>,
      %swap3A_406 = arith.index_cast %add3A_48 : i32 to index
      %swap3A_407 = arith.constant 1904 : index
      %swap3A_408 = tpu.vector_load %arg13[%swap3A_406, %swap3A_407] {strides = array<i32>} : memref<16x2048xf32, #tpu.memory_space<vmem>>, vector<16xf32>,
      tpu.vector_store %arg13[%swap3A_406, %swap3A_407], %broadcast_in_dim3A_1 {strides = array<i32>} : memref<16x2048xf32, #tpu.memory_space<vmem>>, vector<16xf32>,
      %swap3A_409 = arith.index_cast %add3A_48 : i32 to index
      %swap3A_410 = arith.constant 1920 : index
      %swap3A_411 = tpu.vector_load %arg13[%swap3A_409, %swap3A_410] {strides = array<i32>} : memref<16x2048xf32, #tpu.memory_space<vmem>>, vector<16xf32>,
      tpu.vector_store %arg13[%swap3A_409, %swap3A_410], %broadcast_in_dim3A_1 {strides = array<i32>} : memref<16x2048xf32, #tpu.memory_space<vmem>>, vector<16xf32>,
      %swap3A_412 = arith.index_cast %add3A_48 : i32 to index
      %swap3A_413 = arith.constant 1936 : index
      %swap3A_414 = tpu.vector_load %arg13[%swap3A_412, %swap3A_413] {strides = array<i32>} : memref<16x2048xf32, #tpu.memory_space<vmem>>, vector<16xf32>,
      tpu.vector_store %arg13[%swap3A_412, %swap3A_413], %broadcast_in_dim3A_1 {strides = array<i32>} : memref<16x2048xf32, #tpu.memory_space<vmem>>, vector<16xf32>,
      %swap3A_415 = arith.index_cast %add3A_48 : i32 to index
      %swap3A_416 = arith.constant 1952 : index
      %swap3A_417 = tpu.vector_load %arg13[%swap3A_415, %swap3A_416] {strides = array<i32>} : memref<16x2048xf32, #tpu.memory_space<vmem>>, vector<16xf32>,
      tpu.vector_store %arg13[%swap3A_415, %swap3A_416], %broadcast_in_dim3A_1 {strides = array<i32>} : memref<16x2048xf32, #tpu.memory_space<vmem>>, vector<16xf32>,
      %swap3A_418 = arith.index_cast %add3A_48 : i32 to index
      %swap3A_419 = arith.constant 1968 : index
      %swap3A_420 = tpu.vector_load %arg13[%swap3A_418, %swap3A_419] {strides = array<i32>} : memref<16x2048xf32, #tpu.memory_space<vmem>>, vector<16xf32>,
      tpu.vector_store %arg13[%swap3A_418, %swap3A_419], %broadcast_in_dim3A_1 {strides = array<i32>} : memref<16x2048xf32, #tpu.memory_space<vmem>>, vector<16xf32>,
      %swap3A_421 = arith.index_cast %add3A_48 : i32 to index
      %swap3A_422 = arith.constant 1984 : index
      %swap3A_423 = tpu.vector_load %arg13[%swap3A_421, %swap3A_422] {strides = array<i32>} : memref<16x2048xf32, #tpu.memory_space<vmem>>, vector<16xf32>,
      tpu.vector_store %arg13[%swap3A_421, %swap3A_422], %broadcast_in_dim3A_1 {strides = array<i32>} : memref<16x2048xf32, #tpu.memory_space<vmem>>, vector<16xf32>,
      %swap3A_424 = arith.index_cast %add3A_48 : i32 to index
      %swap3A_425 = arith.constant 2000 : index
      %swap3A_426 = tpu.vector_load %arg13[%swap3A_424, %swap3A_425] {strides = array<i32>} : memref<16x2048xf32, #tpu.memory_space<vmem>>, vector<16xf32>,
      tpu.vector_store %arg13[%swap3A_424, %swap3A_425], %broadcast_in_dim3A_1 {strides = array<i32>} : memref<16x2048xf32, #tpu.memory_space<vmem>>, vector<16xf32>,
      %swap3A_427 = arith.index_cast %add3A_48 : i32 to index
      %swap3A_428 = arith.constant 2016 : index
      %swap3A_429 = tpu.vector_load %arg13[%swap3A_427, %swap3A_428] {strides = array<i32>} : memref<16x2048xf32, #tpu.memory_space<vmem>>, vector<16xf32>,
      tpu.vector_store %arg13[%swap3A_427, %swap3A_428], %broadcast_in_dim3A_1 {strides = array<i32>} : memref<16x2048xf32, #tpu.memory_space<vmem>>, vector<16xf32>,
      %swap3A_430 = arith.index_cast %add3A_48 : i32 to index
      %swap3A_431 = arith.constant 2032 : index
      %swap3A_432 = tpu.vector_load %arg13[%swap3A_430, %swap3A_431] {strides = array<i32>} : memref<16x2048xf32, #tpu.memory_space<vmem>>, vector<16xf32>,
      tpu.vector_store %arg13[%swap3A_430, %swap3A_431], %broadcast_in_dim3A_1 {strides = array<i32>} : memref<16x2048xf32, #tpu.memory_space<vmem>>, vector<16xf32>,
    }
    %scan3A_12 = arith.constant 16 : i32
    %swap3A = arith.constant 0 : index
    %swap3A_13 = tpu.vector_load %arg15[%swap3A] {strides = array<i32>} : memref<16xi32, #tpu.memory_space<vmem>>, vector<16xi32>,
    tpu.vector_store %arg15[%swap3A], %iota3A {strides = array<i32>} : memref<16xi32, #tpu.memory_space<vmem>>, vector<16xi32>,
    %mul3A_14 = arith.constant 128 : i32
    %mul3A_15 = arith.muli %arg1, %mul3A_14 : i32
    "tpu.region"() ({
      %run_scoped3A = tpu.sem_alloc : memref<!tpu.dma_semaphore, #tpu.memory_space<semaphore_mem>>
      %dma_start3A = arith.constant 0 : i32
      %dma_start3A_44 = arith.constant 0 : i32
      %dma_start3A_45 = tpu.memref_slice %arg9[%dma_start3A, %dma_start3A_44] : memref<128x128xf32, #tpu.memory_space<vmem>> -> memref<128x128xf32, #tpu.memory_space<vmem>>
      %dma_start3A_46 = arith.constant 0 : i32
      %dma_start3A_47 = tpu.memref_slice %arg16[%mul3A_15, %dma_start3A_46] : memref<2048x128xf32, #tpu.memory_space<vmem_shared>> -> memref<128x128xf32, #tpu.memory_space<vmem_shared>>
      %dma_start3A_48 = arith.constant 0 : i32
      %dma_start3A_49 = tpu.memref_slice %arg16[%mul3A_15, %dma_start3A_48] : memref<2048x128xf32, #tpu.memory_space<vmem_shared>> -> memref<128x128xf32, #tpu.memory_space<vmem_shared>>
      %dma_start3A_50 = arith.constant 0 : i32
      %dma_start3A_51 = arith.constant 0 : i32
      %dma_start3A_52 = tpu.memref_slice %arg9[%dma_start3A_50, %dma_start3A_51] : memref<128x128xf32, #tpu.memory_space<vmem>> -> memref<128x128xf32, #tpu.memory_space<vmem>>
      tpu.enqueue_dma source(%dma_start3A_52 : memref<128x128xf32, #tpu.memory_space<vmem>>) target(%dma_start3A_49 : memref<128x128xf32, #tpu.memory_space<vmem_shared>>) target_semaphore(%run_scoped3A : memref<!tpu.dma_semaphore, #tpu.memory_space<semaphore_mem>>)
      %dma_wait3A = arith.constant 0 : i32
      %dma_wait3A_53 = arith.constant 0 : i32
      %dma_wait3A_54 = tpu.memref_slice %arg9[%dma_wait3A, %dma_wait3A_53] : memref<128x128xf32, #tpu.memory_space<vmem>> -> memref<128x128xf32, #tpu.memory_space<vmem>>
      %dma_wait3A_55 = arith.constant 0 : i32
      %dma_wait3A_56 = tpu.memref_slice %arg16[%mul3A_15, %dma_wait3A_55] : memref<2048x128xf32, #tpu.memory_space<vmem_shared>> -> memref<128x128xf32, #tpu.memory_space<vmem_shared>>
      %dma_wait3A_57 = arith.constant 0 : i32
      %dma_wait3A_58 = tpu.memref_slice %arg16[%mul3A_15, %dma_wait3A_57] : memref<2048x128xf32, #tpu.memory_space<vmem_shared>> -> memref<128x128xf32, #tpu.memory_space<vmem_shared>>
      %dma_wait3A_59 = arith.constant 0 : i32
      %dma_wait3A_60 = arith.constant 0 : i32
      %dma_wait3A_61 = tpu.memref_slice %arg9[%dma_wait3A_59, %dma_wait3A_60] : memref<128x128xf32, #tpu.memory_space<vmem>> -> memref<128x128xf32, #tpu.memory_space<vmem>>
      tpu.wait_dma2 semaphore(%run_scoped3A : memref<!tpu.dma_semaphore, #tpu.memory_space<semaphore_mem>>) src(%dma_wait3A_61 : memref<128x128xf32, #tpu.memory_space<vmem>>) dst(%dma_wait3A_58 : memref<128x128xf32, #tpu.memory_space<vmem_shared>>)
      tpu.yield
    }) : () -> ()
    %eq3A = arith.constant 0 : i32
    %eq3A_16 = arith.cmpi eq, %arg1, %eq3A : i32
    %convert_element_type3A = arith.extui %eq3A_16 : i1 to i32
    %cond3A = arith.constant 0 : i32
    %cond3A_17 = arith.cmpi ne, %convert_element_type3A, %cond3A : i32
    scf.if %cond3A_17 {
      "tpu.region"() ({
        %run_scoped3A = tpu.sem_alloc : memref<!tpu.dma_semaphore, #tpu.memory_space<semaphore_mem>>
        %dma_start3A = arith.constant 0 : i32
        %dma_start3A_44 = arith.constant 0 : i32
        %dma_start3A_45 = tpu.memref_slice %arg9[%dma_start3A, %dma_start3A_44] : memref<128x128xf32, #tpu.memory_space<vmem>> -> memref<16x128xf32, #tpu.memory_space<vmem>>
        %dma_start3A_46 = arith.constant 0 : i32
        %dma_start3A_47 = arith.constant 0 : i32
        %dma_start3A_48 = tpu.memref_slice %arg9[%dma_start3A_46, %dma_start3A_47] : memref<128x128xf32, #tpu.memory_space<vmem>> -> memref<16x128xf32, #tpu.memory_space<vmem>>
        tpu.enqueue_dma source(%dma_start3A_48 : memref<16x128xf32, #tpu.memory_space<vmem>>) target(%arg17 : memref<16x128xf32, #tpu.memory_space<vmem_shared>>) target_semaphore(%run_scoped3A : memref<!tpu.dma_semaphore, #tpu.memory_space<semaphore_mem>>)
        %dma_wait3A = arith.constant 0 : i32
        %dma_wait3A_49 = arith.constant 0 : i32
        %dma_wait3A_50 = tpu.memref_slice %arg9[%dma_wait3A, %dma_wait3A_49] : memref<128x128xf32, #tpu.memory_space<vmem>> -> memref<16x128xf32, #tpu.memory_space<vmem>>
        %dma_wait3A_51 = arith.constant 0 : i32
        %dma_wait3A_52 = arith.constant 0 : i32
        %dma_wait3A_53 = tpu.memref_slice %arg9[%dma_wait3A_51, %dma_wait3A_52] : memref<128x128xf32, #tpu.memory_space<vmem>> -> memref<16x128xf32, #tpu.memory_space<vmem>>
        tpu.wait_dma2 semaphore(%run_scoped3A : memref<!tpu.dma_semaphore, #tpu.memory_space<semaphore_mem>>) src(%dma_wait3A_53 : memref<16x128xf32, #tpu.memory_space<vmem>>) dst(%arg17 : memref<16x128xf32, #tpu.memory_space<vmem_shared>>)
        tpu.yield
      }) : () -> ()
    } else {
    }
    %barrier3A = arith.constant 0 : index
    tpu.barrier barrier_id(%barrier3A)
    %sub3A = arith.constant 2500 : i32
    %sub3A_18 = arith.subi %sub3A, %add3A : i32
    %sub3A_19 = arith.constant 64 : i32
    %sub3A_20 = arith.constant 1 : i32
    %sub3A_21 = arith.subi %sub3A_19, %sub3A_20 : i32
    %add3A_22 = arith.addi %sub3A_18, %sub3A_21 : i32
    %div3A = arith.constant 64 : i32
    %div3A_23 = arith.divsi %add3A_22, %div3A : i32
    %while3A = arith.constant 64 : i32
    %while3A_24 = arith.constant 0 : i32
    %while3A_25 = arith.subi %div3A_23, %while3A_24 : i32
    %while3A_26 = arith.addi %while3A_24, %while3A_25 : i32
    %while3A_27 = arith.constant 1 : i32
    %while3A_28 = arith.divsi %while3A_25, %while3A_27 : i32
    %while3A_29 = arith.muli %while3A_28, %while3A_27 : i32
    %while3A_30 = arith.addi %while3A_24, %while3A_29 : i32
    %while3A_31 = arith.constant 1 : i32
    scf.for %while3A_44 = %while3A_24 to %while3A_30 step %while3A_31  : i32 {
      %mul3A_45 = arith.muli %while3A_44, %while3A : i32
      %add3A_46 = arith.addi %add3A, %mul3A_45 : i32
      %mul3A_47 = arith.constant 128 : i32
      %mul3A_48 = arith.muli %add3A_46, %mul3A_47 : i32
      "tpu.region"() ({
        %run_scoped3A = tpu.sem_alloc : memref<!tpu.dma_semaphore, #tpu.memory_space<semaphore_mem>>
        %dma_start3A_79 = tpu.memref_slice %arg3[%mul3A_48] : memref<320000xi32, #tpu.memory_space<hbm>> -> memref<128xi32, #tpu.memory_space<hbm>>
        %dma_start3A_80 = tpu.memref_slice %arg3[%mul3A_48] : memref<320000xi32, #tpu.memory_space<hbm>> -> memref<128xi32, #tpu.memory_space<hbm>>
        tpu.enqueue_dma source(%dma_start3A_80 : memref<128xi32, #tpu.memory_space<hbm>>) target(%arg7 : memref<128xi32, #tpu.memory_space<vmem>>) target_semaphore(%run_scoped3A : memref<!tpu.dma_semaphore, #tpu.memory_space<semaphore_mem>>)
        %dma_wait3A_81 = tpu.memref_slice %arg3[%mul3A_48] : memref<320000xi32, #tpu.memory_space<hbm>> -> memref<128xi32, #tpu.memory_space<hbm>>
        %dma_wait3A_82 = tpu.memref_slice %arg3[%mul3A_48] : memref<320000xi32, #tpu.memory_space<hbm>> -> memref<128xi32, #tpu.memory_space<hbm>>
        tpu.wait_dma2 semaphore(%run_scoped3A : memref<!tpu.dma_semaphore, #tpu.memory_space<semaphore_mem>>) src(%dma_wait3A_82 : memref<128xi32, #tpu.memory_space<hbm>>) dst(%arg7 : memref<128xi32, #tpu.memory_space<vmem>>)
        tpu.yield
      }) : () -> ()
      "tpu.region"() ({
        %run_scoped3A = tpu.sem_alloc : memref<!tpu.dma_semaphore, #tpu.memory_space<semaphore_mem>>
        %dma_start3A_79 = tpu.memref_slice %arg4[%mul3A_48] : memref<320000xi32, #tpu.memory_space<hbm>> -> memref<128xi32, #tpu.memory_space<hbm>>
        %dma_start3A_80 = tpu.memref_slice %arg4[%mul3A_48] : memref<320000xi32, #tpu.memory_space<hbm>> -> memref<128xi32, #tpu.memory_space<hbm>>
        tpu.enqueue_dma source(%dma_start3A_80 : memref<128xi32, #tpu.memory_space<hbm>>) target(%arg8 : memref<128xi32, #tpu.memory_space<vmem>>) target_semaphore(%run_scoped3A : memref<!tpu.dma_semaphore, #tpu.memory_space<semaphore_mem>>)
        %dma_wait3A_81 = tpu.memref_slice %arg4[%mul3A_48] : memref<320000xi32, #tpu.memory_space<hbm>> -> memref<128xi32, #tpu.memory_space<hbm>>
        %dma_wait3A_82 = tpu.memref_slice %arg4[%mul3A_48] : memref<320000xi32, #tpu.memory_space<hbm>> -> memref<128xi32, #tpu.memory_space<hbm>>
        tpu.wait_dma2 semaphore(%run_scoped3A : memref<!tpu.dma_semaphore, #tpu.memory_space<semaphore_mem>>) src(%dma_wait3A_82 : memref<128xi32, #tpu.memory_space<hbm>>) dst(%arg8 : memref<128xi32, #tpu.memory_space<vmem>>)
        tpu.yield
      }) : () -> ()
      %dma_start3A = arith.constant 0 : i32
      %dma_start3A_49 = arith.constant 0 : i32
      %dma_start3A_50 = tpu.memref_slice %arg2[%dma_start3A, %dma_start3A_49] : memref<10000x128xf32, #tpu.memory_space<hbm>> -> memref<10000x128xf32, #tpu.memory_space<hbm>>
      tpu.enqueue_indirect_dma source(%dma_start3A_50 : memref<10000x128xf32, #tpu.memory_space<hbm>>) target(%arg9 : memref<128x128xf32, #tpu.memory_space<vmem>>) offsets(%arg7 : memref<128xi32, #tpu.memory_space<vmem>>) semaphore(%arg18 : memref<!tpu.dma_semaphore, #tpu.memory_space<semaphore_mem>>)
      %add3A_51 = arith.constant 32 : i32
      %add3A_52 = arith.addi %add3A_46, %add3A_51 : i32
      %lt3A = arith.constant 2500 : i32
      %lt3A_53 = arith.cmpi slt, %add3A_52, %lt3A : i32
      %convert_element_type3A_54 = arith.extui %lt3A_53 : i1 to i32
      %cond3A_55 = arith.constant 0 : i32
      %cond3A_56 = arith.cmpi ne, %convert_element_type3A_54, %cond3A_55 : i32
      scf.if %cond3A_56 {
        %mul3A_79 = arith.constant 128 : i32
        %mul3A_80 = arith.muli %add3A_52, %mul3A_79 : i32
        "tpu.region"() ({
          %run_scoped3A = tpu.sem_alloc : memref<!tpu.dma_semaphore, #tpu.memory_space<semaphore_mem>>
          %dma_start3A_84 = tpu.memref_slice %arg3[%mul3A_80] : memref<320000xi32, #tpu.memory_space<hbm>> -> memref<128xi32, #tpu.memory_space<hbm>>
          %dma_start3A_85 = tpu.memref_slice %arg3[%mul3A_80] : memref<320000xi32, #tpu.memory_space<hbm>> -> memref<128xi32, #tpu.memory_space<hbm>>
          tpu.enqueue_dma source(%dma_start3A_85 : memref<128xi32, #tpu.memory_space<hbm>>) target(%arg10 : memref<128xi32, #tpu.memory_space<vmem>>) target_semaphore(%run_scoped3A : memref<!tpu.dma_semaphore, #tpu.memory_space<semaphore_mem>>)
          %dma_wait3A_86 = tpu.memref_slice %arg3[%mul3A_80] : memref<320000xi32, #tpu.memory_space<hbm>> -> memref<128xi32, #tpu.memory_space<hbm>>
          %dma_wait3A_87 = tpu.memref_slice %arg3[%mul3A_80] : memref<320000xi32, #tpu.memory_space<hbm>> -> memref<128xi32, #tpu.memory_space<hbm>>
          tpu.wait_dma2 semaphore(%run_scoped3A : memref<!tpu.dma_semaphore, #tpu.memory_space<semaphore_mem>>) src(%dma_wait3A_87 : memref<128xi32, #tpu.memory_space<hbm>>) dst(%arg10 : memref<128xi32, #tpu.memory_space<vmem>>)
          tpu.yield
        }) : () -> ()
        "tpu.region"() ({
          %run_scoped3A = tpu.sem_alloc : memref<!tpu.dma_semaphore, #tpu.memory_space<semaphore_mem>>
          %dma_start3A_84 = tpu.memref_slice %arg4[%mul3A_80] : memref<320000xi32, #tpu.memory_space<hbm>> -> memref<128xi32, #tpu.memory_space<hbm>>
          %dma_start3A_85 = tpu.memref_slice %arg4[%mul3A_80] : memref<320000xi32, #tpu.memory_space<hbm>> -> memref<128xi32, #tpu.memory_space<hbm>>
          tpu.enqueue_dma source(%dma_start3A_85 : memref<128xi32, #tpu.memory_space<hbm>>) target(%arg11 : memref<128xi32, #tpu.memory_space<vmem>>) target_semaphore(%run_scoped3A : memref<!tpu.dma_semaphore, #tpu.memory_space<semaphore_mem>>)
          %dma_wait3A_86 = tpu.memref_slice %arg4[%mul3A_80] : memref<320000xi32, #tpu.memory_space<hbm>> -> memref<128xi32, #tpu.memory_space<hbm>>
          %dma_wait3A_87 = tpu.memref_slice %arg4[%mul3A_80] : memref<320000xi32, #tpu.memory_space<hbm>> -> memref<128xi32, #tpu.memory_space<hbm>>
          tpu.wait_dma2 semaphore(%run_scoped3A : memref<!tpu.dma_semaphore, #tpu.memory_space<semaphore_mem>>) src(%dma_wait3A_87 : memref<128xi32, #tpu.memory_space<hbm>>) dst(%arg11 : memref<128xi32, #tpu.memory_space<vmem>>)
          tpu.yield
        }) : () -> ()
        %dma_start3A_81 = arith.constant 0 : i32
        %dma_start3A_82 = arith.constant 0 : i32
        %dma_start3A_83 = tpu.memref_slice %arg2[%dma_start3A_81, %dma_start3A_82] : memref<10000x128xf32, #tpu.memory_space<hbm>> -> memref<10000x128xf32, #tpu.memory_space<hbm>>
        tpu.enqueue_indirect_dma source(%dma_start3A_83 : memref<10000x128xf32, #tpu.memory_space<hbm>>) target(%arg12 : memref<128x128xf32, #tpu.memory_space<vmem>>) offsets(%arg10 : memref<128xi32, #tpu.memory_space<vmem>>) semaphore(%arg19 : memref<!tpu.dma_semaphore, #tpu.memory_space<semaphore_mem>>)
      } else {
      }
      %dma_wait3A = arith.constant 0 : i32
      %dma_wait3A_57 = arith.constant 0 : i32
      %dma_wait3A_58 = tpu.memref_slice %arg2[%dma_wait3A, %dma_wait3A_57] : memref<10000x128xf32, #tpu.memory_space<hbm>> -> memref<10000x128xf32, #tpu.memory_space<hbm>>
      tpu.wait_indirect_dma semaphore(%arg18 : memref<!tpu.dma_semaphore, #tpu.memory_space<semaphore_mem>>) src(%dma_wait3A_58 : memref<10000x128xf32, #tpu.memory_space<hbm>>) dst(%arg9 : memref<128x128xf32, #tpu.memory_space<vmem>>)
      "tpu.region"() ({
        %run_scoped3A = tpu.sem_alloc : memref<!tpu.dma_semaphore, #tpu.memory_space<semaphore_mem>>
        %dma_start3A_79 = arith.constant 0 : i32
        %dma_start3A_80 = arith.constant 0 : i32
        %dma_start3A_81 = tpu.memref_slice %arg16[%dma_start3A_79, %dma_start3A_80] : memref<2048x128xf32, #tpu.memory_space<vmem_shared>> -> memref<2048x128xf32, #tpu.memory_space<vmem_shared>>
        tpu.enqueue_indirect_dma source(%arg9 : memref<128x128xf32, #tpu.memory_space<vmem>>) target(%dma_start3A_81 : memref<2048x128xf32, #tpu.memory_space<vmem_shared>>) offsets(%arg8 : memref<128xi32, #tpu.memory_space<vmem>>) semaphore(%run_scoped3A : memref<!tpu.dma_semaphore, #tpu.memory_space<semaphore_mem>>) {add = true}
        %dma_wait3A_82 = arith.constant 0 : i32
        %dma_wait3A_83 = arith.constant 0 : i32
        %dma_wait3A_84 = tpu.memref_slice %arg16[%dma_wait3A_82, %dma_wait3A_83] : memref<2048x128xf32, #tpu.memory_space<vmem_shared>> -> memref<2048x128xf32, #tpu.memory_space<vmem_shared>>
        tpu.wait_indirect_dma semaphore(%run_scoped3A : memref<!tpu.dma_semaphore, #tpu.memory_space<semaphore_mem>>) src(%arg9 : memref<128x128xf32, #tpu.memory_space<vmem>>) dst(%dma_wait3A_84 : memref<2048x128xf32, #tpu.memory_space<vmem_shared>>)
        tpu.yield
      }) : () -> ()
      %get3A = arith.constant 0 : index
      %get3A_59 = tpu.vector_load %arg8[%get3A] {strides = array<i32>} : memref<128xi32, #tpu.memory_space<vmem>>, vector<16xi32>,
      tpu.vector_store_idx %arg13[%iota3A, %get3A_59], %broadcast_in_dim3A_3 {add = true} : memref<16x2048xf32, #tpu.memory_space<vmem>>[vector<16xi32>, vector<16xi32>], vector<16xf32>,
      %get3A_60 = arith.constant 16 : index
      %get3A_61 = tpu.vector_load %arg8[%get3A_60] {strides = array<i32>} : memref<128xi32, #tpu.memory_space<vmem>>, vector<16xi32>,
      tpu.vector_store_idx %arg13[%iota3A, %get3A_61], %broadcast_in_dim3A_3 {add = true} : memref<16x2048xf32, #tpu.memory_space<vmem>>[vector<16xi32>, vector<16xi32>], vector<16xf32>,
      %get3A_62 = arith.constant 32 : index
      %get3A_63 = tpu.vector_load %arg8[%get3A_62] {strides = array<i32>} : memref<128xi32, #tpu.memory_space<vmem>>, vector<16xi32>,
      tpu.vector_store_idx %arg13[%iota3A, %get3A_63], %broadcast_in_dim3A_3 {add = true} : memref<16x2048xf32, #tpu.memory_space<vmem>>[vector<16xi32>, vector<16xi32>], vector<16xf32>,
      %get3A_64 = arith.constant 48 : index
      %get3A_65 = tpu.vector_load %arg8[%get3A_64] {strides = array<i32>} : memref<128xi32, #tpu.memory_space<vmem>>, vector<16xi32>,
      tpu.vector_store_idx %arg13[%iota3A, %get3A_65], %broadcast_in_dim3A_3 {add = true} : memref<16x2048xf32, #tpu.memory_space<vmem>>[vector<16xi32>, vector<16xi32>], vector<16xf32>,
      %get3A_66 = arith.constant 64 : index
      %get3A_67 = tpu.vector_load %arg8[%get3A_66] {strides = array<i32>} : memref<128xi32, #tpu.memory_space<vmem>>, vector<16xi32>,
      tpu.vector_store_idx %arg13[%iota3A, %get3A_67], %broadcast_in_dim3A_3 {add = true} : memref<16x2048xf32, #tpu.memory_space<vmem>>[vector<16xi32>, vector<16xi32>], vector<16xf32>,
      %get3A_68 = arith.constant 80 : index
      %get3A_69 = tpu.vector_load %arg8[%get3A_68] {strides = array<i32>} : memref<128xi32, #tpu.memory_space<vmem>>, vector<16xi32>,
      tpu.vector_store_idx %arg13[%iota3A, %get3A_69], %broadcast_in_dim3A_3 {add = true} : memref<16x2048xf32, #tpu.memory_space<vmem>>[vector<16xi32>, vector<16xi32>], vector<16xf32>,
      %get3A_70 = arith.constant 96 : index
      %get3A_71 = tpu.vector_load %arg8[%get3A_70] {strides = array<i32>} : memref<128xi32, #tpu.memory_space<vmem>>, vector<16xi32>,
      tpu.vector_store_idx %arg13[%iota3A, %get3A_71], %broadcast_in_dim3A_3 {add = true} : memref<16x2048xf32, #tpu.memory_space<vmem>>[vector<16xi32>, vector<16xi32>], vector<16xf32>,
      %get3A_72 = arith.constant 112 : index
      %get3A_73 = tpu.vector_load %arg8[%get3A_72] {strides = array<i32>} : memref<128xi32, #tpu.memory_space<vmem>>, vector<16xi32>,
      tpu.vector_store_idx %arg13[%iota3A, %get3A_73], %broadcast_in_dim3A_3 {add = true} : memref<16x2048xf32, #tpu.memory_space<vmem>>[vector<16xi32>, vector<16xi32>], vector<16xf32>,
      %lt3A_74 = arith.constant 2500 : i32
      %lt3A_75 = arith.cmpi slt, %add3A_52, %lt3A_74 : i32
      %convert_element_type3A_76 = arith.extui %lt3A_75 : i1 to i32
      %cond3A_77 = arith.constant 0 : i32
      %cond3A_78 = arith.cmpi ne, %convert_element_type3A_76, %cond3A_77 : i32
      scf.if %cond3A_78 {
        %dma_wait3A_79 = arith.constant 0 : i32
        %dma_wait3A_80 = arith.constant 0 : i32
        %dma_wait3A_81 = tpu.memref_slice %arg2[%dma_wait3A_79, %dma_wait3A_80] : memref<10000x128xf32, #tpu.memory_space<hbm>> -> memref<10000x128xf32, #tpu.memory_space<hbm>>
        tpu.wait_indirect_dma semaphore(%arg19 : memref<!tpu.dma_semaphore, #tpu.memory_space<semaphore_mem>>) src(%dma_wait3A_81 : memref<10000x128xf32, #tpu.memory_space<hbm>>) dst(%arg12 : memref<128x128xf32, #tpu.memory_space<vmem>>)
        "tpu.region"() ({
          %run_scoped3A = tpu.sem_alloc : memref<!tpu.dma_semaphore, #tpu.memory_space<semaphore_mem>>
          %dma_start3A_98 = arith.constant 0 : i32
          %dma_start3A_99 = arith.constant 0 : i32
          %dma_start3A_100 = tpu.memref_slice %arg16[%dma_start3A_98, %dma_start3A_99] : memref<2048x128xf32, #tpu.memory_space<vmem_shared>> -> memref<2048x128xf32, #tpu.memory_space<vmem_shared>>
          tpu.enqueue_indirect_dma source(%arg12 : memref<128x128xf32, #tpu.memory_space<vmem>>) target(%dma_start3A_100 : memref<2048x128xf32, #tpu.memory_space<vmem_shared>>) offsets(%arg11 : memref<128xi32, #tpu.memory_space<vmem>>) semaphore(%run_scoped3A : memref<!tpu.dma_semaphore, #tpu.memory_space<semaphore_mem>>) {add = true}
          %dma_wait3A_101 = arith.constant 0 : i32
          %dma_wait3A_102 = arith.constant 0 : i32
          %dma_wait3A_103 = tpu.memref_slice %arg16[%dma_wait3A_101, %dma_wait3A_102] : memref<2048x128xf32, #tpu.memory_space<vmem_shared>> -> memref<2048x128xf32, #tpu.memory_space<vmem_shared>>
          tpu.wait_indirect_dma semaphore(%run_scoped3A : memref<!tpu.dma_semaphore, #tpu.memory_space<semaphore_mem>>) src(%arg12 : memref<128x128xf32, #tpu.memory_space<vmem>>) dst(%dma_wait3A_103 : memref<2048x128xf32, #tpu.memory_space<vmem_shared>>)
          tpu.yield
        }) : () -> ()
        %get3A_82 = arith.constant 0 : index
        %get3A_83 = tpu.vector_load %arg11[%get3A_82] {strides = array<i32>} : memref<128xi32, #tpu.memory_space<vmem>>, vector<16xi32>,
        tpu.vector_store_idx %arg13[%iota3A, %get3A_83], %broadcast_in_dim3A_3 {add = true} : memref<16x2048xf32, #tpu.memory_space<vmem>>[vector<16xi32>, vector<16xi32>], vector<16xf32>,
        %get3A_84 = arith.constant 16 : index
        %get3A_85 = tpu.vector_load %arg11[%get3A_84] {strides = array<i32>} : memref<128xi32, #tpu.memory_space<vmem>>, vector<16xi32>,
        tpu.vector_store_idx %arg13[%iota3A, %get3A_85], %broadcast_in_dim3A_3 {add = true} : memref<16x2048xf32, #tpu.memory_space<vmem>>[vector<16xi32>, vector<16xi32>], vector<16xf32>,
        %get3A_86 = arith.constant 32 : index
        %get3A_87 = tpu.vector_load %arg11[%get3A_86] {strides = array<i32>} : memref<128xi32, #tpu.memory_space<vmem>>, vector<16xi32>,
        tpu.vector_store_idx %arg13[%iota3A, %get3A_87], %broadcast_in_dim3A_3 {add = true} : memref<16x2048xf32, #tpu.memory_space<vmem>>[vector<16xi32>, vector<16xi32>], vector<16xf32>,
        %get3A_88 = arith.constant 48 : index
        %get3A_89 = tpu.vector_load %arg11[%get3A_88] {strides = array<i32>} : memref<128xi32, #tpu.memory_space<vmem>>, vector<16xi32>,
        tpu.vector_store_idx %arg13[%iota3A, %get3A_89], %broadcast_in_dim3A_3 {add = true} : memref<16x2048xf32, #tpu.memory_space<vmem>>[vector<16xi32>, vector<16xi32>], vector<16xf32>,
        %get3A_90 = arith.constant 64 : index
        %get3A_91 = tpu.vector_load %arg11[%get3A_90] {strides = array<i32>} : memref<128xi32, #tpu.memory_space<vmem>>, vector<16xi32>,
        tpu.vector_store_idx %arg13[%iota3A, %get3A_91], %broadcast_in_dim3A_3 {add = true} : memref<16x2048xf32, #tpu.memory_space<vmem>>[vector<16xi32>, vector<16xi32>], vector<16xf32>,
        %get3A_92 = arith.constant 80 : index
        %get3A_93 = tpu.vector_load %arg11[%get3A_92] {strides = array<i32>} : memref<128xi32, #tpu.memory_space<vmem>>, vector<16xi32>,
        tpu.vector_store_idx %arg13[%iota3A, %get3A_93], %broadcast_in_dim3A_3 {add = true} : memref<16x2048xf32, #tpu.memory_space<vmem>>[vector<16xi32>, vector<16xi32>], vector<16xf32>,
        %get3A_94 = arith.constant 96 : index
        %get3A_95 = tpu.vector_load %arg11[%get3A_94] {strides = array<i32>} : memref<128xi32, #tpu.memory_space<vmem>>, vector<16xi32>,
        tpu.vector_store_idx %arg13[%iota3A, %get3A_95], %broadcast_in_dim3A_3 {add = true} : memref<16x2048xf32, #tpu.memory_space<vmem>>[vector<16xi32>, vector<16xi32>], vector<16xf32>,
        %get3A_96 = arith.constant 112 : index
        %get3A_97 = tpu.vector_load %arg11[%get3A_96] {strides = array<i32>} : memref<128xi32, #tpu.memory_space<vmem>>, vector<16xi32>,
        tpu.vector_store_idx %arg13[%iota3A, %get3A_97], %broadcast_in_dim3A_3 {add = true} : memref<16x2048xf32, #tpu.memory_space<vmem>>[vector<16xi32>, vector<16xi32>], vector<16xf32>,
      } else {
      }
    }
    %while3A_32 = arith.constant 1 : i32
    scf.for %while3A_44 = %while3A_30 to %while3A_26 step %while3A_32  : i32 {
      %mul3A_45 = arith.muli %while3A_44, %while3A : i32
      %add3A_46 = arith.addi %add3A, %mul3A_45 : i32
      %mul3A_47 = arith.constant 128 : i32
      %mul3A_48 = arith.muli %add3A_46, %mul3A_47 : i32
      "tpu.region"() ({
        %run_scoped3A = tpu.sem_alloc : memref<!tpu.dma_semaphore, #tpu.memory_space<semaphore_mem>>
        %dma_start3A_79 = tpu.memref_slice %arg3[%mul3A_48] : memref<320000xi32, #tpu.memory_space<hbm>> -> memref<128xi32, #tpu.memory_space<hbm>>
        %dma_start3A_80 = tpu.memref_slice %arg3[%mul3A_48] : memref<320000xi32, #tpu.memory_space<hbm>> -> memref<128xi32, #tpu.memory_space<hbm>>
        tpu.enqueue_dma source(%dma_start3A_80 : memref<128xi32, #tpu.memory_space<hbm>>) target(%arg7 : memref<128xi32, #tpu.memory_space<vmem>>) target_semaphore(%run_scoped3A : memref<!tpu.dma_semaphore, #tpu.memory_space<semaphore_mem>>)
        %dma_wait3A_81 = tpu.memref_slice %arg3[%mul3A_48] : memref<320000xi32, #tpu.memory_space<hbm>> -> memref<128xi32, #tpu.memory_space<hbm>>
        %dma_wait3A_82 = tpu.memref_slice %arg3[%mul3A_48] : memref<320000xi32, #tpu.memory_space<hbm>> -> memref<128xi32, #tpu.memory_space<hbm>>
        tpu.wait_dma2 semaphore(%run_scoped3A : memref<!tpu.dma_semaphore, #tpu.memory_space<semaphore_mem>>) src(%dma_wait3A_82 : memref<128xi32, #tpu.memory_space<hbm>>) dst(%arg7 : memref<128xi32, #tpu.memory_space<vmem>>)
        tpu.yield
      }) : () -> ()
      "tpu.region"() ({
        %run_scoped3A = tpu.sem_alloc : memref<!tpu.dma_semaphore, #tpu.memory_space<semaphore_mem>>
        %dma_start3A_79 = tpu.memref_slice %arg4[%mul3A_48] : memref<320000xi32, #tpu.memory_space<hbm>> -> memref<128xi32, #tpu.memory_space<hbm>>
        %dma_start3A_80 = tpu.memref_slice %arg4[%mul3A_48] : memref<320000xi32, #tpu.memory_space<hbm>> -> memref<128xi32, #tpu.memory_space<hbm>>
        tpu.enqueue_dma source(%dma_start3A_80 : memref<128xi32, #tpu.memory_space<hbm>>) target(%arg8 : memref<128xi32, #tpu.memory_space<vmem>>) target_semaphore(%run_scoped3A : memref<!tpu.dma_semaphore, #tpu.memory_space<semaphore_mem>>)
        %dma_wait3A_81 = tpu.memref_slice %arg4[%mul3A_48] : memref<320000xi32, #tpu.memory_space<hbm>> -> memref<128xi32, #tpu.memory_space<hbm>>
        %dma_wait3A_82 = tpu.memref_slice %arg4[%mul3A_48] : memref<320000xi32, #tpu.memory_space<hbm>> -> memref<128xi32, #tpu.memory_space<hbm>>
        tpu.wait_dma2 semaphore(%run_scoped3A : memref<!tpu.dma_semaphore, #tpu.memory_space<semaphore_mem>>) src(%dma_wait3A_82 : memref<128xi32, #tpu.memory_space<hbm>>) dst(%arg8 : memref<128xi32, #tpu.memory_space<vmem>>)
        tpu.yield
      }) : () -> ()
      %dma_start3A = arith.constant 0 : i32
      %dma_start3A_49 = arith.constant 0 : i32
      %dma_start3A_50 = tpu.memref_slice %arg2[%dma_start3A, %dma_start3A_49] : memref<10000x128xf32, #tpu.memory_space<hbm>> -> memref<10000x128xf32, #tpu.memory_space<hbm>>
      tpu.enqueue_indirect_dma source(%dma_start3A_50 : memref<10000x128xf32, #tpu.memory_space<hbm>>) target(%arg9 : memref<128x128xf32, #tpu.memory_space<vmem>>) offsets(%arg7 : memref<128xi32, #tpu.memory_space<vmem>>) semaphore(%arg18 : memref<!tpu.dma_semaphore, #tpu.memory_space<semaphore_mem>>)
      %add3A_51 = arith.constant 32 : i32
      %add3A_52 = arith.addi %add3A_46, %add3A_51 : i32
      %lt3A = arith.constant 2500 : i32
      %lt3A_53 = arith.cmpi slt, %add3A_52, %lt3A : i32
      %convert_element_type3A_54 = arith.extui %lt3A_53 : i1 to i32
      %cond3A_55 = arith.constant 0 : i32
      %cond3A_56 = arith.cmpi ne, %convert_element_type3A_54, %cond3A_55 : i32
      scf.if %cond3A_56 {
        %mul3A_79 = arith.constant 128 : i32
        %mul3A_80 = arith.muli %add3A_52, %mul3A_79 : i32
        "tpu.region"() ({
          %run_scoped3A = tpu.sem_alloc : memref<!tpu.dma_semaphore, #tpu.memory_space<semaphore_mem>>
          %dma_start3A_84 = tpu.memref_slice %arg3[%mul3A_80] : memref<320000xi32, #tpu.memory_space<hbm>> -> memref<128xi32, #tpu.memory_space<hbm>>
          %dma_start3A_85 = tpu.memref_slice %arg3[%mul3A_80] : memref<320000xi32, #tpu.memory_space<hbm>> -> memref<128xi32, #tpu.memory_space<hbm>>
          tpu.enqueue_dma source(%dma_start3A_85 : memref<128xi32, #tpu.memory_space<hbm>>) target(%arg10 : memref<128xi32, #tpu.memory_space<vmem>>) target_semaphore(%run_scoped3A : memref<!tpu.dma_semaphore, #tpu.memory_space<semaphore_mem>>)
          %dma_wait3A_86 = tpu.memref_slice %arg3[%mul3A_80] : memref<320000xi32, #tpu.memory_space<hbm>> -> memref<128xi32, #tpu.memory_space<hbm>>
          %dma_wait3A_87 = tpu.memref_slice %arg3[%mul3A_80] : memref<320000xi32, #tpu.memory_space<hbm>> -> memref<128xi32, #tpu.memory_space<hbm>>
          tpu.wait_dma2 semaphore(%run_scoped3A : memref<!tpu.dma_semaphore, #tpu.memory_space<semaphore_mem>>) src(%dma_wait3A_87 : memref<128xi32, #tpu.memory_space<hbm>>) dst(%arg10 : memref<128xi32, #tpu.memory_space<vmem>>)
          tpu.yield
        }) : () -> ()
        "tpu.region"() ({
          %run_scoped3A = tpu.sem_alloc : memref<!tpu.dma_semaphore, #tpu.memory_space<semaphore_mem>>
          %dma_start3A_84 = tpu.memref_slice %arg4[%mul3A_80] : memref<320000xi32, #tpu.memory_space<hbm>> -> memref<128xi32, #tpu.memory_space<hbm>>
          %dma_start3A_85 = tpu.memref_slice %arg4[%mul3A_80] : memref<320000xi32, #tpu.memory_space<hbm>> -> memref<128xi32, #tpu.memory_space<hbm>>
          tpu.enqueue_dma source(%dma_start3A_85 : memref<128xi32, #tpu.memory_space<hbm>>) target(%arg11 : memref<128xi32, #tpu.memory_space<vmem>>) target_semaphore(%run_scoped3A : memref<!tpu.dma_semaphore, #tpu.memory_space<semaphore_mem>>)
          %dma_wait3A_86 = tpu.memref_slice %arg4[%mul3A_80] : memref<320000xi32, #tpu.memory_space<hbm>> -> memref<128xi32, #tpu.memory_space<hbm>>
          %dma_wait3A_87 = tpu.memref_slice %arg4[%mul3A_80] : memref<320000xi32, #tpu.memory_space<hbm>> -> memref<128xi32, #tpu.memory_space<hbm>>
          tpu.wait_dma2 semaphore(%run_scoped3A : memref<!tpu.dma_semaphore, #tpu.memory_space<semaphore_mem>>) src(%dma_wait3A_87 : memref<128xi32, #tpu.memory_space<hbm>>) dst(%arg11 : memref<128xi32, #tpu.memory_space<vmem>>)
          tpu.yield
        }) : () -> ()
        %dma_start3A_81 = arith.constant 0 : i32
        %dma_start3A_82 = arith.constant 0 : i32
        %dma_start3A_83 = tpu.memref_slice %arg2[%dma_start3A_81, %dma_start3A_82] : memref<10000x128xf32, #tpu.memory_space<hbm>> -> memref<10000x128xf32, #tpu.memory_space<hbm>>
        tpu.enqueue_indirect_dma source(%dma_start3A_83 : memref<10000x128xf32, #tpu.memory_space<hbm>>) target(%arg12 : memref<128x128xf32, #tpu.memory_space<vmem>>) offsets(%arg10 : memref<128xi32, #tpu.memory_space<vmem>>) semaphore(%arg19 : memref<!tpu.dma_semaphore, #tpu.memory_space<semaphore_mem>>)
      } else {
      }
      %dma_wait3A = arith.constant 0 : i32
      %dma_wait3A_57 = arith.constant 0 : i32
      %dma_wait3A_58 = tpu.memref_slice %arg2[%dma_wait3A, %dma_wait3A_57] : memref<10000x128xf32, #tpu.memory_space<hbm>> -> memref<10000x128xf32, #tpu.memory_space<hbm>>
      tpu.wait_indirect_dma semaphore(%arg18 : memref<!tpu.dma_semaphore, #tpu.memory_space<semaphore_mem>>) src(%dma_wait3A_58 : memref<10000x128xf32, #tpu.memory_space<hbm>>) dst(%arg9 : memref<128x128xf32, #tpu.memory_space<vmem>>)
      "tpu.region"() ({
        %run_scoped3A = tpu.sem_alloc : memref<!tpu.dma_semaphore, #tpu.memory_space<semaphore_mem>>
        %dma_start3A_79 = arith.constant 0 : i32
        %dma_start3A_80 = arith.constant 0 : i32
        %dma_start3A_81 = tpu.memref_slice %arg16[%dma_start3A_79, %dma_start3A_80] : memref<2048x128xf32, #tpu.memory_space<vmem_shared>> -> memref<2048x128xf32, #tpu.memory_space<vmem_shared>>
        tpu.enqueue_indirect_dma source(%arg9 : memref<128x128xf32, #tpu.memory_space<vmem>>) target(%dma_start3A_81 : memref<2048x128xf32, #tpu.memory_space<vmem_shared>>) offsets(%arg8 : memref<128xi32, #tpu.memory_space<vmem>>) semaphore(%run_scoped3A : memref<!tpu.dma_semaphore, #tpu.memory_space<semaphore_mem>>) {add = true}
        %dma_wait3A_82 = arith.constant 0 : i32
        %dma_wait3A_83 = arith.constant 0 : i32
        %dma_wait3A_84 = tpu.memref_slice %arg16[%dma_wait3A_82, %dma_wait3A_83] : memref<2048x128xf32, #tpu.memory_space<vmem_shared>> -> memref<2048x128xf32, #tpu.memory_space<vmem_shared>>
        tpu.wait_indirect_dma semaphore(%run_scoped3A : memref<!tpu.dma_semaphore, #tpu.memory_space<semaphore_mem>>) src(%arg9 : memref<128x128xf32, #tpu.memory_space<vmem>>) dst(%dma_wait3A_84 : memref<2048x128xf32, #tpu.memory_space<vmem_shared>>)
        tpu.yield
      }) : () -> ()
      %get3A = arith.constant 0 : index
      %get3A_59 = tpu.vector_load %arg8[%get3A] {strides = array<i32>} : memref<128xi32, #tpu.memory_space<vmem>>, vector<16xi32>,
      tpu.vector_store_idx %arg13[%iota3A, %get3A_59], %broadcast_in_dim3A_3 {add = true} : memref<16x2048xf32, #tpu.memory_space<vmem>>[vector<16xi32>, vector<16xi32>], vector<16xf32>,
      %get3A_60 = arith.constant 16 : index
      %get3A_61 = tpu.vector_load %arg8[%get3A_60] {strides = array<i32>} : memref<128xi32, #tpu.memory_space<vmem>>, vector<16xi32>,
      tpu.vector_store_idx %arg13[%iota3A, %get3A_61], %broadcast_in_dim3A_3 {add = true} : memref<16x2048xf32, #tpu.memory_space<vmem>>[vector<16xi32>, vector<16xi32>], vector<16xf32>,
      %get3A_62 = arith.constant 32 : index
      %get3A_63 = tpu.vector_load %arg8[%get3A_62] {strides = array<i32>} : memref<128xi32, #tpu.memory_space<vmem>>, vector<16xi32>,
      tpu.vector_store_idx %arg13[%iota3A, %get3A_63], %broadcast_in_dim3A_3 {add = true} : memref<16x2048xf32, #tpu.memory_space<vmem>>[vector<16xi32>, vector<16xi32>], vector<16xf32>,
      %get3A_64 = arith.constant 48 : index
      %get3A_65 = tpu.vector_load %arg8[%get3A_64] {strides = array<i32>} : memref<128xi32, #tpu.memory_space<vmem>>, vector<16xi32>,
      tpu.vector_store_idx %arg13[%iota3A, %get3A_65], %broadcast_in_dim3A_3 {add = true} : memref<16x2048xf32, #tpu.memory_space<vmem>>[vector<16xi32>, vector<16xi32>], vector<16xf32>,
      %get3A_66 = arith.constant 64 : index
      %get3A_67 = tpu.vector_load %arg8[%get3A_66] {strides = array<i32>} : memref<128xi32, #tpu.memory_space<vmem>>, vector<16xi32>,
      tpu.vector_store_idx %arg13[%iota3A, %get3A_67], %broadcast_in_dim3A_3 {add = true} : memref<16x2048xf32, #tpu.memory_space<vmem>>[vector<16xi32>, vector<16xi32>], vector<16xf32>,
      %get3A_68 = arith.constant 80 : index
      %get3A_69 = tpu.vector_load %arg8[%get3A_68] {strides = array<i32>} : memref<128xi32, #tpu.memory_space<vmem>>, vector<16xi32>,
      tpu.vector_store_idx %arg13[%iota3A, %get3A_69], %broadcast_in_dim3A_3 {add = true} : memref<16x2048xf32, #tpu.memory_space<vmem>>[vector<16xi32>, vector<16xi32>], vector<16xf32>,
      %get3A_70 = arith.constant 96 : index
      %get3A_71 = tpu.vector_load %arg8[%get3A_70] {strides = array<i32>} : memref<128xi32, #tpu.memory_space<vmem>>, vector<16xi32>,
      tpu.vector_store_idx %arg13[%iota3A, %get3A_71], %broadcast_in_dim3A_3 {add = true} : memref<16x2048xf32, #tpu.memory_space<vmem>>[vector<16xi32>, vector<16xi32>], vector<16xf32>,
      %get3A_72 = arith.constant 112 : index
      %get3A_73 = tpu.vector_load %arg8[%get3A_72] {strides = array<i32>} : memref<128xi32, #tpu.memory_space<vmem>>, vector<16xi32>,
      tpu.vector_store_idx %arg13[%iota3A, %get3A_73], %broadcast_in_dim3A_3 {add = true} : memref<16x2048xf32, #tpu.memory_space<vmem>>[vector<16xi32>, vector<16xi32>], vector<16xf32>,
      %lt3A_74 = arith.constant 2500 : i32
      %lt3A_75 = arith.cmpi slt, %add3A_52, %lt3A_74 : i32
      %convert_element_type3A_76 = arith.extui %lt3A_75 : i1 to i32
      %cond3A_77 = arith.constant 0 : i32
      %cond3A_78 = arith.cmpi ne, %convert_element_type3A_76, %cond3A_77 : i32
      scf.if %cond3A_78 {
        %dma_wait3A_79 = arith.constant 0 : i32
        %dma_wait3A_80 = arith.constant 0 : i32
        %dma_wait3A_81 = tpu.memref_slice %arg2[%dma_wait3A_79, %dma_wait3A_80] : memref<10000x128xf32, #tpu.memory_space<hbm>> -> memref<10000x128xf32, #tpu.memory_space<hbm>>
        tpu.wait_indirect_dma semaphore(%arg19 : memref<!tpu.dma_semaphore, #tpu.memory_space<semaphore_mem>>) src(%dma_wait3A_81 : memref<10000x128xf32, #tpu.memory_space<hbm>>) dst(%arg12 : memref<128x128xf32, #tpu.memory_space<vmem>>)
        "tpu.region"() ({
          %run_scoped3A = tpu.sem_alloc : memref<!tpu.dma_semaphore, #tpu.memory_space<semaphore_mem>>
          %dma_start3A_98 = arith.constant 0 : i32
          %dma_start3A_99 = arith.constant 0 : i32
          %dma_start3A_100 = tpu.memref_slice %arg16[%dma_start3A_98, %dma_start3A_99] : memref<2048x128xf32, #tpu.memory_space<vmem_shared>> -> memref<2048x128xf32, #tpu.memory_space<vmem_shared>>
          tpu.enqueue_indirect_dma source(%arg12 : memref<128x128xf32, #tpu.memory_space<vmem>>) target(%dma_start3A_100 : memref<2048x128xf32, #tpu.memory_space<vmem_shared>>) offsets(%arg11 : memref<128xi32, #tpu.memory_space<vmem>>) semaphore(%run_scoped3A : memref<!tpu.dma_semaphore, #tpu.memory_space<semaphore_mem>>) {add = true}
          %dma_wait3A_101 = arith.constant 0 : i32
          %dma_wait3A_102 = arith.constant 0 : i32
          %dma_wait3A_103 = tpu.memref_slice %arg16[%dma_wait3A_101, %dma_wait3A_102] : memref<2048x128xf32, #tpu.memory_space<vmem_shared>> -> memref<2048x128xf32, #tpu.memory_space<vmem_shared>>
          tpu.wait_indirect_dma semaphore(%run_scoped3A : memref<!tpu.dma_semaphore, #tpu.memory_space<semaphore_mem>>) src(%arg12 : memref<128x128xf32, #tpu.memory_space<vmem>>) dst(%dma_wait3A_103 : memref<2048x128xf32, #tpu.memory_space<vmem_shared>>)
          tpu.yield
        }) : () -> ()
        %get3A_82 = arith.constant 0 : index
        %get3A_83 = tpu.vector_load %arg11[%get3A_82] {strides = array<i32>} : memref<128xi32, #tpu.memory_space<vmem>>, vector<16xi32>,
        tpu.vector_store_idx %arg13[%iota3A, %get3A_83], %broadcast_in_dim3A_3 {add = true} : memref<16x2048xf32, #tpu.memory_space<vmem>>[vector<16xi32>, vector<16xi32>], vector<16xf32>,
        %get3A_84 = arith.constant 16 : index
        %get3A_85 = tpu.vector_load %arg11[%get3A_84] {strides = array<i32>} : memref<128xi32, #tpu.memory_space<vmem>>, vector<16xi32>,
        tpu.vector_store_idx %arg13[%iota3A, %get3A_85], %broadcast_in_dim3A_3 {add = true} : memref<16x2048xf32, #tpu.memory_space<vmem>>[vector<16xi32>, vector<16xi32>], vector<16xf32>,
        %get3A_86 = arith.constant 32 : index
        %get3A_87 = tpu.vector_load %arg11[%get3A_86] {strides = array<i32>} : memref<128xi32, #tpu.memory_space<vmem>>, vector<16xi32>,
        tpu.vector_store_idx %arg13[%iota3A, %get3A_87], %broadcast_in_dim3A_3 {add = true} : memref<16x2048xf32, #tpu.memory_space<vmem>>[vector<16xi32>, vector<16xi32>], vector<16xf32>,
        %get3A_88 = arith.constant 48 : index
        %get3A_89 = tpu.vector_load %arg11[%get3A_88] {strides = array<i32>} : memref<128xi32, #tpu.memory_space<vmem>>, vector<16xi32>,
        tpu.vector_store_idx %arg13[%iota3A, %get3A_89], %broadcast_in_dim3A_3 {add = true} : memref<16x2048xf32, #tpu.memory_space<vmem>>[vector<16xi32>, vector<16xi32>], vector<16xf32>,
        %get3A_90 = arith.constant 64 : index
        %get3A_91 = tpu.vector_load %arg11[%get3A_90] {strides = array<i32>} : memref<128xi32, #tpu.memory_space<vmem>>, vector<16xi32>,
        tpu.vector_store_idx %arg13[%iota3A, %get3A_91], %broadcast_in_dim3A_3 {add = true} : memref<16x2048xf32, #tpu.memory_space<vmem>>[vector<16xi32>, vector<16xi32>], vector<16xf32>,
        %get3A_92 = arith.constant 80 : index
        %get3A_93 = tpu.vector_load %arg11[%get3A_92] {strides = array<i32>} : memref<128xi32, #tpu.memory_space<vmem>>, vector<16xi32>,
        tpu.vector_store_idx %arg13[%iota3A, %get3A_93], %broadcast_in_dim3A_3 {add = true} : memref<16x2048xf32, #tpu.memory_space<vmem>>[vector<16xi32>, vector<16xi32>], vector<16xf32>,
        %get3A_94 = arith.constant 96 : index
        %get3A_95 = tpu.vector_load %arg11[%get3A_94] {strides = array<i32>} : memref<128xi32, #tpu.memory_space<vmem>>, vector<16xi32>,
        tpu.vector_store_idx %arg13[%iota3A, %get3A_95], %broadcast_in_dim3A_3 {add = true} : memref<16x2048xf32, #tpu.memory_space<vmem>>[vector<16xi32>, vector<16xi32>], vector<16xf32>,
        %get3A_96 = arith.constant 112 : index
        %get3A_97 = tpu.vector_load %arg11[%get3A_96] {strides = array<i32>} : memref<128xi32, #tpu.memory_space<vmem>>, vector<16xi32>,
        tpu.vector_store_idx %arg13[%iota3A, %get3A_97], %broadcast_in_dim3A_3 {add = true} : memref<16x2048xf32, #tpu.memory_space<vmem>>[vector<16xi32>, vector<16xi32>], vector<16xf32>,
      } else {
      }
    }
    %scan3A_33 = arith.constant 0 : i32
    %scan3A_34 = arith.constant 128 : i32
    %scan3A_35 = arith.addi %scan3A_33, %scan3A_34 : i32
    %scan3A_36 = arith.constant 1 : i32
    scf.for %scan3A_44 = %scan3A_33 to %scan3A_35 step %scan3A_36  : i32 {
      %mul3A_45 = arith.constant 1 : i32
      %mul3A_46 = arith.muli %scan3A_44, %mul3A_45 : i32
      %add3A_47 = arith.constant 0 : i32
      %add3A_48 = arith.addi %add3A_47, %mul3A_46 : i32
      %mul3A_49 = arith.constant 16 : i32
      %mul3A_50 = arith.muli %add3A_48, %mul3A_49 : i32
      %get3A = arith.constant 0 : i32
      %get3A_51 = arith.index_cast %get3A : i32 to index
      %get3A_52 = arith.index_cast %mul3A_50 : i32 to index
      %get3A_53 = tpu.vector_load %arg13[%get3A_51, %get3A_52] {strides = array<i32>} : memref<16x2048xf32, #tpu.memory_space<vmem>>, vector<16xf32>,
      %get3A_54 = arith.constant 1 : i32
      %get3A_55 = arith.index_cast %get3A_54 : i32 to index
      %get3A_56 = arith.index_cast %mul3A_50 : i32 to index
      %get3A_57 = tpu.vector_load %arg13[%get3A_55, %get3A_56] {strides = array<i32>} : memref<16x2048xf32, #tpu.memory_space<vmem>>, vector<16xf32>,
      %add3A_58 = arith.addf %get3A_53, %get3A_57 : vector<16xf32>
      %get3A_59 = arith.constant 2 : i32
      %get3A_60 = arith.index_cast %get3A_59 : i32 to index
      %get3A_61 = arith.index_cast %mul3A_50 : i32 to index
      %get3A_62 = tpu.vector_load %arg13[%get3A_60, %get3A_61] {strides = array<i32>} : memref<16x2048xf32, #tpu.memory_space<vmem>>, vector<16xf32>,
      %add3A_63 = arith.addf %add3A_58, %get3A_62 : vector<16xf32>
      %get3A_64 = arith.constant 3 : i32
      %get3A_65 = arith.index_cast %get3A_64 : i32 to index
      %get3A_66 = arith.index_cast %mul3A_50 : i32 to index
      %get3A_67 = tpu.vector_load %arg13[%get3A_65, %get3A_66] {strides = array<i32>} : memref<16x2048xf32, #tpu.memory_space<vmem>>, vector<16xf32>,
      %add3A_68 = arith.addf %add3A_63, %get3A_67 : vector<16xf32>
      %get3A_69 = arith.constant 4 : i32
      %get3A_70 = arith.index_cast %get3A_69 : i32 to index
      %get3A_71 = arith.index_cast %mul3A_50 : i32 to index
      %get3A_72 = tpu.vector_load %arg13[%get3A_70, %get3A_71] {strides = array<i32>} : memref<16x2048xf32, #tpu.memory_space<vmem>>, vector<16xf32>,
      %add3A_73 = arith.addf %add3A_68, %get3A_72 : vector<16xf32>
      %get3A_74 = arith.constant 5 : i32
      %get3A_75 = arith.index_cast %get3A_74 : i32 to index
      %get3A_76 = arith.index_cast %mul3A_50 : i32 to index
      %get3A_77 = tpu.vector_load %arg13[%get3A_75, %get3A_76] {strides = array<i32>} : memref<16x2048xf32, #tpu.memory_space<vmem>>, vector<16xf32>,
      %add3A_78 = arith.addf %add3A_73, %get3A_77 : vector<16xf32>
      %get3A_79 = arith.constant 6 : i32
      %get3A_80 = arith.index_cast %get3A_79 : i32 to index
      %get3A_81 = arith.index_cast %mul3A_50 : i32 to index
      %get3A_82 = tpu.vector_load %arg13[%get3A_80, %get3A_81] {strides = array<i32>} : memref<16x2048xf32, #tpu.memory_space<vmem>>, vector<16xf32>,
      %add3A_83 = arith.addf %add3A_78, %get3A_82 : vector<16xf32>
      %get3A_84 = arith.constant 7 : i32
      %get3A_85 = arith.index_cast %get3A_84 : i32 to index
      %get3A_86 = arith.index_cast %mul3A_50 : i32 to index
      %get3A_87 = tpu.vector_load %arg13[%get3A_85, %get3A_86] {strides = array<i32>} : memref<16x2048xf32, #tpu.memory_space<vmem>>, vector<16xf32>,
      %add3A_88 = arith.addf %add3A_83, %get3A_87 : vector<16xf32>
      %get3A_89 = arith.constant 8 : i32
      %get3A_90 = arith.index_cast %get3A_89 : i32 to index
      %get3A_91 = arith.index_cast %mul3A_50 : i32 to index
      %get3A_92 = tpu.vector_load %arg13[%get3A_90, %get3A_91] {strides = array<i32>} : memref<16x2048xf32, #tpu.memory_space<vmem>>, vector<16xf32>,
      %add3A_93 = arith.addf %add3A_88, %get3A_92 : vector<16xf32>
      %get3A_94 = arith.constant 9 : i32
      %get3A_95 = arith.index_cast %get3A_94 : i32 to index
      %get3A_96 = arith.index_cast %mul3A_50 : i32 to index
      %get3A_97 = tpu.vector_load %arg13[%get3A_95, %get3A_96] {strides = array<i32>} : memref<16x2048xf32, #tpu.memory_space<vmem>>, vector<16xf32>,
      %add3A_98 = arith.addf %add3A_93, %get3A_97 : vector<16xf32>
      %get3A_99 = arith.constant 10 : i32
      %get3A_100 = arith.index_cast %get3A_99 : i32 to index
      %get3A_101 = arith.index_cast %mul3A_50 : i32 to index
      %get3A_102 = tpu.vector_load %arg13[%get3A_100, %get3A_101] {strides = array<i32>} : memref<16x2048xf32, #tpu.memory_space<vmem>>, vector<16xf32>,
      %add3A_103 = arith.addf %add3A_98, %get3A_102 : vector<16xf32>
      %get3A_104 = arith.constant 11 : i32
      %get3A_105 = arith.index_cast %get3A_104 : i32 to index
      %get3A_106 = arith.index_cast %mul3A_50 : i32 to index
      %get3A_107 = tpu.vector_load %arg13[%get3A_105, %get3A_106] {strides = array<i32>} : memref<16x2048xf32, #tpu.memory_space<vmem>>, vector<16xf32>,
      %add3A_108 = arith.addf %add3A_103, %get3A_107 : vector<16xf32>
      %get3A_109 = arith.constant 12 : i32
      %get3A_110 = arith.index_cast %get3A_109 : i32 to index
      %get3A_111 = arith.index_cast %mul3A_50 : i32 to index
      %get3A_112 = tpu.vector_load %arg13[%get3A_110, %get3A_111] {strides = array<i32>} : memref<16x2048xf32, #tpu.memory_space<vmem>>, vector<16xf32>,
      %add3A_113 = arith.addf %add3A_108, %get3A_112 : vector<16xf32>
      %get3A_114 = arith.constant 13 : i32
      %get3A_115 = arith.index_cast %get3A_114 : i32 to index
      %get3A_116 = arith.index_cast %mul3A_50 : i32 to index
      %get3A_117 = tpu.vector_load %arg13[%get3A_115, %get3A_116] {strides = array<i32>} : memref<16x2048xf32, #tpu.memory_space<vmem>>, vector<16xf32>,
      %add3A_118 = arith.addf %add3A_113, %get3A_117 : vector<16xf32>
      %get3A_119 = arith.constant 14 : i32
      %get3A_120 = arith.index_cast %get3A_119 : i32 to index
      %get3A_121 = arith.index_cast %mul3A_50 : i32 to index
      %get3A_122 = tpu.vector_load %arg13[%get3A_120, %get3A_121] {strides = array<i32>} : memref<16x2048xf32, #tpu.memory_space<vmem>>, vector<16xf32>,
      %add3A_123 = arith.addf %add3A_118, %get3A_122 : vector<16xf32>
      %get3A_124 = arith.constant 15 : i32
      %get3A_125 = arith.index_cast %get3A_124 : i32 to index
      %get3A_126 = arith.index_cast %mul3A_50 : i32 to index
      %get3A_127 = tpu.vector_load %arg13[%get3A_125, %get3A_126] {strides = array<i32>} : memref<16x2048xf32, #tpu.memory_space<vmem>>, vector<16xf32>,
      %add3A_128 = arith.addf %add3A_123, %get3A_127 : vector<16xf32>
      %shift_right_arithmetic3A = arith.constant 3 : i32
      %shift_right_arithmetic3A_129 = arith.shrsi %add3A_48, %shift_right_arithmetic3A : i32
      %and3A = arith.constant 7 : i32
      %and3A_130 = arith.andi %add3A_48, %and3A : i32
      %mul3A_131 = arith.constant 16 : i32
      %mul3A_132 = arith.muli %and3A_130, %mul3A_131 : i32
      %swap3A_133 = arith.index_cast %shift_right_arithmetic3A_129 : i32 to index
      %swap3A_134 = arith.index_cast %mul3A_132 : i32 to index
      %swap3A_135 = tpu.vector_load %arg14[%swap3A_133, %swap3A_134] {strides = array<i32>} : memref<16x128xf32, #tpu.memory_space<vmem>>, vector<16xf32>,
      tpu.vector_store %arg14[%swap3A_133, %swap3A_134], %add3A_128 {strides = array<i32>} : memref<16x128xf32, #tpu.memory_space<vmem>>, vector<16xf32>,
    }
    %scan3A_37 = arith.constant 128 : i32
    "tpu.region"() ({
      %run_scoped3A = tpu.sem_alloc : memref<!tpu.dma_semaphore, #tpu.memory_space<semaphore_mem>>
      %dma_start3A = arith.constant 0 : i32
      %dma_start3A_44 = arith.constant 0 : i32
      %dma_start3A_45 = tpu.memref_slice %arg17[%dma_start3A, %dma_start3A_44] : memref<16x128xf32, #tpu.memory_space<vmem_shared>> -> memref<16x128xf32, #tpu.memory_space<vmem_shared>>
      tpu.enqueue_indirect_dma source(%arg14 : memref<16x128xf32, #tpu.memory_space<vmem>>) target(%dma_start3A_45 : memref<16x128xf32, #tpu.memory_space<vmem_shared>>) offsets(%arg15 : memref<16xi32, #tpu.memory_space<vmem>>) semaphore(%run_scoped3A : memref<!tpu.dma_semaphore, #tpu.memory_space<semaphore_mem>>) {add = true}
      %dma_wait3A = arith.constant 0 : i32
      %dma_wait3A_46 = arith.constant 0 : i32
      %dma_wait3A_47 = tpu.memref_slice %arg17[%dma_wait3A, %dma_wait3A_46] : memref<16x128xf32, #tpu.memory_space<vmem_shared>> -> memref<16x128xf32, #tpu.memory_space<vmem_shared>>
      tpu.wait_indirect_dma semaphore(%run_scoped3A : memref<!tpu.dma_semaphore, #tpu.memory_space<semaphore_mem>>) src(%arg14 : memref<16x128xf32, #tpu.memory_space<vmem>>) dst(%dma_wait3A_47 : memref<16x128xf32, #tpu.memory_space<vmem_shared>>)
      tpu.yield
    }) : () -> ()
    %barrier3A_38 = arith.constant 0 : index
    tpu.barrier barrier_id(%barrier3A_38)
    "tpu.region"() ({
      %run_scoped3A = tpu.sem_alloc : memref<!tpu.dma_semaphore, #tpu.memory_space<semaphore_mem>>
      %dma_start3A = arith.constant 0 : i32
      %dma_start3A_44 = tpu.memref_slice %arg5[%arg0, %mul3A_15, %dma_start3A] : memref<2x2048x128xf32, #tpu.memory_space<hbm>> -> memref<1x128x128xf32, #tpu.memory_space<hbm>>
      %dma_start3A_45 = tpu.memref_squeeze %dma_start3A_44 : memref<1x128x128xf32, #tpu.memory_space<hbm>> -> memref<128x128xf32, #tpu.memory_space<hbm>>
      %dma_start3A_46 = arith.constant 0 : i32
      %dma_start3A_47 = tpu.memref_slice %arg16[%mul3A_15, %dma_start3A_46] : memref<2048x128xf32, #tpu.memory_space<vmem_shared>> -> memref<128x128xf32, #tpu.memory_space<vmem_shared>>
      tpu.enqueue_dma source(%dma_start3A_47 : memref<128x128xf32, #tpu.memory_space<vmem_shared>>) target(%dma_start3A_45 : memref<128x128xf32, #tpu.memory_space<hbm>>) target_semaphore(%run_scoped3A : memref<!tpu.dma_semaphore, #tpu.memory_space<semaphore_mem>>)
      %dma_wait3A = arith.constant 0 : i32
      %dma_wait3A_48 = tpu.memref_slice %arg5[%arg0, %mul3A_15, %dma_wait3A] : memref<2x2048x128xf32, #tpu.memory_space<hbm>> -> memref<1x128x128xf32, #tpu.memory_space<hbm>>
      %dma_wait3A_49 = tpu.memref_squeeze %dma_wait3A_48 : memref<1x128x128xf32, #tpu.memory_space<hbm>> -> memref<128x128xf32, #tpu.memory_space<hbm>>
      %dma_wait3A_50 = arith.constant 0 : i32
      %dma_wait3A_51 = tpu.memref_slice %arg16[%mul3A_15, %dma_wait3A_50] : memref<2048x128xf32, #tpu.memory_space<vmem_shared>> -> memref<128x128xf32, #tpu.memory_space<vmem_shared>>
      tpu.wait_dma2 semaphore(%run_scoped3A : memref<!tpu.dma_semaphore, #tpu.memory_space<semaphore_mem>>) src(%dma_wait3A_51 : memref<128x128xf32, #tpu.memory_space<vmem_shared>>) dst(%dma_wait3A_49 : memref<128x128xf32, #tpu.memory_space<hbm>>)
      tpu.yield
    }) : () -> ()
    %eq3A_39 = arith.constant 0 : i32
    %eq3A_40 = arith.cmpi eq, %arg1, %eq3A_39 : i32
    %convert_element_type3A_41 = arith.extui %eq3A_40 : i1 to i32
    %cond3A_42 = arith.constant 0 : i32
    %cond3A_43 = arith.cmpi ne, %convert_element_type3A_41, %cond3A_42 : i32
    scf.if %cond3A_43 {
      "tpu.region"() ({
        %run_scoped3A = tpu.sem_alloc : memref<!tpu.dma_semaphore, #tpu.memory_space<semaphore_mem>>
        %dma_start3A = arith.constant 0 : i32
        %dma_start3A_44 = arith.constant 0 : i32
        %dma_start3A_45 = tpu.memref_slice %arg6[%arg0, %dma_start3A, %dma_start3A_44] : memref<2x16x128xf32, #tpu.memory_space<hbm>> -> memref<1x16x128xf32, #tpu.memory_space<hbm>>
        %dma_start3A_46 = tpu.memref_squeeze %dma_start3A_45 : memref<1x16x128xf32, #tpu.memory_space<hbm>> -> memref<16x128xf32, #tpu.memory_space<hbm>>
        tpu.enqueue_dma source(%arg17 : memref<16x128xf32, #tpu.memory_space<vmem_shared>>) target(%dma_start3A_46 : memref<16x128xf32, #tpu.memory_space<hbm>>) target_semaphore(%run_scoped3A : memref<!tpu.dma_semaphore, #tpu.memory_space<semaphore_mem>>)
        %dma_wait3A = arith.constant 0 : i32
        %dma_wait3A_47 = arith.constant 0 : i32
        %dma_wait3A_48 = tpu.memref_slice %arg6[%arg0, %dma_wait3A, %dma_wait3A_47] : memref<2x16x128xf32, #tpu.memory_space<hbm>> -> memref<1x16x128xf32, #tpu.memory_space<hbm>>
        %dma_wait3A_49 = tpu.memref_squeeze %dma_wait3A_48 : memref<1x16x128xf32, #tpu.memory_space<hbm>> -> memref<16x128xf32, #tpu.memory_space<hbm>>
        tpu.wait_dma2 semaphore(%run_scoped3A : memref<!tpu.dma_semaphore, #tpu.memory_space<semaphore_mem>>) src(%arg17 : memref<16x128xf32, #tpu.memory_space<vmem_shared>>) dst(%dma_wait3A_49 : memref<16x128xf32, #tpu.memory_space<hbm>>)
        tpu.yield
      }) : () -> ()
    } else {
    }
    return
  }
}

module attributes {stable_mosaic.version = 14 : i64} {
  func.func @body(%arg0: i32, %arg1: memref<1000x2000xf32, #tpu.memory_space<vmem>>, %arg2: memref<1000x1xf32, #tpu.memory_space<vmem>>, %arg3: memref<2000xf32, #tpu.memory_space<vmem>>) attributes {dimension_semantics = [#tpu.dimension_semantics<arbitrary>], iteration_bounds = array<i64: 10>, scalar_prefetch = 0 : i64, scratch_operands = 0 : i64, tpu.core_type = #tpu.core_type<tc>, window_params = [{transform_indices = @transform_0, window_bounds = array<i64: 1000, 2000>}, {transform_indices = @transform_1, window_bounds = array<i64: 1000, 1>}, {pipeline_mode = #tpu.pipeline_mode<synchronous>, transform_indices = @transform_2, window_bounds = array<i64: 2000>}]} {
    %get3A = arith.constant 0 : index
    %get3A_0 = arith.constant 0 : index
    %get3A_1 = vector.load %arg1[%get3A, %get3A_0] : memref<1000x2000xf32, #tpu.memory_space<vmem>>, vector<1000x2000xf32>
    %reduce_sum3A = arith.constant dense<0.000000e+00> : vector<1000xf32>
    %reduce_sum3A_2 = vector.multi_reduction <add>, %get3A_1, %reduce_sum3A [1] : vector<1000x2000xf32> to vector<1000xf32>
    %broadcast_in_dim3A = vector.shape_cast %reduce_sum3A_2 : vector<1000xf32> to vector<1000x1xf32>
    %swap3A = arith.constant 0 : index
    %swap3A_3 = arith.constant 0 : index
    %swap3A_4 = vector.load %arg2[%swap3A, %swap3A_3] : memref<1000x1xf32, #tpu.memory_space<vmem>>, vector<1000x1xf32>
    tpu.vector_store %arg2[%swap3A, %swap3A_3], %broadcast_in_dim3A {strides = array<i32>} : memref<1000x1xf32, #tpu.memory_space<vmem>>, vector<1000x1xf32>,
    %eq3A = arith.constant 0 : i32
    %eq3A_5 = arith.cmpi eq, %arg0, %eq3A : i32
    %convert_element_type3A = arith.extui %eq3A_5 : i1 to i32
    %cond3A = arith.constant 0 : i32
    %cond3A_6 = arith.cmpi ne, %convert_element_type3A, %cond3A : i32
    scf.if %cond3A_6 {
      %broadcast_in_dim3A_13 = arith.constant 0.000000e+00 : f32
      %broadcast_in_dim3A_14 = vector.broadcast %broadcast_in_dim3A_13 : f32 to vector<2000xf32>
      %swap3A_15 = arith.constant 0 : index
      %swap3A_16 = vector.load %arg3[%swap3A_15] : memref<2000xf32, #tpu.memory_space<vmem>>, vector<2000xf32>
      tpu.vector_store %arg3[%swap3A_15], %broadcast_in_dim3A_14 {strides = array<i32>} : memref<2000xf32, #tpu.memory_space<vmem>>, vector<2000xf32>,
    } else {
    }
    %get3A_7 = arith.constant 0 : index
    %get3A_8 = vector.load %arg3[%get3A_7] : memref<2000xf32, #tpu.memory_space<vmem>>, vector<2000xf32>
    %reduce_sum3A_9 = arith.constant dense<0.000000e+00> : vector<2000xf32>
    %reduce_sum3A_10 = vector.multi_reduction <add>, %get3A_1, %reduce_sum3A_9 [0] : vector<1000x2000xf32> to vector<2000xf32>
    %add3A = arith.addf %get3A_8, %reduce_sum3A_10 : vector<2000xf32>
    %swap3A_11 = arith.constant 0 : index
    %swap3A_12 = vector.load %arg3[%swap3A_11] : memref<2000xf32, #tpu.memory_space<vmem>>, vector<2000xf32>
    tpu.vector_store %arg3[%swap3A_11], %add3A {strides = array<i32>} : memref<2000xf32, #tpu.memory_space<vmem>>, vector<2000xf32>,
    return
  }
  func.func @transform_0(%arg0: i32) -> (i32, i32) {
    %c0_i32 = arith.constant 0 : i32
    %c0_i32_0 = arith.constant 0 : i32
    return %arg0, %c0_i32 : i32, i32
  }
  func.func @transform_1(%arg0: i32) -> (i32, i32) {
    %c0_i32 = arith.constant 0 : i32
    %c0_i32_0 = arith.constant 0 : i32
    return %arg0, %c0_i32 : i32, i32
  }
  func.func @transform_2(%arg0: i32) -> i32 {
    %c0_i32 = arith.constant 0 : i32
    %c0_i32_0 = arith.constant 0 : i32
    return %c0_i32 : i32
  }
}

module attributes {stable_mosaic.version = 14 : i64} {
  func.func @body(%arg0: memref<2x2048x128xf32, #tpu.memory_space<vmem>>, %arg1: memref<2x2048xf32, #tpu.memory_space<vmem>>, %arg2: memref<2048xf32, #tpu.memory_space<vmem>>, %arg3: memref<2048x128xf32, #tpu.memory_space<vmem>>) attributes {dimension_semantics = [], scalar_prefetch = 0 : i64, scratch_operands = 0 : i64, tpu.core_type = #tpu.core_type<tc>} {
    %get3A = arith.constant 0 : index
    %get3A_0 = arith.constant 0 : index
    %get3A_1 = arith.constant 0 : index
    %get3A_2 = vector.load %arg0[%get3A, %get3A_0, %get3A_1] : memref<2x2048x128xf32, #tpu.memory_space<vmem>>, vector<1x2048x128xf32>
    %get3A_3 = vector.shape_cast %get3A_2 : vector<1x2048x128xf32> to vector<2048x128xf32>
    %get3A_4 = arith.constant 1 : index
    %get3A_5 = arith.constant 0 : index
    %get3A_6 = arith.constant 0 : index
    %get3A_7 = vector.load %arg0[%get3A_4, %get3A_5, %get3A_6] : memref<2x2048x128xf32, #tpu.memory_space<vmem>>, vector<1x2048x128xf32>
    %get3A_8 = vector.shape_cast %get3A_7 : vector<1x2048x128xf32> to vector<2048x128xf32>
    %add3A = arith.addf %get3A_3, %get3A_8 : vector<2048x128xf32>
    %get3A_9 = arith.constant 0 : index
    %get3A_10 = arith.constant 0 : index
    %get3A_11 = vector.load %arg1[%get3A_9, %get3A_10] : memref<2x2048xf32, #tpu.memory_space<vmem>>, vector<1x2048xf32>
    %get3A_12 = vector.shape_cast %get3A_11 : vector<1x2048xf32> to vector<2048xf32>
    %get3A_13 = arith.constant 1 : index
    %get3A_14 = arith.constant 0 : index
    %get3A_15 = vector.load %arg1[%get3A_13, %get3A_14] : memref<2x2048xf32, #tpu.memory_space<vmem>>, vector<1x2048xf32>
    %get3A_16 = vector.shape_cast %get3A_15 : vector<1x2048xf32> to vector<2048xf32>
    %add3A_17 = arith.addf %get3A_12, %get3A_16 : vector<2048xf32>
    %get3A_18 = arith.constant 0 : index
    %get3A_19 = vector.load %arg2[%get3A_18] : memref<2048xf32, #tpu.memory_space<vmem>>, vector<2048xf32>
    %rsqrt3A = math.rsqrt %get3A_19 : vector<2048xf32>
    %max3A = arith.constant 1.000000e+00 : f32
    %max3A_20 = vector.broadcast %max3A : f32 to vector<2048xf32>
    %max3A_21 = arith.maximumf %add3A_17, %max3A_20 : vector<2048xf32>
    %div3A = arith.divf %rsqrt3A, %max3A_21 : vector<2048xf32>
    %broadcast_in_dim3A = vector.shape_cast %div3A : vector<2048xf32> to vector<2048x1xf32>
    %mul3A = vector.broadcast %broadcast_in_dim3A : vector<2048x1xf32> to vector<2048x128xf32>
    %mul3A_22 = arith.mulf %add3A, %mul3A : vector<2048x128xf32>
    %swap3A = arith.constant 0 : index
    %swap3A_23 = arith.constant 0 : index
    %swap3A_24 = vector.load %arg3[%swap3A, %swap3A_23] : memref<2048x128xf32, #tpu.memory_space<vmem>>, vector<2048x128xf32>
    tpu.vector_store %arg3[%swap3A, %swap3A_23], %mul3A_22 {strides = array<i32>} : memref<2048x128xf32, #tpu.memory_space<vmem>>, vector<2048x128xf32>,
    return
  }
}

module attributes {stable_mosaic.version = 14 : i64} {
  func.func @body(%arg0: i32, %arg1: memref<2x1000x128xf32, #tpu.memory_space<vmem>>, %arg2: memref<1000x1xf32, #tpu.memory_space<vmem>>, %arg3: memref<1000x128xf32, #tpu.memory_space<vmem>>, %arg4: memref<128x128xf32, #tpu.memory_space<vmem>>, %arg5: memref<1000x128xf32, #tpu.memory_space<vmem>>) attributes {dimension_semantics = [#tpu.dimension_semantics<arbitrary>], iteration_bounds = array<i64: 10>, scalar_prefetch = 0 : i64, scratch_operands = 0 : i64, tpu.core_type = #tpu.core_type<tc>, window_params = [{transform_indices = @transform_0, window_bounds = array<i64: 2, 1000, 128>}, {transform_indices = @transform_1, window_bounds = array<i64: 1000, 1>}, {transform_indices = @transform_2, window_bounds = array<i64: 1000, 128>}, {pipeline_mode = #tpu.pipeline_mode<synchronous>, transform_indices = @transform_3, window_bounds = array<i64: 128, 128>}, {transform_indices = @transform_4, window_bounds = array<i64: 1000, 128>}]} {
    %get3A = arith.constant 0 : index
    %get3A_0 = arith.constant 0 : index
    %get3A_1 = arith.constant 0 : index
    %get3A_2 = vector.load %arg1[%get3A, %get3A_0, %get3A_1] : memref<2x1000x128xf32, #tpu.memory_space<vmem>>, vector<1x1000x128xf32>
    %get3A_3 = vector.shape_cast %get3A_2 : vector<1x1000x128xf32> to vector<1000x128xf32>
    %get3A_4 = arith.constant 1 : index
    %get3A_5 = arith.constant 0 : index
    %get3A_6 = arith.constant 0 : index
    %get3A_7 = vector.load %arg1[%get3A_4, %get3A_5, %get3A_6] : memref<2x1000x128xf32, #tpu.memory_space<vmem>>, vector<1x1000x128xf32>
    %get3A_8 = vector.shape_cast %get3A_7 : vector<1x1000x128xf32> to vector<1000x128xf32>
    %add3A = arith.addf %get3A_3, %get3A_8 : vector<1000x128xf32>
    %get3A_9 = arith.constant 0 : index
    %get3A_10 = arith.constant 0 : index
    %get3A_11 = vector.load %arg2[%get3A_9, %get3A_10] : memref<1000x1xf32, #tpu.memory_space<vmem>>, vector<1000x1xf32>
    %eq3A = arith.constant 0.000000e+00 : f32
    %eq3A_12 = vector.broadcast %eq3A : f32 to vector<1000x1xf32>
    %eq3A_13 = arith.cmpf oeq, %get3A_11, %eq3A_12 : vector<1000x1xf32>
    %rsqrt3A = math.rsqrt %get3A_11 : vector<1000x1xf32>
    %jit3A = arith.constant 1.000000e+00 : f32
    %broadcast_in_dim3A = vector.broadcast %jit3A : f32 to vector<1000x1xf32>
    %select_n3A = arith.select %eq3A_13, %broadcast_in_dim3A, %rsqrt3A : vector<1000x1xi1>, vector<1000x1xf32>
    %mul3A = arith.constant 0.899999976 : f32
    %mul3A_14 = vector.broadcast %mul3A : f32 to vector<1000x128xf32>
    %mul3A_15 = arith.mulf %mul3A_14, %add3A : vector<1000x128xf32>
    %mul3A_16 = vector.broadcast %select_n3A : vector<1000x1xf32> to vector<1000x128xf32>
    %mul3A_17 = arith.mulf %mul3A_15, %mul3A_16 : vector<1000x128xf32>
    %get3A_18 = arith.constant 0 : index
    %get3A_19 = arith.constant 0 : index
    %get3A_20 = vector.load %arg3[%get3A_18, %get3A_19] : memref<1000x128xf32, #tpu.memory_space<vmem>>, vector<1000x128xf32>
    %mul3A_21 = arith.constant 1.000000e-01 : f32
    %mul3A_22 = vector.broadcast %mul3A_21 : f32 to vector<1000x128xf32>
    %mul3A_23 = arith.mulf %mul3A_22, %get3A_20 : vector<1000x128xf32>
    %add3A_24 = arith.addf %mul3A_17, %mul3A_23 : vector<1000x128xf32>
    %get3A_25 = arith.constant 0 : index
    %get3A_26 = arith.constant 0 : index
    %get3A_27 = vector.load %arg4[%get3A_25, %get3A_26] : memref<128x128xf32, #tpu.memory_space<vmem>>, vector<128x128xf32>
    %dot_general3A = arith.constant dense<0.000000e+00> : vector<1000x128xf32>
    %dot_general3A_28 = tpu.matmul %add3A_24, %get3A_27, %dot_general3A {dimension_numbers = #tpu.dot_dimension_numbers<[1], [1], [0], [0], [0, 0, 1, 0], [], []>, transpose_lhs_hint = false} : vector<1000x128xf32>, vector<128x128xf32>, vector<1000x128xf32> -> vector<1000x128xf32>
    %mul3A_29 = arith.constant 2.000000e-01 : f32
    %mul3A_30 = vector.broadcast %mul3A_29 : f32 to vector<1000x128xf32>
    %mul3A_31 = arith.mulf %mul3A_30, %add3A_24 : vector<1000x128xf32>
    %mul3A_32 = arith.constant 8.000000e-01 : f32
    %mul3A_33 = vector.broadcast %mul3A_32 : f32 to vector<1000x128xf32>
    %mul3A_34 = arith.mulf %mul3A_33, %dot_general3A_28 : vector<1000x128xf32>
    %add3A_35 = arith.addf %mul3A_31, %mul3A_34 : vector<1000x128xf32>
    %swap3A = arith.constant 0 : index
    %swap3A_36 = arith.constant 0 : index
    %swap3A_37 = vector.load %arg5[%swap3A, %swap3A_36] : memref<1000x128xf32, #tpu.memory_space<vmem>>, vector<1000x128xf32>
    tpu.vector_store %arg5[%swap3A, %swap3A_36], %add3A_35 {strides = array<i32>} : memref<1000x128xf32, #tpu.memory_space<vmem>>, vector<1000x128xf32>,
    return
  }
  func.func @transform_0(%arg0: i32) -> (i32, i32, i32) {
    %c0_i32 = arith.constant 0 : i32
    %c0_i32_0 = arith.constant 0 : i32
    %c0_i32_1 = arith.constant 0 : i32
    return %c0_i32, %arg0, %c0_i32_0 : i32, i32, i32
  }
  func.func @transform_1(%arg0: i32) -> (i32, i32) {
    %c0_i32 = arith.constant 0 : i32
    %c0_i32_0 = arith.constant 0 : i32
    return %arg0, %c0_i32 : i32, i32
  }
  func.func @transform_2(%arg0: i32) -> (i32, i32) {
    %c0_i32 = arith.constant 0 : i32
    %c0_i32_0 = arith.constant 0 : i32
    return %arg0, %c0_i32 : i32, i32
  }
  func.func @transform_3(%arg0: i32) -> (i32, i32) {
    %c0_i32 = arith.constant 0 : i32
    %c0_i32_0 = arith.constant 0 : i32
    %c0_i32_1 = arith.constant 0 : i32
    return %c0_i32, %c0_i32_0 : i32, i32
  }
  func.func @transform_4(%arg0: i32) -> (i32, i32) {
    %c0_i32 = arith.constant 0 : i32
    %c0_i32_0 = arith.constant 0 : i32
    return %arg0, %c0_i32 : i32, i32
  }
}

</mosaic_0001>

<sc_bundles>
// kernel: kernel.10.cloned.1.call-start
scs
__scs_entry_jumppad:
0x0: {  	(pc) =	sbr.rel $0x88, $3  }
0x1: {  	(tag) =	ssettag $0x0;
	lr =	simm.s32 $0x1  }
0x2: {  	[smem:$0x3F9B] =	sst lr;
	_ =	strace $0xD0000000  }
0x3: {  	_ = 	snop  }
0x4: {  	_ = 	snop  }
0x5: {  	_ = 	snop  }
0x6: {  	_ = 	snop  }
0x7: {  	_ = 	snop  }
__scs_overlays_trampoline_lowered:
0x8: {  	[smem:$0x3FAA] =	sst s0  }
0x9: {  	[smem:$0x3FAB] =	sst s1  }
0xa: {  	[smem:$0x3FAC] =	sst s2  }
0xb: {  	[smem:$0x3FAD] =	sst s3  }
0xc: {  	[smem:$0x3FAE] =	sst s4  }
0xd: {  	[smem:$0x3FAF] =	sst s5  }
0xe: {  	[smem:$0x3FB0] =	sst s6  }
0xf: {  	[smem:$0x3FB1] =	sst s7  }
0x10: {  	[smem:$0x3FB2] =	sst s8  }
0x11: {  	[smem:$0x3FB3] =	sst s9;
	s0 =	simm.s32 @!p0 $0x0  }
0x12: {  	s1 =	sld [smem:$0x3F99];
	s0 =	simm.s32 @p0 $0x1  }
0x13: {  	[smem:$0x3FB4] =	sst s0;
	s0 =	simm.s32 @!p1 $0x0  }
0x14: {  	s2 =	sld [smem:$0x3F98];
	s0 =	simm.s32 @p1 $0x1  }
0x15: {  	[smem:$0x3FB5] =	sst s0;
	s0 =	simm.s32 @!p2 $0x0  }
0x16: {  	s3 =	sld [smem:$0x3FDB];
	s0 =	simm.s32 @p2 $0x1  }
0x17: {  	s4 =	simm.s32 $0x1BF5;
	[smem:$0x3FB7] =	sst s0  }
0x18: {  	s0 =	sld [smem:$0x3F9A];
	_ =	swait.ge [sflag:s4], $0x0  }
0x19: {  	s7 =	sld [smem:$0x3F9B]  }
0x1a: {  	s8 =	sadd.s32 $0xFFFFE003, lr  }
0x1b: {  	s9 =	sadd.s32 $0xFFFFFEF7, lr;
	s5 =	simm.s32 $0xFFFFFFFF;
	p2 =	slt.u32 s8, $0xFFFFF086  }
0x1c: {  	p1 =	slt.u32 s9, $0xF7A;
	s5 =	simm.s32 @!p2 $0x0  }
0x1d: {  	s5 =	simm.s32 @p1 $0x1;
	p0 =	seq.s32 s7, s2  }
0x1e: {  	s7 =	smul.u32 @!p0 $0xF7A, s2;
	p2 =	seq.s32 @!p0 s5, $0x0  }
0x1f: {  	s9 =	smul.u32 $0xF7A, s1;
	s8 =	simm.s32 @!p0 $0x1BF5;
	p2 =	por !p2, p0  }
0x20: {  	[sflag:s8] =	ssyncset.s32 @!p0 $0xFFFFF086;
	s6 =	sadd.s32 @!p0 s3, s7;
	s7 =	simm.s32 @!p0 $0x108  }
0x21: {  	s3 =	sadd.s32 s3, s9;
	s6 =	sadd.s32 @!p0 $0x88, s6;
	s7 =	simm.s32 @p2 $0x1082  }
0x22: {  	[simem:s7], [sflag:s8] =	dma.local @!p0 [hbm:s6], $0xF7A  }
0x23: {  	s9 =	sor.u32 $0xD0000000, s2;
	s6 =	simm.s32 $0x108;
	_ =	swait.ge @!p0 [sflag:s8], $0x0  }
0x24: {  	s3 =	sadd.s32 $0x88, s3;
	s6 =	simm.s32 @!p1 $0x1082;
	[sflag:s4] =	ssyncset.s32 $0xFFFFF086  }
0x25: {  	[simem:s6], [sflag:s4] =	dma.local [hbm:s3], $0xF7A  }
0x26: {  	[smem:$0x3F9B] =	sst s1;
	(tag) =	ssettag s2;
	_ =	strace s9  }
0x27: {  	s1 =	sld [smem:$0x3FAB]  }
0x28: {  	s2 =	sld [smem:$0x3FAC]  }
0x29: {  	s4 =	sld [smem:$0x3FAE]  }
0x2a: {  	p0 =	seq.s32 s5, $0x0;
	s5 =	sld [smem:$0x3FAF]  }
0x2b: {  	s6 =	sld [smem:$0x3FB0]  }
0x2c: {  	s7 =	sld [smem:$0x3FB1]  }
0x2d: {  	s3 =	simm.s32 $0x108;
	s8 =	sld [smem:$0x3FB2]  }
0x2e: {  	s3 =	simm.s32 @!p0 $0x1082;
	s9 =	sld [smem:$0x3FB3]  }
0x2f: {  	lr =	sadd.s32 s0, s3;
	s0 =	sld [smem:$0x3FAA]  }
0x30: {  	s3 =	sld [smem:$0x3FAD]  }
0x31: {  	[smem:$0x3FB6] =	sst s10  }
0x32: {  	s10 =	sld [smem:$0x3FB4];
	_ =	sdelay $0x3  }
0x33: {  	p0 =	seq.s32 s10, $0x1;
	s10 =	sld [smem:$0x3FB6];
	_ =	sdelay $0x3  }
0x34: {  	[smem:$0x3FB6] =	sst s10  }
0x35: {  	s10 =	sld [smem:$0x3FB5];
	_ =	sdelay $0x3  }
0x36: {  	p1 =	seq.s32 s10, $0x1;
	s10 =	sld [smem:$0x3FB6];
	_ =	sdelay $0x3  }
0x37: {  	[smem:$0x3FB6] =	sst s10  }
0x38: {  	s10 =	sld [smem:$0x3FB7]  }
0x39: {  	_ = 	snop;
	(pc) =	sbr.ind lr, $3  }
0x3a: {  	_ = 	snop  }
0x3b: {  	_ = 	snop  }
0x3c: {  	p2 =	seq.s32 s10, $0x1;
	s10 =	sld [smem:$0x3FB6]  }
0x3d: {  	_ =	shalt  }
0x3e: {  	_ =	shalt  }
0x3f: {  	_ =	shalt  }
0x40: {  	_ =	shalt  }
0x41: {  	_ =	shalt  }
0x42: {  	_ =	shalt  }
0x43: {  	_ =	shalt  }
0x44: {  	_ =	shalt  }
0x45: {  	_ =	shalt  }
0x46: {  	_ =	shalt  }
0x47: {  	_ =	shalt  }
0x48: {  	_ =	shalt  }
0x49: {  	_ =	shalt  }
0x4a: {  	_ =	shalt  }
0x4b: {  	_ =	shalt  }
0x4c: {  	_ =	shalt  }
0x4d: {  	_ =	shalt  }
0x4e: {  	_ =	shalt  }
0x4f: {  	_ =	shalt  }
0x50: {  	_ =	shalt  }
0x51: {  	_ =	shalt  }
0x52: {  	_ =	shalt  }
0x53: {  	_ =	shalt  }
0x54: {  	_ =	shalt  }
0x55: {  	_ =	shalt  }
0x56: {  	_ =	shalt  }
0x57: {  	_ =	shalt  }
0x58: {  	_ =	shalt  }
0x59: {  	_ =	shalt  }
0x5a: {  	_ =	shalt  }
0x5b: {  	_ =	shalt  }
0x5c: {  	_ =	shalt  }
0x5d: {  	_ =	shalt  }
0x5e: {  	_ =	shalt  }
0x5f: {  	_ =	shalt  }
0x60: {  	_ =	shalt  }
0x61: {  	_ =	shalt  }
0x62: {  	_ =	shalt  }
0x63: {  	_ =	shalt  }
0x64: {  	_ =	shalt  }
0x65: {  	_ =	shalt  }
0x66: {  	_ =	shalt  }
0x67: {  	_ =	shalt  }
0x68: {  	_ =	shalt  }
0x69: {  	_ =	shalt  }
0x6a: {  	_ =	shalt  }
0x6b: {  	_ =	shalt  }
0x6c: {  	_ =	shalt  }
0x6d: {  	_ =	shalt  }
0x6e: {  	_ =	shalt  }
0x6f: {  	_ =	shalt  }
0x70: {  	_ =	shalt  }
0x71: {  	_ =	shalt  }
0x72: {  	_ =	shalt  }
0x73: {  	_ =	shalt  }
0x74: {  	_ =	shalt  }
0x75: {  	_ =	shalt  }
0x76: {  	_ =	shalt  }
0x77: {  	_ =	shalt  }
0x78: {  	_ =	shalt  }
0x79: {  	_ =	shalt  }
0x7a: {  	_ =	shalt  }
0x7b: {  	_ =	shalt  }
0x7c: {  	_ =	shalt  }
0x7d: {  	_ =	shalt  }
0x7e: {  	_ =	shalt  }
0x7f: {  	_ =	shalt  }
0x80: {  	_ =	shalt  }
0x81: {  	_ =	shalt  }
0x82: {  	_ =	shalt  }
0x83: {  	_ =	shalt  }
0x84: {  	_ =	shalt  }
0x85: {  	_ =	shalt  }
0x86: {  	_ =	shalt  }
0x87: {  	_ =	shalt  }
.Lfunc_end0:
.L_simem_size_0:
called_computation.1_lowered:
.L_overlay_start_0:
0x88: {  	s2 =	sld [smem:$0x3FD9]  }
0x89: {  	s3 =	sld [smem:$0x3FFE];
	_ =	sdelay $0x1  }
0x8a: {  	s1 =	srdreg.scid  }
0x8b: {  	s0 =	sand.u32 $0x1, s1  }
0x8c: {  	s17 =	sshll.u32 s0, $0xA;
	s2 =	sadd.s32 s3, s2  }
0x8d: {  	s2 =	sadd.s32 s2, s17  }
0x8e: {  	[smem:$0x3FC2] =	sst s2  }
0x8f: {  	_ = 	snop  }
0x90: {  	s2 =	sld [smem:$0x3FC8]  }
0x91: {  	s18 =	sld [smem:$0x3FC7]  }
0x92: {  	s4 =	sld [smem:$0x3FD0];
	(tm) =	ssettm $0x1  }
0x93: {  	s5 =	sld [smem:$0x3FFB];
	_ =	sdelay $0x3  }
0x94: {  	_ =	strace s5  }
0x95: {  	s5 =	sld [smem:$0x3FFC];
	_ =	sdelay $0x3  }
0x96: {  	_ =	strace s5  }
0x97: {  	s5 =	sld [smem:$0x3FFD];
	_ =	sdelay $0x3  }
0x98: {  	_ =	strace s5  }
0x99: {  	_ =	strace $0x8FFFFFFF  }
0x9a: {  	s19 =	sld [smem:$0x3FDB];
	_ =	sdelay $0x1  }
0x9b: {  	s6 =	simm.s32 $_scs_section_size  }
0x9c: {  	s7 =	simm.s32 $_size__tile_overlayer_lowered;
	s8 =	simm.s32 $_tile_overlayer_lowered  }
0x9d: {  	s22 =	simm.s32 $0x1BFF;
	s21 =	sshll.u32 s8, $0x1;
	s5 =	sadd.s32 s6, s19  }
0x9e: {  	s9 =	simm.s32 $0x0;
	s20 =	sshll.u32 s7, $0x1;
	s7 =	sadd.s32 s21, s5  }
0x9f: {  	[timem:s9], [sflag:s22] =	dma.local [hbm:s7], s20  }
0xa0: {  	_ =	swait.ge [sflag:s22], s20  }
0xa1: {  	s6 =	ssub.s32 $0x0, s20;
	[sflag:s22] =	ssyncset.done $0x0  }
0xa2: {  	[sflag:s22] =	ssyncadd.s32 s6;
	_ =	sdelay $0x1  }
0xa3: {  	s23 =	simm.s32 $0x1B8B  }
0xa4: {  	_ =	swait.ge [sflag:s23], $0x1  }
0xa5: {  	[sflag:s23] =	ssyncset.done $0x0  }
0xa6: {  	s25 =	simm.s32 $0x1B8E;
	s24 =	sld [smem:$0x3FFE];
	[sflag:s23] =	ssyncadd.s32 $0xFFFFFFFF  }
0xa7: {  	s26 =	simm.s32 $execute0_lowered;
	[smem:$0x3FD2] =	sst s25  }
0xa8: {  	s7 =	sshll.u32 s26, $0x1;
	_ =	strace $0x80000049;
	[dreg:$0x1] =	wrdreg $0xFFFFFFFF  }
0xa9: {  	s28 =	simm.s32 $_size_execute0_lowered;
	s5 =	sadd.s32 s5, s7;
	[dreg:$0x0] =	wrdreg $0x0  }
0xaa: {  	s7 =	sshll.u32 s28, $0x1;
	[dreg:$0x2] =	wrdreg s5  }
0xab: {  	[dreg:$0x3] =	wrdreg s7  }
0xac: {  	[dreg:$0x4] =	wrdreg $0xC0  }
0xad: {  	_ =	task [dreg:s9], $0x5FFFF  }
0xae: {  	[dreg:$0x1] =	wrdreg $0xFFFFFFFF  }
0xaf: {  	[dreg:$0x0] =	wrdreg $0x60  }
0xb0: {  	[dreg:$0x2] =	wrdreg s4  }
0xb1: {  	[dreg:$0x3] =	wrdreg s2  }
0xb2: {  	[dreg:$0x4] =	wrdreg s18  }
0xb3: {  	[dreg:$0x5] =	wrdreg s24  }
0xb4: {  	[dreg:$0x6] =	wrdreg $0x82000  }
0xb5: {  	[dreg:$0x7] =	wrdreg $0xC2000  }
0xb6: {  	[dreg:$0x8] =	wrdreg $0x9  }
0xb7: {  	_ =	task.clear_ibuf [dreg:s9], $0x9FFFF;
	_ =	strace $0x90000049  }
0xb8: {  	s29 =	simm.s32 $0x9;
	_ =	strace $0x8000004B  }
0xb9: {  	_ =	swait.ge [sflag:s29], $0x1  }
0xba: {  	[sflag:s29] =	ssyncadd.s32 $0xFFFFFFFF  }
0xbb: {  	_ =	strace $0x9000004B  }
0xbc: {  	_ =	sfence  }
0xbd: {  	s30 =	sld [smem:$0x0];
	_ =	sdelay $0x2  }
0xbe: {  	s31 =	sshll.u32 s1, $0xD;
	s1 =	sshrl.u32 s1, $0x2  }
0xbf: {  	s3 =	sand.u32 $0x4000, s31;
	s1 =	sadd.s32 s1, s30  }
0xc0: {  	s0 =	sor.u32 s3, s0;
	s1 =	sshll.u32 s1, $0x11  }
0xc1: {  	s0 =	sor.u32 s1, s0  }
0xc2: {  	s0 =	sadd.s32 $0x8F2B, s0  }
0xc3: {  	[sflag:s0] =	ssyncadd.remote.s32 $0x1  }
0xc4: {  	_ =	sfence.sel $0xFFFF  }
0xc5: {  	[dreg:$0x0] =	wrdreg $0xFFFFFFFF;
	(pc) =	sbr.abs _section_cstart, $3  }
0xc6: {  	[dreg:$0x1] =	wrdreg $0xFFFFFFFF  }
0xc7: {  	_ =	task.clear_ibuf [dreg:s9], $0x2FFFF;
	_ =	strace $0x9FFFFFFF  }
0xc8: {  	(tm) =	ssettm $0x7FFFFFFF  }
0xc9: {  	_ =	shalt  }
tec
execute0_lowered:
.L_overlay_start_1:
0x0: {  	(tag) =	ssettag $0x1  }
0x1: {  	s12 =	rddreg [dreg:$0x0]  }
0x2: {  	s0 =	rddreg [dreg:$0x1]  }
0x3: {  	s1 =	rddreg [dreg:$0x2]  }
0x4: {  	s7 =	rddreg [dreg:$0x3]  }
0x5: {  	s4 =	rddreg [dreg:$0x4]  }
0x6: {  	s2 =	srdreg.scid;
	s5 =	rddreg [dreg:$0x5]  }
0x7: {  	s24 =	stileid.u32;
	s6 =	simm.s32 $0x0;
	s22 =	simm.s32 $0x4  }
0x8: {  	s23 =	simm.s32 $0x80;
	s14 =	sand.u32 $0x1, s2;
	s9 =	smul.u32 $0x13C00, s24  }
0x9: {  	[smem:$0x7FF] =	sst s6;
	s10 =	smul.u32 $0x4F000, s24;
	s17 =	sshll.u32 s24, $0xE  }
0xa: {  	s30 =	sshll.u32 s24, $0xB;
	s19 =	sshll.u32 s24, $0x4;
	s20 =	sshll.u32 s24, $0x6  }
0xb: {  	s8 =	smul.u32 $0x13C000, s14;
	_ =	strace $0x8000004A;
	s25 =	ssub.s32 $0x2, s14  }
0xc: {  	s16 =	sshll.u32 s14, $0x4;
	s21 =	sadd.s32 s17, s4;
	s12 =	sadd.s32 s12, s30  }
0xd: {  	s18 =	sshll.u32 s14, $0x8;
	s20 =	sor.u32 $0x1C03, s20;
	s10 =	sshrl.u32 s10, $0x2  }
0xe: {  	s26 =	sshrl.u32 s25, $0x1;
	s31 =	sor.u32 s16, s24;
	s21 =	sshrl.u32 s21, $0x3  }
0xf: {  	s24 =	simm.s32 $0x0;
	s8 =	sadd.s32 s9, s8;
	s15 =	ssub.s32 s25, s26  }
0x10: {  	s16 =	ssub.s32 $0xA03, s31;
	s17 =	sor.u32 $0x20, s31;
	s8 =	sshrl.u32 s8, $0x3  }
0x11: {  	s14 =	smax.u32 s15, $0x1;
	s13 =	sadd.s32 s8, s7;
	s7 =	sadd.s32 s10, s5  }
0x12: {  	s15 =	sshrl.u32 s16, $0x6;
	s16 =	sor.u32 s19, s18;
	s3 =	sadd.s32 $0x4000, s7  }
0x13: {  	s18 =	simm.s32 $0x100;
	s28 =	sadd.s32 $0x8000, s7;
	[dreg:$0x7] =	wrdreg s3  }
0x14: {  	s19 =	simm.s32 $0x3;
	s29 =	sadd.s32 $0xC000, s7;
	[dreg:$0x8] =	wrdreg s28  }
0x15: {  	v0 =	vimm.f32 $0.0e+00;
	s11 =	sadd.s32 $0x10000, s7;
	s13 =	sadd.s32 $0x1E00, s13;
	[dreg:$0x9] =	wrdreg s29  }
.LBB2_1:
0x16: {  	s25 =	simm.s32 $0x0;
	s26 =	simm.s32 $0x200  }
.LBB2_2:
0x17: {  	p0 =	sne.s32 s26, $0xFE00;
	[tilespmem:s25+$0x170] =	vst v0  }
0x18: {  	[tilespmem:s25+$0x100] =	vst v0  }
0x19: {  	[tilespmem:s25+$0x110] =	vst v0  }
.Ltmp0:
0x1a: {  	[tilespmem:s25+$0x120] =	vst v0;
	(pc) =	sbr.rel @p0 .LBB2_2-.Ltmp0, $4  }
0x1b: {  	[tilespmem:s25+$0x130] =	vst v0  }
0x1c: {  	[tilespmem:s25+$0x140] =	vst v0  }
0x1d: {  	[tilespmem:s25+$0x150] =	vst v0  }
0x1e: {  	[tilespmem:s25+$0x160] =	vst v0;
	s25 =	sshra.s32 s26, $0x2;
	s26 =	sadd.s32 $0x200, s26  }
0x1f: {  	[tilespmem:s25+$0x170] =	vst v0  }
0x20: {  	[tilespmem:s25+$0x100] =	vst v0  }
0x21: {  	[tilespmem:s25+$0x110] =	vst v0  }
0x22: {  	[tilespmem:s25+$0x120] =	vst v0  }
0x23: {  	[tilespmem:s25+$0x130] =	vst v0  }
0x24: {  	[tilespmem:s25+$0x140] =	vst v0  }
0x25: {  	[tilespmem:s25+$0x150] =	vst v0  }
0x26: {  	[tilespmem:s25+$0x160] =	vst v0  }
0x27: {  	[spmem:s7] =	stream.linear.scatter [tilespmem:s18], [sflag:$0x3], $0x4000, $0x38;
	[tilespmem:$0x1FE00] =	vst v63  }
0x28: {  	_ =	swait.ge [sflag:s19], $0x4000  }
0x29: {  	[sflag:s19] =	ssyncset.done $0x0  }
0x2a: {  	s2 =	rddreg [dreg:$0x7];
	[sflag:s19] =	ssyncadd.s32 $0xFFFFC000  }
0x2b: {  	[spmem:s2] =	stream.linear.scatter [tilespmem:s18], [sflag:$0x3], $0x4000, $0x38;
	[tilespmem:$0x1FE00] =	vst v63  }
0x2c: {  	_ =	swait.ge [sflag:s19], $0x4000  }
0x2d: {  	[sflag:s19] =	ssyncset.done $0x0  }
0x2e: {  	s29 =	rddreg [dreg:$0x8];
	[sflag:s19] =	ssyncadd.s32 $0xFFFFC000  }
0x2f: {  	[spmem:s29] =	stream.linear.scatter [tilespmem:s18], [sflag:$0x3], $0x4000, $0x38;
	[tilespmem:$0x1FE00] =	vst v63  }
0x30: {  	_ =	swait.ge [sflag:s19], $0x4000  }
0x31: {  	[sflag:s19] =	ssyncset.done $0x0  }
0x32: {  	s31 =	rddreg [dreg:$0x9];
	[sflag:s19] =	ssyncadd.s32 $0xFFFFC000  }
0x33: {  	[spmem:s31] =	stream.linear.scatter [tilespmem:s18], [sflag:$0x3], $0x4000, $0x38;
	[tilespmem:$0x1FE00] =	vst v63  }
0x34: {  	_ =	swait.ge [sflag:s19], $0x4000  }
0x35: {  	[sflag:s19] =	ssyncset.done $0x0  }
0x36: {  	[sflag:s19] =	ssyncadd.s32 $0xFFFFC000  }
0x37: {  	[spmem:s11] =	stream.linear.scatter [tilespmem:s18], [sflag:$0x3], $0x3C00, $0x38;
	[tilespmem:$0x1FE00] =	vst v63  }
0x38: {  	_ =	swait.ge [sflag:s19], $0x3C00  }
0x39: {  	s25 =	sadd.s32 $0xFFFFFFFF, s15;
	[sflag:s19] =	ssyncset.done $0x0  }
0x3a: {  	p1 =	sne.s32 s25, $0x0;
	[sflag:s19] =	ssyncadd.s32 $0xFFFFC400  }
0x3b: {  	[spmem:s21], [sflag:s20] =	dma.local [hbm:s12], $0x800  }
.Ltmp1:
0x3c: {  	_ =	swait.ge [sflag:s19], $0x800;
	(pc) =	sbr.rel @!p1 .LBB2_4-.Ltmp1, $4  }
0x3d: {  	[sflag:s19] =	ssyncset.done $0x0  }
0x3e: {  	[sflag:s19] =	ssyncadd.s32 $0xFFFFF800  }
0x3f: {  	[bflag:$0x0] =	sbarrier.arrive $0xFFFF  }
0x40: {  	s30 =	sand.u32 $0x1FFFFDF0, s16;
	p0 =	por $0x0, $0x0  }
0x41: {  	s26 =	sadd.s32 s0, s30  }
0x42: {  	[tilespmem:s6], [sflag:$0x4] =	stream.linear.gather [hbm4b:s26+s6], $0x80, $0x38;
	[tilespmem:$0x1FE00] =	vst v63  }
0x43: {  	_ =	swait.ge [sflag:s22], $0x80  }
0x44: {  	[sflag:s22] =	ssyncset.done $0x0  }
0x45: {  	s31 =	sadd.s32 s1, s30;
	[sflag:s22] =	ssyncadd.s32 $0xFFFFFF80  }
0x46: {  	[tilespmem:s23], [sflag:$0x4] =	stream.linear.gather [hbm4b:s31+s6], $0x80, $0x38;
	[tilespmem:$0x1FE00] =	vst v63  }
0x47: {  	_ =	swait.ge [sflag:s22], $0x80  }
0x48: {  	p0 =	sgt.s32 s17, $0x9C3;
	[sflag:s22] =	ssyncset.done $0x0  }
0x49: {  	s26 =	simm.s32 @p0 $0x1;
	[sflag:s22] =	ssyncadd.s32 $0xFFFFFF80  }
0x4a: {  	[tilespmem:s18], [sflag:$0x1] =	stream.indirect.gather [spmem:s4], $0x80, s23, s23, $0xb8;
	[tilespmem:$0x1FE00] =	vst v63  }
0x4b: {  	s28 =	sadd.s32 @!p0 $0x200, s16;
	s29 =	simm.s32 @p0 $0x100;
	_ =	swait.ge @p0 [sflag:s26], $0x4000  }
0x4c: {  	s30 =	simm.s32 @p0 $0x80;
	s28 =	sand.u32 @!p0 $0x1FFFFFF0, s28;
	[sflag:s26] =	ssyncset.done @p0 $0x0  }
0x4d: {  	s31 =	simm.s32 @p0 $0x0;
	[sflag:s26] =	ssyncadd.s32 @p0 $0xFFFFC000;
	s26 =	sadd.s32 @!p0 s0, s28  }
0x4e: {  	[spmem:s5] =	stream.indirect.scatter.add.f32 @p0 [tilespmem:s29], [sflag:$0x4], $0x80, s31, s30, $0xb8;
	[tilespmem:$0x1FE00] =	vst v63  }
0x4f: {  	s29 =	simm.s32 @!p0 $0x0;
	s30 =	simm.s32 @!p0 $0x4100;
	s31 =	simm.s32 @!p0 $0x4  }
0x50: {  	[tilespmem:s30], [sflag:$0x4] =	stream.linear.gather @!p0 [hbm4b:s26+s29], $0x80, $0x38;
	[tilespmem:$0x1FE00] =	vst v63  }
0x51: {  	_ =	swait.ge @!p0 [sflag:s31], $0x80  }
0x52: {  	[sflag:s31] =	ssyncset.done @!p0 $0x0  }
0x53: {  	s26 =	sadd.s32 @!p0 s1, s28;
	s28 =	simm.s32 @!p0 $0x4180;
	[sflag:s31] =	ssyncadd.s32 @!p0 $0xFFFFFF80  }
0x54: {  	[tilespmem:s28], [sflag:$0x4] =	stream.linear.gather @!p0 [hbm4b:s26+s29], $0x80, $0x38;
	[tilespmem:$0x1FE00] =	vst v63  }
0x55: {  	_ =	swait.ge @!p0 [sflag:s31], $0x80  }
0x56: {  	s2 =	simm.s32 @!p0 $0x4200;
	[sflag:s31] =	ssyncset.done @!p0 $0x0  }
0x57: {  	s3 =	simm.s32 @!p0 $0x1;
	s26 =	simm.s32 @!p0 $0x80;
	[sflag:s31] =	ssyncadd.s32 @!p0 $0xFFFFFF80  }
0x58: {  	[tilespmem:s2], [sflag:$0x2] =	stream.indirect.gather @!p0 [spmem:s4], $0x80, s28, s26, $0xb8;
	[tilespmem:$0x1FE00] =	vst v63  }
0x59: {  	_ =	swait.ge @!p0 [sflag:s3], $0x4000  }
0x5a: {  	[sflag:s3] =	ssyncset.done @!p0 $0x0  }
0x5b: {  	s28 =	simm.s32 @!p0 $0x100;
	[sflag:s3] =	ssyncadd.s32 @!p0 $0xFFFFC000  }
0x5c: {  	[spmem:s5] =	stream.indirect.scatter.add.f32 @!p0 [tilespmem:s28], [sflag:$0x4], $0x80, s29, s26, $0xb8;
	[tilespmem:$0x1FE00] =	vst v63  }
0x5d: {  	_ =	swait.ge @!p0 [sflag:s31], $0x4000  }
0x5e: {  	[sflag:s31] =	ssyncset.done @!p0 $0x0  }
0x5f: {  	s3 =	simm.s32 @!p0 $0x2;
	s28 =	sadd.s32 $0xFFFFFFFF, s25;
	[sflag:s31] =	ssyncadd.s32 @!p0 $0xFFFFC000  }
0x60: {  	p1 =	sne.s32 s28, $0x0;
	_ =	swait.ge @!p0 [sflag:s3], $0x4000  }
.Ltmp2:
0x61: {  	[sflag:s3] =	ssyncset.done @!p0 $0x0;
	(pc) =	sbr.rel @!p1 .LBB2_7-.Ltmp2, $4  }
0x62: {  	s29 =	simm.s32 @!p0 $0x3;
	s25 =	sadd.s32 $0x400, s16;
	[sflag:s3] =	ssyncadd.s32 @!p0 $0xFFFFC000  }
0x63: {  	[spmem:s5] =	stream.indirect.scatter.add.f32 @!p0 [tilespmem:s2], [sflag:$0x3], $0x80, s30, s26, $0xb8;
	[tilespmem:$0x1FE00] =	vst v63  }
0x64: {  	s29 =	simm.s32 @p0 $0x4;
	s30 =	sand.u32 $0x1FFFFDF0, s25  }
0x65: {  	s26 =	sadd.s32 $0x40, s17;
	p0 =	por $0x1, $0x1;
	_ =	swait.ge [sflag:s29], $0x4000  }
.LBB2_6:
0x66: {  	s28 =	sadd.s32 $0xFFFFFFFF, s28;
	s2 =	sadd.s32 s0, s30;
	[sflag:s29] =	ssyncset.done $0x0  }
0x67: {  	p1 =	sne.s32 s28, $0x0;
	[sflag:s29] =	ssyncadd.s32 $0xFFFFC000  }
0x68: {  	[tilespmem:s6], [sflag:$0x4] =	stream.linear.gather [hbm4b:s2+s6], $0x80, $0x38;
	[tilespmem:$0x1FE00] =	vst v63  }
0x69: {  	_ =	swait.ge [sflag:s22], $0x80  }
0x6a: {  	s2 =	sadd.s32 s1, s30;
	[sflag:s22] =	ssyncset.done $0x0  }
0x6b: {  	[sflag:s22] =	ssyncadd.s32 $0xFFFFFF80  }
0x6c: {  	[tilespmem:s23], [sflag:$0x4] =	stream.linear.gather [hbm4b:s2+s6], $0x80, $0x38;
	[tilespmem:$0x1FE00] =	vst v63  }
0x6d: {  	_ =	swait.ge [sflag:s22], $0x80  }
0x6e: {  	p2 =	sgt.s32 s26, $0x9C3;
	[sflag:s22] =	ssyncset.done $0x0  }
0x6f: {  	s3 =	sadd.s32 @!p2 $0x200, s25;
	s2 =	simm.s32 @p2 $0x1;
	[sflag:s22] =	ssyncadd.s32 $0xFFFFFF80  }
0x70: {  	[tilespmem:s18], [sflag:$0x1] =	stream.indirect.gather [spmem:s4], $0x80, s23, s23, $0xb8;
	[tilespmem:$0x1FE00] =	vst v63  }
0x71: {  	s29 =	simm.s32 @p2 $0x100;
	s3 =	sand.u32 @!p2 $0x1FFFFFF0, s3;
	_ =	swait.ge @p2 [sflag:s2], $0x4000  }
0x72: {  	s31 =	simm.s32 @p2 $0x0;
	s30 =	simm.s32 @p2 $0x80;
	[sflag:s2] =	ssyncset.done @p2 $0x0  }
0x73: {  	s8 =	simm.s32 @!p2 $0x0;
	[sflag:s2] =	ssyncadd.s32 @p2 $0xFFFFC000;
	s2 =	sadd.s32 @!p2 s0, s3  }
0x74: {  	[spmem:s5] =	stream.indirect.scatter.add.f32 @p2 [tilespmem:s29], [sflag:$0x4], $0x80, s31, s30, $0xb8;
	[tilespmem:$0x1FE00] =	vst v63  }
0x75: {  	s3 =	sadd.s32 @!p2 s1, s3;
	s30 =	simm.s32 @!p2 $0x4100;
	s31 =	simm.s32 @!p2 $0x4  }
0x76: {  	[tilespmem:s30], [sflag:$0x4] =	stream.linear.gather @!p2 [hbm4b:s2+s8], $0x80, $0x38;
	[tilespmem:$0x1FE00] =	vst v63  }
0x77: {  	s29 =	simm.s32 @!p2 $0x3;
	_ =	swait.ge @!p2 [sflag:s31], $0x80  }
0x78: {  	s2 =	simm.s32 @!p2 $0x4180;
	[sflag:s31] =	ssyncset.done @!p2 $0x0  }
0x79: {  	[sflag:s31] =	ssyncadd.s32 @!p2 $0xFFFFFF80  }
0x7a: {  	[tilespmem:s2], [sflag:$0x4] =	stream.linear.gather @!p2 [hbm4b:s3+s8], $0x80, $0x38;
	[tilespmem:$0x1FE00] =	vst v63  }
0x7b: {  	_ =	swait.ge @!p2 [sflag:s31], $0x80  }
0x7c: {  	s9 =	simm.s32 @!p2 $0x4200;
	s3 =	simm.s32 @!p2 $0x80;
	[sflag:s31] =	ssyncset.done @!p2 $0x0  }
0x7d: {  	s10 =	simm.s32 @!p2 $0x1;
	[sflag:s31] =	ssyncadd.s32 @!p2 $0xFFFFFF80  }
0x7e: {  	[tilespmem:s9], [sflag:$0x2] =	stream.indirect.gather @!p2 [spmem:s4], $0x80, s2, s3, $0xb8;
	[tilespmem:$0x1FE00] =	vst v63  }
0x7f: {  	_ =	swait.ge @!p2 [sflag:s10], $0x4000  }
0x80: {  	s2 =	simm.s32 @!p2 $0x100;
	[sflag:s10] =	ssyncset.done @!p2 $0x0  }
0x81: {  	[sflag:s10] =	ssyncadd.s32 @!p2 $0xFFFFC000  }
0x82: {  	[spmem:s5] =	stream.indirect.scatter.add.f32 @!p2 [tilespmem:s2], [sflag:$0x4], $0x80, s8, s3, $0xb8;
	[tilespmem:$0x1FE00] =	vst v63  }
0x83: {  	_ =	swait.ge @!p2 [sflag:s31], $0x4000  }
0x84: {  	s2 =	simm.s32 @!p2 $0x2;
	[sflag:s31] =	ssyncset.done @!p2 $0x0  }
0x85: {  	[sflag:s31] =	ssyncadd.s32 @!p2 $0xFFFFC000  }
.Ltmp3:
0x86: {  	_ =	swait.ge @!p2 [sflag:s2], $0x4000;
	(pc) =	sbr.rel @p1 .LBB2_6-.Ltmp3, $4  }
0x87: {  	[sflag:s2] =	ssyncset.done @!p2 $0x0  }
0x88: {  	s25 =	sadd.s32 $0x400, s25;
	s29 =	simm.s32 @p2 $0x4;
	[sflag:s2] =	ssyncadd.s32 @!p2 $0xFFFFC000  }
0x89: {  	[spmem:s5] =	stream.indirect.scatter.add.f32 @!p2 [tilespmem:s9], [sflag:$0x3], $0x80, s30, s3, $0xb8;
	[tilespmem:$0x1FE00] =	vst v63  }
0x8a: {  	s26 =	sadd.s32 $0x40, s26;
	s30 =	sand.u32 $0x1FFFFDF0, s25;
	_ =	swait.ge [sflag:s29], $0x4000  }
.LBB2_7:
0x8b: {  	[sflag:s29] =	ssyncset.done @p0 $0x0  }
0x8c: {  	s2 =	sadd.s32 s0, s30;
	[sflag:s29] =	ssyncadd.s32 @p0 $0xFFFFC000  }
0x8d: {  	[tilespmem:s6], [sflag:$0x4] =	stream.linear.gather [hbm4b:s2+s6], $0x80, $0x38;
	[tilespmem:$0x1FE00] =	vst v63  }
0x8e: {  	_ =	swait.ge [sflag:s22], $0x80  }
0x8f: {  	[sflag:s22] =	ssyncset.done $0x0  }
0x90: {  	s30 =	sadd.s32 s1, s30;
	[sflag:s22] =	ssyncadd.s32 $0xFFFFFF80  }
0x91: {  	[tilespmem:s23], [sflag:$0x4] =	stream.linear.gather [hbm4b:s30+s6], $0x80, $0x38;
	[tilespmem:$0x1FE00] =	vst v63  }
0x92: {  	_ =	swait.ge [sflag:s22], $0x80  }
0x93: {  	p0 =	sgt.s32 s26, $0x9C3;
	[sflag:s22] =	ssyncset.done $0x0  }
0x94: {  	s2 =	simm.s32 @p0 $0x1;
	[sflag:s22] =	ssyncadd.s32 $0xFFFFFF80  }
0x95: {  	[tilespmem:s18], [sflag:$0x1] =	stream.indirect.gather [spmem:s4], $0x80, s23, s23, $0xb8;
	[tilespmem:$0x1FE00] =	vst v63  }
0x96: {  	s3 =	sadd.s32 @!p0 $0x200, s25;
	s8 =	simm.s32 @p0 $0x100;
	_ =	swait.ge @p0 [sflag:s2], $0x4000  }
0x97: {  	s9 =	simm.s32 @p0 $0x80;
	s3 =	sand.u32 @!p0 $0x1FFFFFF0, s3;
	[sflag:s2] =	ssyncset.done @p0 $0x0  }
0x98: {  	s10 =	simm.s32 @p0 $0x0;
	[sflag:s2] =	ssyncadd.s32 @p0 $0xFFFFC000;
	s2 =	sadd.s32 @!p0 s0, s3  }
0x99: {  	[spmem:s5] =	stream.indirect.scatter.add.f32 @p0 [tilespmem:s8], [sflag:$0x4], $0x80, s10, s9, $0xb8;
	[tilespmem:$0x1FE00] =	vst v63  }
0x9a: {  	s8 =	simm.s32 @!p0 $0x0;
	s9 =	simm.s32 @!p0 $0x4100;
	s10 =	simm.s32 @!p0 $0x4  }
0x9b: {  	[tilespmem:s9], [sflag:$0x4] =	stream.linear.gather @!p0 [hbm4b:s2+s8], $0x80, $0x38;
	[tilespmem:$0x1FE00] =	vst v63  }
0x9c: {  	_ =	swait.ge @!p0 [sflag:s10], $0x80  }
0x9d: {  	[sflag:s10] =	ssyncset.done @!p0 $0x0  }
0x9e: {  	s2 =	sadd.s32 @!p0 s1, s3;
	s3 =	simm.s32 @!p0 $0x4180;
	[sflag:s10] =	ssyncadd.s32 @!p0 $0xFFFFFF80  }
0x9f: {  	[tilespmem:s3], [sflag:$0x4] =	stream.linear.gather @!p0 [hbm4b:s2+s8], $0x80, $0x38;
	[tilespmem:$0x1FE00] =	vst v63  }
0xa0: {  	_ =	swait.ge @!p0 [sflag:s10], $0x80  }
0xa1: {  	s25 =	simm.s32 @!p0 $0x4200;
	[sflag:s10] =	ssyncset.done @!p0 $0x0  }
0xa2: {  	s26 =	simm.s32 @!p0 $0x1;
	s2 =	simm.s32 @!p0 $0x80;
	[sflag:s10] =	ssyncadd.s32 @!p0 $0xFFFFFF80  }
0xa3: {  	[tilespmem:s25], [sflag:$0x2] =	stream.indirect.gather @!p0 [spmem:s4], $0x80, s3, s2, $0xb8;
	[tilespmem:$0x1FE00] =	vst v63  }
0xa4: {  	_ =	swait.ge @!p0 [sflag:s26], $0x4000  }
0xa5: {  	[sflag:s26] =	ssyncset.done @!p0 $0x0  }
0xa6: {  	s3 =	simm.s32 @!p0 $0x100;
	[sflag:s26] =	ssyncadd.s32 @!p0 $0xFFFFC000  }
0xa7: {  	[spmem:s5] =	stream.indirect.scatter.add.f32 @!p0 [tilespmem:s3], [sflag:$0x4], $0x80, s8, s2, $0xb8;
	[tilespmem:$0x1FE00] =	vst v63  }
0xa8: {  	_ =	swait.ge @!p0 [sflag:s10], $0x4000  }
0xa9: {  	[sflag:s10] =	ssyncset.done @!p0 $0x0  }
0xaa: {  	s3 =	simm.s32 @!p0 $0x2;
	[sflag:s10] =	ssyncadd.s32 @!p0 $0xFFFFC000  }
0xab: {  	_ =	swait.ge @!p0 [sflag:s3], $0x4000  }
0xac: {  	s8 =	simm.s32 @!p0 $0x3;
	[sflag:s3] =	ssyncset.done @!p0 $0x0  }
0xad: {  	s8 =	simm.s32 @p0 $0x4;
	[sflag:s3] =	ssyncadd.s32 @!p0 $0xFFFFC000  }
0xae: {  	[spmem:s5] =	stream.indirect.scatter.add.f32 @!p0 [tilespmem:s25], [sflag:$0x3], $0x80, s9, s2, $0xb8;
	[tilespmem:$0x1FE00] =	vst v63  }
0xaf: {  	_ =	swait.ge [sflag:s8], $0x4000  }
0xb0: {  	[sflag:s8] =	ssyncset.done $0x0  }
0xb1: {  	s24 =	sadd.s32 $0x1, s24;
	[sflag:s8] =	ssyncadd.s32 $0xFFFFC000  }
0xb2: {  	s31 =	sshrl.u32 s7, $0x3;
	p0 =	sne.s32 s24, s14;
	[bflag:$0x0] =	sbarrier.arrive $0xFFFF  }
0xb3: {  	[hbm:s13], [sflag:s20] =	dma.local [spmem:s31], $0x2780  }
.Ltmp4:
0xb4: {  	_ = 	snop;
	(pc) =	sbr.rel @p0 .LBB2_1-.Ltmp4, $4  }
.Ltmp5:
0xb5: {  	_ = 	snop;
	(pc) =	sbr.rel @!p0 .LBB2_8-.Ltmp5, $4  }
0xb6: {  	_ =	swait.ge [sflag:s19], $0x2780  }
0xb7: {  	[sflag:s19] =	ssyncset.done $0x0  }
0xb8: {  	[sflag:s19] =	ssyncadd.s32 $0xFFFFD880  }
0xb9: {  	_ = 	snop  }
.LBB2_4:
.Ltmp6:
0xba: {  	(pc) =	sbr.rel .LBB2_7-.Ltmp6, $2  }
0xbb: {  	_ =	sdelay $0x2  }
0xbc: {  	s26 =	smov.u32 s17;
	s25 =	smov.u32 s16  }
.LBB2_8:
0xbd: {  	_ =	sfence.sel $0x180000  }
0xbe: {  	[bflag:$0x0] =	sbarrier.arrive $0xFFFF  }
0xbf: {  	_ =	strace $0x9000004A  }
0xc0: {  	s0 =	stileid.u32;
	[bflag:$0x2] =	sbarrier.arrive $0xFFFF  }
0xc1: {  	p0 =	sne.s32 s0, $0x0;
	s0 =	rddreg [dreg:$0x6]  }
0xc2: {  	s0 =	sadd.s32 @!p0 $0x100000, s0  }
0xc3: {  	[sflag:s0] =	ssyncadd.tile.s32 @!p0 $0x1;
	_ =	shalt  }
.Lfunc_end2:
_tile_overlayer_lowered:
.L_overlay_start_2:
0xc4: {  	(tag) =	ssettag $0x2  }
0xc5: {  	s0 =	rddreg [dreg:$0x0];
	s2 =	stileid.u32  }
0xc6: {  	s1 =	rddreg [dreg:$0x1];
	p0 =	sne.s32 s2, $0x0  }
0xc7: {  	s3 =	rddreg [dreg:$0x2];
	[bflag:$0x3] =	sbarrier.arrive $0xFFFF;
	s2 =	simm.s32 @!p0 $0x1C03  }
0xc8: {  	[timem:s3], [sflag:s2] =	dma.local @!p0 [hbm:s0], s1  }
0xc9: {  	s0 =	simm.s32 @!p0 $0x3  }
0xca: {  	_ =	swait.ge @!p0 [sflag:s0], s1  }
0xcb: {  	s1 =	ssub.s32 @!p0 $0x0, s1;
	[sflag:s0] =	ssyncset.done @!p0 $0x0  }
0xcc: {  	[sflag:s0] =	ssyncadd.s32 @!p0 s1  }
0xcd: {  	[bflag:$0x3] =	sbarrier.arrive $0xFFFF  }
0xce: {  	_ =	shalt  }

// kernel: kernel.7.cloned.1.call-start
scs
__scs_entry_jumppad:
0x0: {  	(pc) =	sbr.rel $0x88, $3  }
0x1: {  	(tag) =	ssettag $0x0;
	lr =	simm.s32 $0x1  }
0x2: {  	[smem:$0x3F9B] =	sst lr;
	_ =	strace $0xD0000000  }
0x3: {  	_ = 	snop  }
0x4: {  	_ = 	snop  }
0x5: {  	_ = 	snop  }
0x6: {  	_ = 	snop  }
0x7: {  	_ = 	snop  }
__scs_overlays_trampoline_lowered:
0x8: {  	[smem:$0x3FAA] =	sst s0  }
0x9: {  	[smem:$0x3FAB] =	sst s1  }
0xa: {  	[smem:$0x3FAC] =	sst s2  }
0xb: {  	[smem:$0x3FAD] =	sst s3  }
0xc: {  	[smem:$0x3FAE] =	sst s4  }
0xd: {  	[smem:$0x3FAF] =	sst s5  }
0xe: {  	[smem:$0x3FB0] =	sst s6  }
0xf: {  	[smem:$0x3FB1] =	sst s7  }
0x10: {  	[smem:$0x3FB2] =	sst s8  }
0x11: {  	[smem:$0x3FB3] =	sst s9;
	s0 =	simm.s32 @!p0 $0x0  }
0x12: {  	s1 =	sld [smem:$0x3F99];
	s0 =	simm.s32 @p0 $0x1  }
0x13: {  	[smem:$0x3FB4] =	sst s0;
	s0 =	simm.s32 @!p1 $0x0  }
0x14: {  	s2 =	sld [smem:$0x3F98];
	s0 =	simm.s32 @p1 $0x1  }
0x15: {  	[smem:$0x3FB5] =	sst s0;
	s0 =	simm.s32 @!p2 $0x0  }
0x16: {  	s3 =	sld [smem:$0x3FDB];
	s0 =	simm.s32 @p2 $0x1  }
0x17: {  	s4 =	simm.s32 $0x1BF5;
	[smem:$0x3FB7] =	sst s0  }
0x18: {  	s0 =	sld [smem:$0x3F9A];
	_ =	swait.ge [sflag:s4], $0x0  }
0x19: {  	s7 =	sld [smem:$0x3F9B]  }
0x1a: {  	s8 =	sadd.s32 $0xFFFFE003, lr  }
0x1b: {  	s9 =	sadd.s32 $0xFFFFFEF7, lr;
	s5 =	simm.s32 $0xFFFFFFFF;
	p2 =	slt.u32 s8, $0xFFFFF086  }
0x1c: {  	p1 =	slt.u32 s9, $0xF7A;
	s5 =	simm.s32 @!p2 $0x0  }
0x1d: {  	s5 =	simm.s32 @p1 $0x1;
	p0 =	seq.s32 s7, s2  }
0x1e: {  	s7 =	smul.u32 @!p0 $0xF7A, s2;
	p2 =	seq.s32 @!p0 s5, $0x0  }
0x1f: {  	s9 =	smul.u32 $0xF7A, s1;
	s8 =	simm.s32 @!p0 $0x1BF5;
	p2 =	por !p2, p0  }
0x20: {  	[sflag:s8] =	ssyncset.s32 @!p0 $0xFFFFF086;
	s6 =	sadd.s32 @!p0 s3, s7;
	s7 =	simm.s32 @!p0 $0x108  }
0x21: {  	s3 =	sadd.s32 s3, s9;
	s6 =	sadd.s32 @!p0 $0x88, s6;
	s7 =	simm.s32 @p2 $0x1082  }
0x22: {  	[simem:s7], [sflag:s8] =	dma.local @!p0 [hbm:s6], $0xF7A  }
0x23: {  	s9 =	sor.u32 $0xD0000000, s2;
	s6 =	simm.s32 $0x108;
	_ =	swait.ge @!p0 [sflag:s8], $0x0  }
0x24: {  	s3 =	sadd.s32 $0x88, s3;
	s6 =	simm.s32 @!p1 $0x1082;
	[sflag:s4] =	ssyncset.s32 $0xFFFFF086  }
0x25: {  	[simem:s6], [sflag:s4] =	dma.local [hbm:s3], $0xF7A  }
0x26: {  	[smem:$0x3F9B] =	sst s1;
	(tag) =	ssettag s2;
	_ =	strace s9  }
0x27: {  	s1 =	sld [smem:$0x3FAB]  }
0x28: {  	s2 =	sld [smem:$0x3FAC]  }
0x29: {  	s4 =	sld [smem:$0x3FAE]  }
0x2a: {  	p0 =	seq.s32 s5, $0x0;
	s5 =	sld [smem:$0x3FAF]  }
0x2b: {  	s6 =	sld [smem:$0x3FB0]  }
0x2c: {  	s7 =	sld [smem:$0x3FB1]  }
0x2d: {  	s3 =	simm.s32 $0x108;
	s8 =	sld [smem:$0x3FB2]  }
0x2e: {  	s3 =	simm.s32 @!p0 $0x1082;
	s9 =	sld [smem:$0x3FB3]  }
0x2f: {  	lr =	sadd.s32 s0, s3;
	s0 =	sld [smem:$0x3FAA]  }
0x30: {  	s3 =	sld [smem:$0x3FAD]  }
0x31: {  	[smem:$0x3FB6] =	sst s10  }
0x32: {  	s10 =	sld [smem:$0x3FB4];
	_ =	sdelay $0x3  }
0x33: {  	p0 =	seq.s32 s10, $0x1;
	s10 =	sld [smem:$0x3FB6];
	_ =	sdelay $0x3  }
0x34: {  	[smem:$0x3FB6] =	sst s10  }
0x35: {  	s10 =	sld [smem:$0x3FB5];
	_ =	sdelay $0x3  }
0x36: {  	p1 =	seq.s32 s10, $0x1;
	s10 =	sld [smem:$0x3FB6];
	_ =	sdelay $0x3  }
0x37: {  	[smem:$0x3FB6] =	sst s10  }
0x38: {  	s10 =	sld [smem:$0x3FB7]  }
0x39: {  	_ = 	snop;
	(pc) =	sbr.ind lr, $3  }
0x3a: {  	_ = 	snop  }
0x3b: {  	_ = 	snop  }
0x3c: {  	p2 =	seq.s32 s10, $0x1;
	s10 =	sld [smem:$0x3FB6]  }
0x3d: {  	_ =	shalt  }
0x3e: {  	_ =	shalt  }
0x3f: {  	_ =	shalt  }
0x40: {  	_ =	shalt  }
0x41: {  	_ =	shalt  }
0x42: {  	_ =	shalt  }
0x43: {  	_ =	shalt  }
0x44: {  	_ =	shalt  }
0x45: {  	_ =	shalt  }
0x46: {  	_ =	shalt  }
0x47: {  	_ =	shalt  }
0x48: {  	_ =	shalt  }
0x49: {  	_ =	shalt  }
0x4a: {  	_ =	shalt  }
0x4b: {  	_ =	shalt  }
0x4c: {  	_ =	shalt  }
0x4d: {  	_ =	shalt  }
0x4e: {  	_ =	shalt  }
0x4f: {  	_ =	shalt  }
0x50: {  	_ =	shalt  }
0x51: {  	_ =	shalt  }
0x52: {  	_ =	shalt  }
0x53: {  	_ =	shalt  }
0x54: {  	_ =	shalt  }
0x55: {  	_ =	shalt  }
0x56: {  	_ =	shalt  }
0x57: {  	_ =	shalt  }
0x58: {  	_ =	shalt  }
0x59: {  	_ =	shalt  }
0x5a: {  	_ =	shalt  }
0x5b: {  	_ =	shalt  }
0x5c: {  	_ =	shalt  }
0x5d: {  	_ =	shalt  }
0x5e: {  	_ =	shalt  }
0x5f: {  	_ =	shalt  }
0x60: {  	_ =	shalt  }
0x61: {  	_ =	shalt  }
0x62: {  	_ =	shalt  }
0x63: {  	_ =	shalt  }
0x64: {  	_ =	shalt  }
0x65: {  	_ =	shalt  }
0x66: {  	_ =	shalt  }
0x67: {  	_ =	shalt  }
0x68: {  	_ =	shalt  }
0x69: {  	_ =	shalt  }
0x6a: {  	_ =	shalt  }
0x6b: {  	_ =	shalt  }
0x6c: {  	_ =	shalt  }
0x6d: {  	_ =	shalt  }
0x6e: {  	_ =	shalt  }
0x6f: {  	_ =	shalt  }
0x70: {  	_ =	shalt  }
0x71: {  	_ =	shalt  }
0x72: {  	_ =	shalt  }
0x73: {  	_ =	shalt  }
0x74: {  	_ =	shalt  }
0x75: {  	_ =	shalt  }
0x76: {  	_ =	shalt  }
0x77: {  	_ =	shalt  }
0x78: {  	_ =	shalt  }
0x79: {  	_ =	shalt  }
0x7a: {  	_ =	shalt  }
0x7b: {  	_ =	shalt  }
0x7c: {  	_ =	shalt  }
0x7d: {  	_ =	shalt  }
0x7e: {  	_ =	shalt  }
0x7f: {  	_ =	shalt  }
0x80: {  	_ =	shalt  }
0x81: {  	_ =	shalt  }
0x82: {  	_ =	shalt  }
0x83: {  	_ =	shalt  }
0x84: {  	_ =	shalt  }
0x85: {  	_ =	shalt  }
0x86: {  	_ =	shalt  }
0x87: {  	_ =	shalt  }
.Lfunc_end0:
.L_simem_size_0:
called_computation_lowered:
.L_overlay_start_0:
0x88: {  	s2 =	sld [smem:$0x3FD9]  }
0x89: {  	s3 =	sld [smem:$0x3FFE];
	_ =	sdelay $0x1  }
0x8a: {  	s1 =	srdreg.scid  }
0x8b: {  	s0 =	sand.u32 $0x1, s1  }
0x8c: {  	s17 =	sshll.u32 s0, $0xA;
	s2 =	sadd.s32 s3, s2  }
0x8d: {  	s2 =	sadd.s32 s2, s17  }
0x8e: {  	[smem:$0x3FC2] =	sst s2  }
0x8f: {  	_ = 	snop  }
0x90: {  	s2 =	sld [smem:$0x3FC9]  }
0x91: {  	s18 =	sld [smem:$0x3FC8]  }
0x92: {  	s4 =	sld [smem:$0x3FC7]  }
0x93: {  	s5 =	sld [smem:$0x3FD0];
	(tm) =	ssettm $0x1  }
0x94: {  	s6 =	sld [smem:$0x3FFB];
	_ =	sdelay $0x3  }
0x95: {  	_ =	strace s6  }
0x96: {  	s6 =	sld [smem:$0x3FFC];
	_ =	sdelay $0x3  }
0x97: {  	_ =	strace s6  }
0x98: {  	s6 =	sld [smem:$0x3FFD];
	_ =	sdelay $0x3  }
0x99: {  	_ =	strace s6  }
0x9a: {  	_ =	strace $0x8FFFFFFF  }
0x9b: {  	s19 =	sld [smem:$0x3FDB];
	_ =	sdelay $0x1  }
0x9c: {  	s7 =	simm.s32 $_scs_section_size  }
0x9d: {  	s8 =	simm.s32 $_size__tile_overlayer_lowered;
	s9 =	simm.s32 $_tile_overlayer_lowered  }
0x9e: {  	s22 =	simm.s32 $0x1BFF;
	s21 =	sshll.u32 s9, $0x1;
	s6 =	sadd.s32 s7, s19  }
0x9f: {  	s10 =	simm.s32 $0x0;
	s20 =	sshll.u32 s8, $0x1;
	s8 =	sadd.s32 s21, s6  }
0xa0: {  	[timem:s10], [sflag:s22] =	dma.local [hbm:s8], s20  }
0xa1: {  	_ =	swait.ge [sflag:s22], s20  }
0xa2: {  	s7 =	ssub.s32 $0x0, s20;
	[sflag:s22] =	ssyncset.done $0x0  }
0xa3: {  	[sflag:s22] =	ssyncadd.s32 s7;
	_ =	sdelay $0x1  }
0xa4: {  	s23 =	simm.s32 $0x1B8B  }
0xa5: {  	_ =	swait.ge [sflag:s23], $0x1  }
0xa6: {  	[sflag:s23] =	ssyncset.done $0x0  }
0xa7: {  	s25 =	simm.s32 $0x1B8E;
	s24 =	sld [smem:$0x3FFE];
	[sflag:s23] =	ssyncadd.s32 $0xFFFFFFFF  }
0xa8: {  	s26 =	simm.s32 $execute0_lowered;
	[smem:$0x3FD2] =	sst s25  }
0xa9: {  	s8 =	sshll.u32 s26, $0x1;
	_ =	strace $0x80000046;
	[dreg:$0x1] =	wrdreg $0xFFFFFFFF  }
0xaa: {  	s28 =	simm.s32 $_size_execute0_lowered;
	s6 =	sadd.s32 s6, s8;
	[dreg:$0x0] =	wrdreg $0x0  }
0xab: {  	s8 =	sshll.u32 s28, $0x1;
	[dreg:$0x2] =	wrdreg s6  }
0xac: {  	[dreg:$0x3] =	wrdreg s8  }
0xad: {  	[dreg:$0x4] =	wrdreg $0xC0  }
0xae: {  	_ =	task [dreg:s10], $0x5FFFF  }
0xaf: {  	[dreg:$0x1] =	wrdreg $0xFFFFFFFF  }
0xb0: {  	[dreg:$0x0] =	wrdreg $0x60  }
0xb1: {  	[dreg:$0x2] =	wrdreg s2  }
0xb2: {  	[dreg:$0x3] =	wrdreg s18  }
0xb3: {  	[dreg:$0x4] =	wrdreg s4  }
0xb4: {  	[dreg:$0x5] =	wrdreg s5  }
0xb5: {  	[dreg:$0x6] =	wrdreg s24  }
0xb6: {  	[dreg:$0x7] =	wrdreg $0x10A800  }
0xb7: {  	[dreg:$0x8] =	wrdreg $0x14A800  }
0xb8: {  	[dreg:$0x9] =	wrdreg $0x9  }
0xb9: {  	_ =	task.clear_ibuf [dreg:s10], $0xAFFFF;
	_ =	strace $0x90000046  }
0xba: {  	s29 =	simm.s32 $0x9;
	_ =	strace $0x80000048  }
0xbb: {  	_ =	swait.ge [sflag:s29], $0x1  }
0xbc: {  	[sflag:s29] =	ssyncadd.s32 $0xFFFFFFFF  }
0xbd: {  	_ =	strace $0x90000048  }
0xbe: {  	_ =	sfence  }
0xbf: {  	s30 =	sld [smem:$0x0];
	_ =	sdelay $0x2  }
0xc0: {  	s31 =	sshll.u32 s1, $0xD;
	s1 =	sshrl.u32 s1, $0x2  }
0xc1: {  	s3 =	sand.u32 $0x4000, s31;
	s1 =	sadd.s32 s1, s30  }
0xc2: {  	s0 =	sor.u32 s3, s0;
	s1 =	sshll.u32 s1, $0x11  }
0xc3: {  	s0 =	sor.u32 s1, s0  }
0xc4: {  	s0 =	sadd.s32 $0x8F2B, s0  }
0xc5: {  	[sflag:s0] =	ssyncadd.remote.s32 $0x1  }
0xc6: {  	_ =	sfence.sel $0xFFFF  }
0xc7: {  	[dreg:$0x0] =	wrdreg $0xFFFFFFFF;
	(pc) =	sbr.abs _section_cstart, $3  }
0xc8: {  	[dreg:$0x1] =	wrdreg $0xFFFFFFFF  }
0xc9: {  	_ =	task.clear_ibuf [dreg:s10], $0x2FFFF;
	_ =	strace $0x9FFFFFFF  }
0xca: {  	(tm) =	ssettm $0x7FFFFFFF  }
0xcb: {  	_ =	shalt  }
tec
execute0_lowered:
.L_overlay_start_1:
0x0: {  	(tag) =	ssettag $0x1  }
0x1: {  	s0 =	rddreg [dreg:$0x0]  }
0x2: {  	s1 =	rddreg [dreg:$0x1]  }
0x3: {  	s2 =	rddreg [dreg:$0x2]  }
0x4: {  	s4 =	rddreg [dreg:$0x3];
	v0 =	vimm.s32 $0x4380;
	vm0 =	vcmask $0x300  }
0x5: {  	s8 =	rddreg [dreg:$0x4];
	vm14 =	vcmask $0x704;
	v0 =	vsel vm0, $0x0, v0  }
0x6: {  	s3 =	rddreg [dreg:$0x5];
	vm15 =	vcmask $0xB08;
	v0 =	vsel vm14, $0x80, v0  }
0x7: {  	s5 =	rddreg [dreg:$0x6];
	vm4 =	vcmask $0xF0C;
	v0 =	vsel vm15, $0x100, v0  }
0x8: {  	s6 =	simm.s32 $0x0;
	s7 =	srdreg.scid;
	vm5 =	vcmask $0x1310;
	s15 =	simm.s32 $0x100;
	v0 =	vsel vm4, $0x180, v0  }
0x9: {  	vm6 =	vcmask $0x1714;
	s16 =	simm.s32 $0x3;
	s17 =	simm.s32 $0x80;
	s18 =	simm.s32 $0x1;
	v0 =	vsel vm5, $0x200, v0  }
0xa: {  	vm7 =	vcmask $0x1B18;
	s19 =	simm.s32 $0x8200;
	s20 =	simm.s32 $0x2;
	s21 =	simm.s32 $0x4180;
	v0 =	vsel vm6, $0x280, v0  }
0xb: {  	vm8 =	vcmask $0x1F1C;
	s22 =	simm.s32 $0x4200;
	[smem:$0x7FF] =	sst s6;
	s9 =	sand.u32 $0x1, s7;
	v0 =	vsel vm7, $0x300, v0  }
0xc: {  	vm9 =	vcmask $0x2320;
	s7 =	stileid.u32;
	_ =	strace $0x80000047;
	s10 =	ssub.s32 $0x2, s9;
	v0 =	vsel vm8, $0x380, v0  }
0xd: {  	vm10 =	vcmask $0x2724;
	s13 =	sshll.u32 s9, $0x8;
	s26 =	sshll.u32 s7, $0xE;
	s28 =	sshll.u32 s9, $0x4;
	v0 =	vsel vm9, $0x4000, v0  }
0xe: {  	vm11 =	vcmask $0x2B28;
	s14 =	sshll.u32 s7, $0xB;
	s9 =	sshll.u32 s9, $0xF;
	s31 =	sshll.u32 s7, $0x4;
	v0 =	vsel vm10, $0x4080, v0  }
0xf: {  	vm12 =	vcmask $0x2F2C;
	p0 =	sne.s32 s7, $0x0;
	s11 =	sshrl.u32 s10, $0x1;
	s12 =	sadd.s32 s13, s8;
	v0 =	vsel vm11, $0x4100, v0  }
0x10: {  	vm13 =	vcmask $0x3330;
	s8 =	sadd.s32 s26, s3;
	s4 =	sadd.s32 s4, s14;
	s29 =	sor.u32 s28, s7;
	v0 =	vsel vm12, $0x4180, v0  }
0x11: {  	vm14 =	vcmask $0x3734;
	s13 =	sor.u32 s31, s13;
	s26 =	simm.s32 $0x0;
	s11 =	ssub.s32 s10, s11;
	v1 =	vsel vm13, $0x4200, v0  }
0x12: {  	v3 =	vimm.f32 $1.000000000e+00;
	vm15 =	vcmask $0x3B38;
	s9 =	sadd.s32 s9, s4;
	s10 =	sadd.s32 $0x1E00, s12;
	s30 =	ssub.s32 $0xA03, s29;
	v2 =	vsel vm14, $0x4280, v1  }
0x13: {  	s14 =	sor.u32 $0x20, s29;
	s11 =	smax.u32 s11, $0x1;
	s12 =	sshrl.u32 s30, $0x6;
	v0 =	vimm.f32 $0.0e+00;
	v1 =	vlaneseq.u32;
	v2 =	vsel vm15, $0x4300, v2  }
.LBB2_1:
0x14: {  	s4 =	simm.s32 $0x0;
	s28 =	simm.s32 $0x200  }
.LBB2_2:
0x15: {  	p1 =	sne.s32 s28, $0xFE00;
	[tilespmem:s4+$0x170] =	vst v0  }
0x16: {  	[tilespmem:s4+$0x100] =	vst v0  }
0x17: {  	[tilespmem:s4+$0x110] =	vst v0  }
.Ltmp0:
0x18: {  	[tilespmem:s4+$0x120] =	vst v0;
	(pc) =	sbr.rel @p1 .LBB2_2-.Ltmp0, $4  }
0x19: {  	[tilespmem:s4+$0x130] =	vst v0  }
0x1a: {  	[tilespmem:s4+$0x140] =	vst v0  }
0x1b: {  	[tilespmem:s4+$0x150] =	vst v0  }
0x1c: {  	[tilespmem:s4+$0x160] =	vst v0;
	s4 =	sshra.s32 s28, $0x2;
	s28 =	sadd.s32 $0x200, s28  }
0x1d: {  	[tilespmem:s4+$0x170] =	vst v0  }
0x1e: {  	[tilespmem:s4+$0x100] =	vst v0  }
0x1f: {  	[tilespmem:s4+$0x110] =	vst v0  }
0x20: {  	[tilespmem:s4+$0x120] =	vst v0  }
0x21: {  	[tilespmem:s4+$0x130] =	vst v0  }
0x22: {  	[tilespmem:s4+$0x140] =	vst v0  }
0x23: {  	[tilespmem:s4+$0x150] =	vst v0;
	s28 =	simm.s32 $0x0  }
0x24: {  	[tilespmem:s4+$0x160] =	vst v0;
	s29 =	simm.s32 $0xFFFF8000;
	s30 =	simm.s32 $0x0;
	s31 =	simm.s32 $0x0  }
.LBB2_4:
0x25: {  	s4 =	sadd.s32 $0x8000, s29  }
0x26: {  	s23 =	sand.u32 $0x380, s31;
	s4 =	sand.u32 $0x4000, s4  }
0x27: {  	s4 =	sor.u32 s23, s4  }
0x28: {  	[tilespmem:s4+$0x8200] =	vst v0  }
0x29: {  	[tilespmem:s4+$0x8210] =	vst v0  }
0x2a: {  	[tilespmem:s4+$0x8220] =	vst v0  }
0x2b: {  	[tilespmem:s4+$0x8230] =	vst v0  }
0x2c: {  	[tilespmem:s4+$0x8240] =	vst v0  }
0x2d: {  	[tilespmem:s4+$0x8250] =	vst v0  }
0x2e: {  	[tilespmem:s4+$0x8260] =	vst v0  }
0x2f: {  	[tilespmem:s4+$0x8270] =	vst v0  }
0x30: {  	[tilespmem:s4+$0x8600] =	vst v0  }
0x31: {  	[tilespmem:s4+$0x8610] =	vst v0  }
0x32: {  	[tilespmem:s4+$0x8620] =	vst v0  }
0x33: {  	[tilespmem:s4+$0x8630] =	vst v0  }
0x34: {  	[tilespmem:s4+$0x8640] =	vst v0  }
0x35: {  	[tilespmem:s4+$0x8650] =	vst v0  }
0x36: {  	[tilespmem:s4+$0x8660] =	vst v0  }
0x37: {  	[tilespmem:s4+$0x8670] =	vst v0  }
0x38: {  	[tilespmem:s4+$0x8A00] =	vst v0  }
0x39: {  	[tilespmem:s4+$0x8A10] =	vst v0  }
0x3a: {  	[tilespmem:s4+$0x8A20] =	vst v0  }
0x3b: {  	[tilespmem:s4+$0x8A30] =	vst v0  }
0x3c: {  	[tilespmem:s4+$0x8A40] =	vst v0  }
0x3d: {  	[tilespmem:s4+$0x8A50] =	vst v0  }
0x3e: {  	[tilespmem:s4+$0x8A60] =	vst v0  }
0x3f: {  	[tilespmem:s4+$0x8A70] =	vst v0  }
0x40: {  	[tilespmem:s4+$0x8E00] =	vst v0  }
0x41: {  	[tilespmem:s4+$0x8E10] =	vst v0  }
0x42: {  	[tilespmem:s4+$0x8E20] =	vst v0  }
0x43: {  	[tilespmem:s4+$0x8E30] =	vst v0  }
0x44: {  	[tilespmem:s4+$0x8E40] =	vst v0  }
0x45: {  	[tilespmem:s4+$0x8E50] =	vst v0  }
0x46: {  	[tilespmem:s4+$0x8E60] =	vst v0  }
0x47: {  	[tilespmem:s4+$0x8E70] =	vst v0  }
0x48: {  	[tilespmem:s4+$0x9200] =	vst v0  }
0x49: {  	[tilespmem:s4+$0x9210] =	vst v0  }
0x4a: {  	[tilespmem:s4+$0x9220] =	vst v0  }
0x4b: {  	[tilespmem:s4+$0x9230] =	vst v0  }
0x4c: {  	[tilespmem:s4+$0x9240] =	vst v0  }
0x4d: {  	[tilespmem:s4+$0x9250] =	vst v0  }
0x4e: {  	[tilespmem:s4+$0x9260] =	vst v0  }
0x4f: {  	[tilespmem:s4+$0x9270] =	vst v0  }
0x50: {  	[tilespmem:s4+$0x9600] =	vst v0  }
0x51: {  	[tilespmem:s4+$0x9610] =	vst v0  }
0x52: {  	[tilespmem:s4+$0x9620] =	vst v0  }
0x53: {  	[tilespmem:s4+$0x9630] =	vst v0  }
0x54: {  	[tilespmem:s4+$0x9640] =	vst v0  }
0x55: {  	[tilespmem:s4+$0x9650] =	vst v0  }
0x56: {  	[tilespmem:s4+$0x9660] =	vst v0  }
0x57: {  	[tilespmem:s4+$0x9670] =	vst v0  }
0x58: {  	[tilespmem:s4+$0x9A00] =	vst v0  }
0x59: {  	[tilespmem:s4+$0x9A10] =	vst v0  }
0x5a: {  	[tilespmem:s4+$0x9A20] =	vst v0  }
0x5b: {  	[tilespmem:s4+$0x9A30] =	vst v0  }
0x5c: {  	[tilespmem:s4+$0x9A40] =	vst v0  }
0x5d: {  	[tilespmem:s4+$0x9A50] =	vst v0  }
0x5e: {  	[tilespmem:s4+$0x9A60] =	vst v0  }
0x5f: {  	[tilespmem:s4+$0x9A70] =	vst v0  }
0x60: {  	[tilespmem:s4+$0x9E00] =	vst v0  }
0x61: {  	[tilespmem:s4+$0x9E10] =	vst v0  }
0x62: {  	[tilespmem:s4+$0x9E20] =	vst v0  }
0x63: {  	[tilespmem:s4+$0x9E30] =	vst v0  }
0x64: {  	[tilespmem:s4+$0x9E40] =	vst v0  }
0x65: {  	[tilespmem:s4+$0x9E50] =	vst v0  }
0x66: {  	[tilespmem:s4+$0x9E60] =	vst v0  }
0x67: {  	[tilespmem:s4+$0x9E70] =	vst v0  }
0x68: {  	[tilespmem:s4+$0xA200] =	vst v0  }
0x69: {  	[tilespmem:s4+$0xA210] =	vst v0  }
0x6a: {  	[tilespmem:s4+$0xA220] =	vst v0  }
0x6b: {  	[tilespmem:s4+$0xA230] =	vst v0  }
0x6c: {  	[tilespmem:s4+$0xA240] =	vst v0  }
0x6d: {  	[tilespmem:s4+$0xA250] =	vst v0  }
0x6e: {  	[tilespmem:s4+$0xA260] =	vst v0  }
0x6f: {  	[tilespmem:s4+$0xA270] =	vst v0  }
0x70: {  	[tilespmem:s4+$0xA600] =	vst v0  }
0x71: {  	[tilespmem:s4+$0xA610] =	vst v0  }
0x72: {  	[tilespmem:s4+$0xA620] =	vst v0  }
0x73: {  	[tilespmem:s4+$0xA630] =	vst v0  }
0x74: {  	[tilespmem:s4+$0xA640] =	vst v0  }
0x75: {  	[tilespmem:s4+$0xA650] =	vst v0  }
0x76: {  	[tilespmem:s4+$0xA660] =	vst v0  }
0x77: {  	[tilespmem:s4+$0xA670] =	vst v0  }
0x78: {  	[tilespmem:s4+$0xAA00] =	vst v0  }
0x79: {  	[tilespmem:s4+$0xAA10] =	vst v0  }
0x7a: {  	[tilespmem:s4+$0xAA20] =	vst v0  }
0x7b: {  	[tilespmem:s4+$0xAA30] =	vst v0  }
0x7c: {  	[tilespmem:s4+$0xAA40] =	vst v0  }
0x7d: {  	[tilespmem:s4+$0xAA50] =	vst v0  }
0x7e: {  	[tilespmem:s4+$0xAA60] =	vst v0  }
0x7f: {  	[tilespmem:s4+$0xAA70] =	vst v0  }
0x80: {  	[tilespmem:s4+$0xAE00] =	vst v0  }
0x81: {  	[tilespmem:s4+$0xAE10] =	vst v0  }
0x82: {  	[tilespmem:s4+$0xAE20] =	vst v0  }
0x83: {  	[tilespmem:s4+$0xAE30] =	vst v0  }
0x84: {  	[tilespmem:s4+$0xAE40] =	vst v0  }
0x85: {  	[tilespmem:s4+$0xAE50] =	vst v0  }
0x86: {  	[tilespmem:s4+$0xAE60] =	vst v0  }
0x87: {  	[tilespmem:s4+$0xAE70] =	vst v0  }
0x88: {  	[tilespmem:s4+$0xB200] =	vst v0  }
0x89: {  	[tilespmem:s4+$0xB210] =	vst v0  }
0x8a: {  	[tilespmem:s4+$0xB220] =	vst v0  }
0x8b: {  	[tilespmem:s4+$0xB230] =	vst v0  }
0x8c: {  	[tilespmem:s4+$0xB240] =	vst v0  }
0x8d: {  	[tilespmem:s4+$0xB250] =	vst v0  }
0x8e: {  	[tilespmem:s4+$0xB260] =	vst v0  }
0x8f: {  	[tilespmem:s4+$0xB270] =	vst v0  }
0x90: {  	[tilespmem:s4+$0xB600] =	vst v0  }
0x91: {  	[tilespmem:s4+$0xB610] =	vst v0  }
0x92: {  	[tilespmem:s4+$0xB620] =	vst v0  }
0x93: {  	[tilespmem:s4+$0xB630] =	vst v0  }
0x94: {  	s25 =	sand.u32 $0x7, s28;
	[tilespmem:s4+$0xB640] =	vst v0  }
0x95: {  	s23 =	sshll.u32 s25, $0x7;
	[tilespmem:s4+$0xB650] =	vst v0  }
0x96: {  	s23 =	sadd.s32 s23, s30;
	[tilespmem:s4+$0xB660] =	vst v0  }
0x97: {  	[tilespmem:s4+$0xB670] =	vst v0;
	s24 =	sor.u32 $0x3800, s23  }
0x98: {  	s25 =	sor.u32 $0x3810, s23;
	[tilespmem:s24+$0x8200] =	vst v0  }
0x99: {  	s24 =	sor.u32 $0x3820, s23;
	[tilespmem:s25+$0x8200] =	vst v0  }
0x9a: {  	s25 =	sor.u32 $0x3830, s23;
	[tilespmem:s24+$0x8200] =	vst v0  }
0x9b: {  	s24 =	sor.u32 $0x3840, s23;
	[tilespmem:s25+$0x8200] =	vst v0  }
0x9c: {  	s25 =	sor.u32 $0x3850, s23;
	[tilespmem:s24+$0x8200] =	vst v0  }
0x9d: {  	s24 =	sor.u32 $0x3860, s23;
	[tilespmem:s25+$0x8200] =	vst v0  }
0x9e: {  	s25 =	sor.u32 $0x3870, s23;
	[tilespmem:s24+$0x8200] =	vst v0  }
0x9f: {  	s24 =	sor.u32 $0x3C00, s23;
	[tilespmem:s25+$0x8200] =	vst v0  }
0xa0: {  	s25 =	sor.u32 $0x3C10, s23;
	[tilespmem:s24+$0x8200] =	vst v0  }
0xa1: {  	s24 =	sor.u32 $0x3C20, s23;
	[tilespmem:s25+$0x8200] =	vst v0  }
0xa2: {  	p1 =	sne.s32 s31, $0x780;
	s25 =	sor.u32 $0x3C30, s23;
	[tilespmem:s24+$0x8200] =	vst v0  }
.Ltmp1:
0xa3: {  	s24 =	sor.u32 $0x3C40, s23;
	[tilespmem:s25+$0x8200] =	vst v0;
	(pc) =	sbr.rel @p1 .LBB2_4-.Ltmp1, $4  }
0xa4: {  	s25 =	sor.u32 $0x3C50, s23;
	[tilespmem:s24+$0x8200] =	vst v0  }
0xa5: {  	s24 =	sor.u32 $0x3C60, s23;
	[tilespmem:s25+$0x8200] =	vst v0  }
0xa6: {  	s28 =	sadd.s32 $0x1, s28;
	s25 =	sor.u32 $0x3C70, s23;
	[tilespmem:s24+$0x8200] =	vst v0  }
0xa7: {  	s29 =	sadd.s32 $0x800, s29;
	s31 =	sadd.s32 $0x80, s31;
	s30 =	sadd.s32 $0x800, s30;
	[tilespmem:s25+$0x8200] =	vst v0  }
0xa8: {  	[tilespmem:$0x10A00] =	vst v1  }
0xa9: {  	[spmem:s8] =	stream.linear.scatter [tilespmem:s15], [sflag:$0x3], $0x4000, $0x38;
	[tilespmem:$0x14B00] =	vst v63  }
0xaa: {  	_ =	swait.ge [sflag:s16], $0x4000  }
0xab: {  	[sflag:s16] =	ssyncset.done $0x0  }
0xac: {  	s4 =	simm.s32 @!p0 $0x100;
	[sflag:s16] =	ssyncadd.s32 $0xFFFFC000  }
0xad: {  	[spmem:s5] =	stream.linear.scatter @!p0 [tilespmem:s4], [sflag:$0x3], $0x800, $0x38;
	[tilespmem:$0x14B00] =	vst v63  }
0xae: {  	s4 =	simm.s32 @!p0 $0x3  }
.Ltmp2:
0xaf: {  	_ =	swait.ge @!p0 [sflag:s4], $0x800;
	(pc) =	sbr.rel .LBB2_6-.Ltmp2, $4  }
0xb0: {  	[sflag:s4] =	ssyncset.done @!p0 $0x0  }
0xb1: {  	[sflag:s4] =	ssyncadd.s32 @!p0 $0xFFFFF800  }
0xb2: {  	[bflag:$0x0] =	sbarrier.arrive $0xFFFF  }
0xb3: {  	s28 =	smov.u32 s14;
	s29 =	smov.u32 s13;
	s30 =	smov.u32 s12  }
.LBB2_8:
0xb4: {  	s30 =	sadd.s32 $0xFFFFFFFF, s30  }
0xb5: {  	p1 =	sne.s32 s30, $0x0  }
.Ltmp3:
0xb6: {  	_ = 	snop;
	(pc) =	sbr.rel @!p1 .LBB2_9-.Ltmp3, $2  }
0xb7: {  	_ =	sdelay $0x2  }
0xb8: {  	s29 =	sadd.s32 $0x400, s29;
	s28 =	sadd.s32 $0x40, s28  }
.LBB2_6:
0xb9: {  	s4 =	sand.u32 $0x1FFFFDF0, s29  }
0xba: {  	s23 =	sadd.s32 s1, s4  }
0xbb: {  	[tilespmem:s6], [sflag:$0x3] =	stream.linear.gather [hbm4b:s23+s6], $0x80, $0x38;
	[tilespmem:$0x14B00] =	vst v63  }
0xbc: {  	_ =	swait.ge [sflag:s16], $0x80  }
0xbd: {  	[sflag:s16] =	ssyncset.done $0x0  }
0xbe: {  	s4 =	sadd.s32 s2, s4;
	[sflag:s16] =	ssyncadd.s32 $0xFFFFFF80  }
0xbf: {  	[tilespmem:s17], [sflag:$0x3] =	stream.linear.gather [hbm4b:s4+s6], $0x80, $0x38;
	[tilespmem:$0x14B00] =	vst v63  }
0xc0: {  	p1 =	sgt.s32 s28, $0x9C3;
	_ =	swait.ge [sflag:s16], $0x80  }
0xc1: {  	s4 =	sadd.s32 @!p1 $0x200, s29;
	[sflag:s16] =	ssyncset.done $0x0  }
0xc2: {  	s4 =	sand.u32 @!p1 $0x1FFFFFF0, s4;
	[sflag:s16] =	ssyncadd.s32 $0xFFFFFF80  }
0xc3: {  	[tilespmem:s15], [sflag:$0x1] =	stream.indirect.gather [hbm4b:s0+s17], $0x80, s6, s17, $0xb8;
	[tilespmem:$0x14B00] =	vst v63  }
0xc4: {  	s31 =	simm.s32 @!p1 $0x0;
	s24 =	simm.s32 @!p1 $0x4100;
	s23 =	sadd.s32 @!p1 s1, s4  }
0xc5: {  	[tilespmem:s24], [sflag:$0x3] =	stream.linear.gather @!p1 [hbm4b:s23+s31], $0x80, $0x38;
	[tilespmem:$0x14B00] =	vst v63  }
0xc6: {  	s23 =	simm.s32 @!p1 $0x3  }
0xc7: {  	_ =	swait.ge @!p1 [sflag:s23], $0x80  }
0xc8: {  	[sflag:s23] =	ssyncset.done @!p1 $0x0  }
0xc9: {  	s25 =	simm.s32 @!p1 $0x4180;
	s4 =	sadd.s32 @!p1 s2, s4;
	[sflag:s23] =	ssyncadd.s32 @!p1 $0xFFFFFF80  }
0xca: {  	[tilespmem:s25], [sflag:$0x3] =	stream.linear.gather @!p1 [hbm4b:s4+s31], $0x80, $0x38;
	[tilespmem:$0x14B00] =	vst v63  }
0xcb: {  	_ =	swait.ge @!p1 [sflag:s23], $0x80  }
0xcc: {  	[sflag:s23] =	ssyncset.done @!p1 $0x0  }
0xcd: {  	s4 =	simm.s32 @!p1 $0x80;
	[sflag:s23] =	ssyncadd.s32 @!p1 $0xFFFFFF80;
	s23 =	simm.s32 @!p1 $0x4200  }
0xce: {  	[tilespmem:s23], [sflag:$0x2] =	stream.indirect.gather @!p1 [hbm4b:s0+s4], $0x80, s24, s4, $0xb8;
	[tilespmem:$0x14B00] =	vst v63  }
0xcf: {  	_ =	swait.ge [sflag:s18], $0x4000  }
0xd0: {  	[sflag:s18] =	ssyncset.done $0x0  }
0xd1: {  	[sflag:s18] =	ssyncadd.s32 $0xFFFFC000  }
0xd2: {  	[spmem:s3] =	stream.indirect.scatter.add.f32 [tilespmem:s15], [sflag:$0x3], $0x80, s17, s17, $0xb8;
	[tilespmem:$0x14B00] =	vst v63  }
0xd3: {  	_ =	swait.ge [sflag:s16], $0x4000  }
0xd4: {  	[sflag:s16] =	ssyncset.done $0x0  }
0xd5: {  	[sflag:s16] =	ssyncadd.s32 $0xFFFFC000  }
0xd6: {  	v4 =	vld [tilespmem:$0x80];
	_ =	sdelay $0x4  }
0xd7: {  	v5 =	vshll.u32 v4, $0x3  }
0xd8: {  	v4 =	vand.u32 $0x7F, v4;
	v5 =	vand.u32 $0xFFFFFC00, v5  }
0xd9: {  	v4 =	vor.u32 v4, v5  }
0xda: {  	v4 =	vadd.s32 v2, v4;
	_ =	sdelay $0x4  }
0xdb: {  	[tilespmem:v4+s19+$0x0] =	vst.idx.add.f32.msk $0xffff, v3  }
0xdc: {  	v4 =	vld [tilespmem:$0x90];
	_ =	sdelay $0x4  }
0xdd: {  	v5 =	vshll.u32 v4, $0x3  }
0xde: {  	v4 =	vand.u32 $0x7F, v4;
	v5 =	vand.u32 $0xFFFFFC00, v5  }
0xdf: {  	v4 =	vor.u32 v4, v5  }
0xe0: {  	v4 =	vadd.s32 v2, v4;
	_ =	sdelay $0x4  }
0xe1: {  	[tilespmem:v4+s19+$0x0] =	vst.idx.add.f32.msk $0xffff, v3  }
0xe2: {  	v4 =	vld [tilespmem:$0xA0];
	_ =	sdelay $0x4  }
0xe3: {  	v5 =	vshll.u32 v4, $0x3  }
0xe4: {  	v4 =	vand.u32 $0x7F, v4;
	v5 =	vand.u32 $0xFFFFFC00, v5  }
0xe5: {  	v4 =	vor.u32 v4, v5  }
0xe6: {  	v4 =	vadd.s32 v2, v4;
	_ =	sdelay $0x4  }
0xe7: {  	[tilespmem:v4+s19+$0x0] =	vst.idx.add.f32.msk $0xffff, v3  }
0xe8: {  	v4 =	vld [tilespmem:$0xB0];
	_ =	sdelay $0x4  }
0xe9: {  	v5 =	vshll.u32 v4, $0x3  }
0xea: {  	v4 =	vand.u32 $0x7F, v4;
	v5 =	vand.u32 $0xFFFFFC00, v5  }
0xeb: {  	v4 =	vor.u32 v4, v5  }
0xec: {  	v4 =	vadd.s32 v2, v4;
	_ =	sdelay $0x4  }
0xed: {  	[tilespmem:v4+s19+$0x0] =	vst.idx.add.f32.msk $0xffff, v3  }
0xee: {  	v4 =	vld [tilespmem:$0xC0];
	_ =	sdelay $0x4  }
0xef: {  	v5 =	vshll.u32 v4, $0x3  }
0xf0: {  	v4 =	vand.u32 $0x7F, v4;
	v5 =	vand.u32 $0xFFFFFC00, v5  }
0xf1: {  	v4 =	vor.u32 v4, v5  }
0xf2: {  	v4 =	vadd.s32 v2, v4;
	_ =	sdelay $0x4  }
0xf3: {  	[tilespmem:v4+s19+$0x0] =	vst.idx.add.f32.msk $0xffff, v3  }
0xf4: {  	v4 =	vld [tilespmem:$0xD0];
	_ =	sdelay $0x4  }
0xf5: {  	v5 =	vshll.u32 v4, $0x3  }
0xf6: {  	v4 =	vand.u32 $0x7F, v4;
	v5 =	vand.u32 $0xFFFFFC00, v5  }
0xf7: {  	v4 =	vor.u32 v4, v5  }
0xf8: {  	v4 =	vadd.s32 v2, v4;
	_ =	sdelay $0x4  }
0xf9: {  	[tilespmem:v4+s19+$0x0] =	vst.idx.add.f32.msk $0xffff, v3  }
0xfa: {  	v4 =	vld [tilespmem:$0xE0];
	_ =	sdelay $0x4  }
0xfb: {  	v5 =	vshll.u32 v4, $0x3  }
0xfc: {  	v4 =	vand.u32 $0x7F, v4;
	v5 =	vand.u32 $0xFFFFFC00, v5  }
0xfd: {  	v4 =	vor.u32 v4, v5  }
0xfe: {  	v4 =	vadd.s32 v2, v4;
	_ =	sdelay $0x4  }
0xff: {  	[tilespmem:v4+s19+$0x0] =	vst.idx.add.f32.msk $0xffff, v3  }
0x100: {  	v4 =	vld [tilespmem:$0xF0];
	_ =	sdelay $0x4  }
0x101: {  	v5 =	vshll.u32 v4, $0x3  }
0x102: {  	v4 =	vand.u32 $0x7F, v4;
	v5 =	vand.u32 $0xFFFFFC00, v5  }
0x103: {  	v4 =	vor.u32 v4, v5  }
0x104: {  	v4 =	vadd.s32 v2, v4  }
.Ltmp4:
0x105: {  	_ = 	snop;
	(pc) =	sbr.rel @p1 .LBB2_8-.Ltmp4, $2  }
0x106: {  	_ =	sdelay $0x2  }
0x107: {  	[tilespmem:v4+s19+$0x0] =	vst.idx.add.f32.msk $0xffff, v3  }
0x108: {  	_ =	swait.ge [sflag:s20], $0x4000  }
0x109: {  	[sflag:s20] =	ssyncset.done $0x0  }
0x10a: {  	[sflag:s20] =	ssyncadd.s32 $0xFFFFC000  }
0x10b: {  	[spmem:s3] =	stream.indirect.scatter.add.f32 [tilespmem:s22], [sflag:$0x3], $0x80, s21, s17, $0xb8;
	[tilespmem:$0x14B00] =	vst v63  }
0x10c: {  	_ =	swait.ge [sflag:s16], $0x4000  }
0x10d: {  	[sflag:s16] =	ssyncset.done $0x0  }
0x10e: {  	[sflag:s16] =	ssyncadd.s32 $0xFFFFC000  }
0x10f: {  	v4 =	vld [tilespmem:$0x4180];
	_ =	sdelay $0x4  }
0x110: {  	v5 =	vshll.u32 v4, $0x3  }
0x111: {  	v4 =	vand.u32 $0x7F, v4;
	v5 =	vand.u32 $0xFFFFFC00, v5  }
0x112: {  	v4 =	vor.u32 v4, v5  }
0x113: {  	v4 =	vadd.s32 v2, v4;
	_ =	sdelay $0x4  }
0x114: {  	[tilespmem:v4+s19+$0x0] =	vst.idx.add.f32.msk $0xffff, v3  }
0x115: {  	v4 =	vld [tilespmem:$0x4190];
	_ =	sdelay $0x4  }
0x116: {  	v5 =	vshll.u32 v4, $0x3  }
0x117: {  	v4 =	vand.u32 $0x7F, v4;
	v5 =	vand.u32 $0xFFFFFC00, v5  }
0x118: {  	v4 =	vor.u32 v4, v5  }
0x119: {  	v4 =	vadd.s32 v2, v4;
	_ =	sdelay $0x4  }
0x11a: {  	[tilespmem:v4+s19+$0x0] =	vst.idx.add.f32.msk $0xffff, v3  }
0x11b: {  	v4 =	vld [tilespmem:$0x41A0];
	_ =	sdelay $0x4  }
0x11c: {  	v5 =	vshll.u32 v4, $0x3  }
0x11d: {  	v4 =	vand.u32 $0x7F, v4;
	v5 =	vand.u32 $0xFFFFFC00, v5  }
0x11e: {  	v4 =	vor.u32 v4, v5  }
0x11f: {  	v4 =	vadd.s32 v2, v4;
	_ =	sdelay $0x4  }
0x120: {  	[tilespmem:v4+s19+$0x0] =	vst.idx.add.f32.msk $0xffff, v3  }
0x121: {  	v4 =	vld [tilespmem:$0x41B0];
	_ =	sdelay $0x4  }
0x122: {  	v5 =	vshll.u32 v4, $0x3  }
0x123: {  	v4 =	vand.u32 $0x7F, v4;
	v5 =	vand.u32 $0xFFFFFC00, v5  }
0x124: {  	v4 =	vor.u32 v4, v5  }
0x125: {  	v4 =	vadd.s32 v2, v4;
	_ =	sdelay $0x4  }
0x126: {  	[tilespmem:v4+s19+$0x0] =	vst.idx.add.f32.msk $0xffff, v3  }
0x127: {  	v4 =	vld [tilespmem:$0x41C0];
	_ =	sdelay $0x4  }
0x128: {  	v5 =	vshll.u32 v4, $0x3  }
0x129: {  	v4 =	vand.u32 $0x7F, v4;
	v5 =	vand.u32 $0xFFFFFC00, v5  }
0x12a: {  	v4 =	vor.u32 v4, v5  }
0x12b: {  	v4 =	vadd.s32 v2, v4;
	_ =	sdelay $0x4  }
0x12c: {  	[tilespmem:v4+s19+$0x0] =	vst.idx.add.f32.msk $0xffff, v3  }
0x12d: {  	v4 =	vld [tilespmem:$0x41D0];
	_ =	sdelay $0x4  }
0x12e: {  	v5 =	vshll.u32 v4, $0x3  }
0x12f: {  	v4 =	vand.u32 $0x7F, v4;
	v5 =	vand.u32 $0xFFFFFC00, v5  }
0x130: {  	v4 =	vor.u32 v4, v5  }
0x131: {  	v4 =	vadd.s32 v2, v4;
	_ =	sdelay $0x4  }
0x132: {  	[tilespmem:v4+s19+$0x0] =	vst.idx.add.f32.msk $0xffff, v3  }
0x133: {  	v4 =	vld [tilespmem:$0x41E0];
	_ =	sdelay $0x4  }
0x134: {  	v5 =	vshll.u32 v4, $0x3  }
0x135: {  	v4 =	vand.u32 $0x7F, v4;
	v5 =	vand.u32 $0xFFFFFC00, v5  }
0x136: {  	v4 =	vor.u32 v4, v5  }
0x137: {  	v4 =	vadd.s32 v2, v4;
	_ =	sdelay $0x4  }
0x138: {  	[tilespmem:v4+s19+$0x0] =	vst.idx.add.f32.msk $0xffff, v3  }
0x139: {  	v4 =	vld [tilespmem:$0x41F0];
	_ =	sdelay $0x4  }
0x13a: {  	v5 =	vshll.u32 v4, $0x3  }
0x13b: {  	v4 =	vand.u32 $0x7F, v4;
	v5 =	vand.u32 $0xFFFFFC00, v5  }
0x13c: {  	v4 =	vor.u32 v4, v5  }
0x13d: {  	v4 =	vadd.s32 v2, v4  }
.Ltmp5:
0x13e: {  	_ = 	snop;
	(pc) =	sbr.rel .LBB2_8-.Ltmp5, $2  }
0x13f: {  	_ =	sdelay $0x2  }
0x140: {  	[tilespmem:v4+s19+$0x0] =	vst.idx.add.f32.msk $0xffff, v3  }
.LBB2_9:
0x141: {  	s28 =	simm.s32 $0x0  }
0x142: {  	s4 =	sand.u32 $0x70, s28;
	s23 =	sand.u32 $0x3C00, s28  }
0x143: {  	s4 =	sor.u32 s4, s23  }
0x144: {  	v4 =	vld [tilespmem:s4+$0x8280]  }
0x145: {  	v5 =	vld [tilespmem:s4+$0x8200];
	_ =	sdelay $0x1  }
0x146: {  	v6 =	vld [tilespmem:s4+$0x8300];
	_ =	sdelay $0x1  }
0x147: {  	v7 =	vld [tilespmem:s4+$0x8380]  }
0x148: {  	v4 =	vadd.f32 v4, v5  }
0x149: {  	v5 =	vld [tilespmem:s4+$0x8400]  }
0x14a: {  	v4 =	vadd.f32 v6, v4  }
0x14b: {  	s25 =	sand.u32 $0x7, s28;
	v56 =	vld [tilespmem:s4+$0x8480]  }
0x14c: {  	s23 =	sshll.u32 s25, $0x4;
	v4 =	vadd.f32 v7, v4  }
0x14d: {  	s23 =	sadd.s32 $0x0, s23;
	v57 =	vld [tilespmem:s4+$0x8500]  }
0x14e: {  	s23 =	sor.u32 $0x380, s23;
	v4 =	vadd.f32 v5, v4  }
0x14f: {  	v5 =	vld [tilespmem:s23+$0x8200]  }
0x150: {  	v4 =	vadd.f32 v56, v4  }
0x151: {  	v58 =	vld [tilespmem:s4+$0xC200]  }
0x152: {  	v4 =	vadd.f32 v57, v4  }
0x153: {  	v59 =	vld [tilespmem:s4+$0xC280]  }
0x154: {  	v4 =	vadd.f32 v5, v4  }
0x155: {  	v5 =	vld [tilespmem:s4+$0xC300]  }
0x156: {  	v4 =	vadd.f32 v58, v4  }
0x157: {  	v60 =	vld [tilespmem:s4+$0xC380]  }
0x158: {  	v4 =	vadd.f32 v59, v4  }
0x159: {  	v61 =	vld [tilespmem:s4+$0xC400]  }
0x15a: {  	v4 =	vadd.f32 v5, v4  }
0x15b: {  	v5 =	vld [tilespmem:s4+$0xC480]  }
0x15c: {  	v4 =	vadd.f32 v60, v4  }
0x15d: {  	v62 =	vld [tilespmem:s4+$0xC500]  }
0x15e: {  	v4 =	vadd.f32 v61, v4  }
0x15f: {  	v63 =	vld [tilespmem:s4+$0xC580]  }
0x160: {  	v4 =	vadd.f32 v5, v4;
	_ =	sdelay $0x1  }
0x161: {  	v4 =	vadd.f32 v62, v4;
	_ =	sdelay $0x1  }
0x162: {  	s29 =	simm.s32 $0x10;
	s30 =	simm.s32 $0x80;
	v4 =	vadd.f32 v63, v4  }
0x163: {  	s24 =	sand.u32 $0x7F0, s28;
	s25 =	sand.u32 $0x3C00, s30;
	s23 =	sand.u32 $0x70, s29  }
0x164: {  	s31 =	simm.s32 $0x20;
	s4 =	sor.u32 s23, s25;
	[tilespmem:s24+$0x10200] =	vst v4  }
.LBB2_10:
0x165: {  	p1 =	sne.s32 s31, $0x7F0;
	v4 =	vld [tilespmem:s4+$0x8280]  }
0x166: {  	v5 =	vld [tilespmem:s4+$0x8200];
	_ =	sdelay $0x1  }
0x167: {  	v6 =	vld [tilespmem:s4+$0x8300];
	_ =	sdelay $0x1  }
0x168: {  	v7 =	vld [tilespmem:s4+$0x8380]  }
0x169: {  	v4 =	vadd.f32 v4, v5  }
0x16a: {  	v5 =	vld [tilespmem:s4+$0x8400]  }
0x16b: {  	s28 =	sadd.s32 $0x1, s28;
	v4 =	vadd.f32 v6, v4  }
0x16c: {  	s23 =	sand.u32 $0x7, s28;
	v6 =	vld [tilespmem:s4+$0x8480]  }
0x16d: {  	s23 =	sshll.u32 s23, $0x4;
	v4 =	vadd.f32 v7, v4  }
0x16e: {  	s23 =	sadd.s32 s23, s30;
	v7 =	vld [tilespmem:s4+$0x8500]  }
0x16f: {  	s23 =	sor.u32 $0x380, s23;
	v4 =	vadd.f32 v5, v4  }
0x170: {  	v5 =	vld [tilespmem:s23+$0x8200]  }
0x171: {  	v4 =	vadd.f32 v6, v4  }
0x172: {  	v6 =	vld [tilespmem:s4+$0xC200]  }
0x173: {  	v4 =	vadd.f32 v7, v4  }
0x174: {  	v7 =	vld [tilespmem:s4+$0xC280]  }
0x175: {  	v4 =	vadd.f32 v5, v4  }
0x176: {  	v5 =	vld [tilespmem:s4+$0xC300]  }
0x177: {  	v4 =	vadd.f32 v6, v4  }
0x178: {  	v6 =	vld [tilespmem:s4+$0xC380]  }
0x179: {  	v4 =	vadd.f32 v7, v4  }
0x17a: {  	v7 =	vld [tilespmem:s4+$0xC400]  }
0x17b: {  	v4 =	vadd.f32 v5, v4  }
0x17c: {  	v5 =	vld [tilespmem:s4+$0xC480]  }
0x17d: {  	v4 =	vadd.f32 v6, v4  }
0x17e: {  	v6 =	vld [tilespmem:s4+$0xC500]  }
0x17f: {  	v4 =	vadd.f32 v7, v4  }
0x180: {  	v7 =	vld [tilespmem:s4+$0xC580]  }
0x181: {  	v4 =	vadd.f32 v5, v4;
	_ =	sdelay $0x1  }
.Ltmp6:
0x182: {  	v4 =	vadd.f32 v6, v4;
	(pc) =	sbr.rel @p1 .LBB2_10-.Ltmp6, $4  }
0x183: {  	_ = 	snop  }
0x184: {  	s30 =	sadd.s32 $0x80, s30;
	v4 =	vadd.f32 v7, v4  }
0x185: {  	s24 =	sand.u32 $0x7F0, s29;
	s23 =	sand.u32 $0x3C00, s30;
	s4 =	sand.u32 $0x70, s31  }
0x186: {  	s29 =	smov.u32 s31;
	s31 =	sadd.s32 $0x10, s31;
	s4 =	sor.u32 s4, s23;
	[tilespmem:s24+$0x10200] =	vst v4  }
0x187: {  	v4 =	vld [tilespmem:s4+$0x8280]  }
0x188: {  	v5 =	vld [tilespmem:s4+$0x8200];
	_ =	sdelay $0x1  }
0x189: {  	v6 =	vld [tilespmem:s4+$0x8300];
	_ =	sdelay $0x1  }
0x18a: {  	v7 =	vld [tilespmem:s4+$0x8380]  }
0x18b: {  	v4 =	vadd.f32 v4, v5  }
0x18c: {  	v5 =	vld [tilespmem:s4+$0x8400]  }
0x18d: {  	s23 =	sadd.s32 $0x1, s28;
	v4 =	vadd.f32 v6, v4  }
0x18e: {  	v56 =	vld [tilespmem:s4+$0x8480];
	s23 =	sand.u32 $0x7, s23  }
0x18f: {  	s23 =	sshll.u32 s23, $0x4;
	v4 =	vadd.f32 v7, v4  }
0x190: {  	v57 =	vld [tilespmem:s4+$0x8500];
	s23 =	sadd.s32 s23, s30  }
0x191: {  	s23 =	sor.u32 $0x380, s23;
	v4 =	vadd.f32 v5, v4  }
0x192: {  	v5 =	vld [tilespmem:s23+$0x8200]  }
0x193: {  	v4 =	vadd.f32 v56, v4  }
0x194: {  	v58 =	vld [tilespmem:s4+$0xC200]  }
0x195: {  	v4 =	vadd.f32 v57, v4  }
0x196: {  	v59 =	vld [tilespmem:s4+$0xC280]  }
0x197: {  	v4 =	vadd.f32 v5, v4  }
0x198: {  	v5 =	vld [tilespmem:s4+$0xC300]  }
0x199: {  	v4 =	vadd.f32 v58, v4  }
0x19a: {  	v60 =	vld [tilespmem:s4+$0xC380]  }
0x19b: {  	v4 =	vadd.f32 v59, v4  }
0x19c: {  	v61 =	vld [tilespmem:s4+$0xC400]  }
0x19d: {  	v4 =	vadd.f32 v5, v4  }
0x19e: {  	v5 =	vld [tilespmem:s4+$0xC480]  }
0x19f: {  	v4 =	vadd.f32 v60, v4  }
0x1a0: {  	v62 =	vld [tilespmem:s4+$0xC500]  }
0x1a1: {  	v4 =	vadd.f32 v61, v4  }
0x1a2: {  	v63 =	vld [tilespmem:s4+$0xC580]  }
0x1a3: {  	v4 =	vadd.f32 v5, v4;
	_ =	sdelay $0x1  }
0x1a4: {  	v4 =	vadd.f32 v62, v4;
	_ =	sdelay $0x1  }
0x1a5: {  	v4 =	vadd.f32 v63, v4  }
0x1a6: {  	s25 =	sand.u32 $0x7F0, s29  }
0x1a7: {  	s28 =	simm.s32 $0x10;
	s29 =	simm.s32 $0x10A00;
	s24 =	simm.s32 $0x10200;
	[tilespmem:s25+$0x10200] =	vst v4  }
0x1a8: {  	[spmem:s5] =	stream.indirect.scatter.add.f32 [tilespmem:s24], [sflag:$0x3], $0x80, s29, s28, $0xb8;
	[tilespmem:$0x14B00] =	vst v63  }
0x1a9: {  	_ =	swait.ge [sflag:s16], $0x800  }
0x1aa: {  	[sflag:s16] =	ssyncset.done $0x0  }
0x1ab: {  	s30 =	sshll.u32 s7, $0x6;
	[sflag:s16] =	ssyncadd.s32 $0xFFFFF800  }
0x1ac: {  	s31 =	sshrl.u32 s8, $0x3;
	s4 =	sor.u32 $0x1C03, s30;
	[bflag:$0x0] =	sbarrier.arrive $0xFFFF  }
0x1ad: {  	[hbm:s9], [sflag:s4] =	dma.local [spmem:s31], $0x800  }
0x1ae: {  	_ =	swait.ge [sflag:s16], $0x800  }
0x1af: {  	s26 =	sadd.s32 $0x1, s26;
	[sflag:s16] =	ssyncset.done $0x0  }
0x1b0: {  	p1 =	sne.s32 s26, s11;
	s23 =	sshrl.u32 @!p0 s5, $0x3;
	[sflag:s16] =	ssyncadd.s32 $0xFFFFF800  }
0x1b1: {  	[hbm:s10], [sflag:s4] =	dma.local @!p0 [spmem:s23], $0x100  }
.Ltmp7:
0x1b2: {  	_ = 	snop;
	(pc) =	sbr.rel @p1 .LBB2_1-.Ltmp7, $4  }
0x1b3: {  	s4 =	simm.s32 @!p0 $0x3  }
0x1b4: {  	_ =	swait.ge @!p0 [sflag:s4], $0x100  }
0x1b5: {  	[sflag:s4] =	ssyncset.done @!p0 $0x0  }
0x1b6: {  	[sflag:s4] =	ssyncadd.s32 @!p0 $0xFFFFFF00  }
0x1b7: {  	_ =	sfence.sel $0x180000  }
0x1b8: {  	[bflag:$0x0] =	sbarrier.arrive $0xFFFF  }
0x1b9: {  	_ =	strace $0x90000047  }
0x1ba: {  	[bflag:$0x2] =	sbarrier.arrive $0xFFFF  }
0x1bb: {  	s0 =	rddreg [dreg:$0x7]  }
0x1bc: {  	s0 =	sadd.s32 @!p0 $0x100000, s0  }
0x1bd: {  	[sflag:s0] =	ssyncadd.tile.s32 @!p0 $0x1;
	_ =	shalt  }
.Lfunc_end2:
_tile_overlayer_lowered:
.L_overlay_start_2:
0x1be: {  	(tag) =	ssettag $0x2  }
0x1bf: {  	s0 =	rddreg [dreg:$0x0];
	s2 =	stileid.u32  }
0x1c0: {  	s1 =	rddreg [dreg:$0x1];
	p0 =	sne.s32 s2, $0x0  }
0x1c1: {  	s3 =	rddreg [dreg:$0x2];
	[bflag:$0x3] =	sbarrier.arrive $0xFFFF;
	s2 =	simm.s32 @!p0 $0x1C03  }
0x1c2: {  	[timem:s3], [sflag:s2] =	dma.local @!p0 [hbm:s0], s1  }
0x1c3: {  	s0 =	simm.s32 @!p0 $0x3  }
0x1c4: {  	_ =	swait.ge @!p0 [sflag:s0], s1  }
0x1c5: {  	s1 =	ssub.s32 @!p0 $0x0, s1;
	[sflag:s0] =	ssyncset.done @!p0 $0x0  }
0x1c6: {  	[sflag:s0] =	ssyncadd.s32 @!p0 s1  }
0x1c7: {  	[bflag:$0x3] =	sbarrier.arrive $0xFFFF  }
0x1c8: {  	_ =	shalt  }

</sc_bundles>
